<compile_context>
chip_gen: v7x
topology: tpu7x:2x2x1
jax: 0.10.2.dev20260603
libtpu: 0.0.44.dev20260713+nightly
codegen_flags: <defaults>
</compile_context>

<pallas_src>
import functools

import jax
import jax.numpy as jnp
from jax import lax
from jax.experimental import pallas as pl
from jax.experimental.pallas import tpu as pltpu
from jax.experimental.pallas import tpu_sc as plsc

_NC = 2
_NS = 16
_NW = _NC * _NS
_L = 16

_CHUNK = 320


def _make_sc_onehot(B, D):
    assert B % (_NW * _CHUNK) == 0 and D % _L == 0
    b_per_w = B // _NW
    n_chunks = b_per_w // _CHUNK
    assert n_chunks % 2 == 0 and n_chunks >= 4
    groups = _CHUNK // _L
    mesh = plsc.VectorSubcoreMesh(core_axis_name="c", subcore_axis_name="s")

    @functools.partial(
        pl.kernel,
        out_type=jax.ShapeDtypeStruct((B * D,), jnp.float32),
        mesh=mesh,
        scratch_types=[
            pltpu.VMEM((b_per_w,), jnp.int32),
            pltpu.VMEM((_CHUNK * D,), jnp.float32),
            pltpu.VMEM((_CHUNK * D,), jnp.float32),
            pltpu.SemaphoreType.DMA,
            pltpu.SemaphoreType.DMA,
        ],
        compiler_params=pltpu.CompilerParams(
            needs_layout_passes=False,
            disable_bounds_checks=True,
            disable_semaphore_checks=True,
        ),
    )
    def sc_onehot(idx_hbm, out_hbm, toks_v, rows0, rows1, sem0, sem1):
        wid = lax.axis_index("s") * _NC + lax.axis_index("c")
        base = wid * b_per_w
        idx_dma = pltpu.async_copy(idx_hbm.at[pl.ds(base, b_per_w)], toks_v, sem0)

        lane = lax.iota(jnp.int32, _L)
        ones = jnp.ones((_L,), jnp.float32)
        zeros = jnp.zeros((_L,), jnp.float32)
        bufs = (rows0, rows1)
        sems = (sem0, sem1)

        _UNROLL = 16

        def zero_buf(b):
            def zero_body(r, c):
                for u in range(_UNROLL):
                    bufs[b][pl.ds((r * _UNROLL + u) * _L, _L)] = zeros
                return c

            lax.fori_loop(0, _CHUNK * D // (_L * _UNROLL), zero_body, 0)

        def scatter_vals(buf, chunk, vals):
            for g in range(groups):
                tok = toks_v[pl.ds(chunk * _CHUNK + g * _L, _L)]
                pos = (lane + (g * _L)) * D + tok - 1
                plsc.store_scatter(buf, [pos], vals, mask=tok >= 1)

        def fire(b, chunk):
            pltpu.async_copy(
                bufs[b],
                out_hbm.at[pl.ds((base + chunk * _CHUNK) * D, _CHUNK * D)],
                sems[b],
            )

        def drain(b, chunk):
            pltpu.make_async_copy(
                bufs[b],
                out_hbm.at[pl.ds((base + chunk * _CHUNK) * D, _CHUNK * D)],
                sems[b],
            ).wait()

        zero_buf(0)
        zero_buf(1)
        idx_dma.wait()
        for b in range(2):
            scatter_vals(bufs[b], b, ones)
            fire(b, b)

        def pair_body(j, c):
            for b in range(2):
                chunk = 2 * j + b
                drain(b, chunk - 2)
                scatter_vals(bufs[b], chunk - 2, zeros)
                scatter_vals(bufs[b], chunk, ones)
                fire(b, chunk)
            return c

        lax.fori_loop(1, n_chunks // 2, pair_body, 0)

        for b in range(2):
            drain(b, n_chunks - 2 + b)

    return sc_onehot


def kernel(token_indices, token_embeddings):
    B0, B1 = token_indices.shape
    _, D = token_embeddings.shape
    flat_idx = token_indices.reshape(-1)
    out = _make_sc_onehot(B0 * B1, D)(flat_idx)
    return out.reshape(B0, B1, D)

# --- scband reference (transcript-rebuilt; emitter-appended) ---
"""Pipeline reference for scband-one-hot-token-index-embedding-33801392619612 (READ-ONLY COPY).

The authoritative reference and input builder live on the scoring server;
editing this copy changes nothing except your own understanding.
"""

import jax, jax.numpy as jnp
import numpy as np

NUM_TOKENS = 129  # len(token_index) enum


def _build_table():
    num_excl_null = NUM_TOKENS - 1
    null_embedding = jnp.zeros((1, num_excl_null), dtype=jnp.float32)
    non_null = jnp.eye(num_excl_null, dtype=jnp.float32)
    return jnp.concatenate([null_embedding, non_null], axis=0)  # [129, 128]


def setup_inputs(seed: int = 0) -> dict:
    key = jax.random.key(seed)
    token_indices = jax.random.randint(key, (4096, 200), 0, NUM_TOKENS, dtype=jnp.int32)
    token_embeddings = _build_table()
    return {"token_indices": token_indices, "token_embeddings": token_embeddings}


def reference(token_indices, token_embeddings):
    # faithful translation of: self._token_embeddings[token_indices]
    return jnp.take(token_embeddings, token_indices, axis=0)  # [4096, 200, 128]

if __name__ == "__main__":
    import jax
    _d = setup_inputs()
    print(jax.jit(kernel)(*tuple(_d.values())))

</pallas_src>

<mosaic_0001>
#map = affine_map<(d0, d1) -> (0)>
module attributes {stable_mosaic.version = 14 : i64} {
  func.func @sc_onehot(%arg0: i32, %arg1: i32, %arg2: memref<819200xi32, #tpu.memory_space<hbm>>, %arg3: memref<104857600xf32, #tpu.memory_space<hbm>>, %arg4: memref<25600xi32, #tpu.memory_space<vmem>>, %arg5: memref<40960xf32, #tpu.memory_space<vmem>>, %arg6: memref<40960xf32, #tpu.memory_space<vmem>>, %arg7: memref<!tpu.dma_semaphore, #tpu.memory_space<semaphore_mem>>, %arg8: memref<!tpu.dma_semaphore, #tpu.memory_space<semaphore_mem>>) attributes {dimension_semantics = [#tpu.dimension_semantics<core_parallel>, #tpu.dimension_semantics<subcore_parallel>], iteration_bounds = array<i64: 2, 16>, scalar_prefetch = 0 : i64, scratch_operands = 5 : i64, tpu.core_type = #tpu.core_type<sc_vector_subcore>, window_params = [{transform_indices = #map}, {transform_indices = #map}]} {
    %mul3A = arith.constant 2 : i32
    %mul3A_0 = arith.muli %arg1, %mul3A : i32
    %add3A = arith.addi %mul3A_0, %arg0 : i32
    %mul3A_1 = arith.constant 25600 : i32
    %mul3A_2 = arith.muli %add3A, %mul3A_1 : i32
    %dma_start3A = tpu.memref_slice %arg2[%mul3A_2] : memref<819200xi32, #tpu.memory_space<hbm>> -> memref<25600xi32, #tpu.memory_space<hbm>>
    %dma_start3A_3 = tpu.memref_slice %arg2[%mul3A_2] : memref<819200xi32, #tpu.memory_space<hbm>> -> memref<25600xi32, #tpu.memory_space<hbm>>
    tpu.enqueue_dma source(%dma_start3A_3 : memref<25600xi32, #tpu.memory_space<hbm>>) target(%arg4 : memref<25600xi32, #tpu.memory_space<vmem>>) target_semaphore(%arg7 : memref<!tpu.dma_semaphore, #tpu.memory_space<semaphore_mem>>)
    %iota3A = tpu.iota {dimensions = array<i32: 0>} : vector<16xi32>
    %broadcast_in_dim3A = arith.constant 1.000000e+00 : f32
    %broadcast_in_dim3A_4 = vector.broadcast %broadcast_in_dim3A : f32 to vector<16xf32>
    %broadcast_in_dim3A_5 = arith.constant 0.000000e+00 : f32
    %broadcast_in_dim3A_6 = vector.broadcast %broadcast_in_dim3A_5 : f32 to vector<16xf32>
    %scan3A = arith.constant 0 : i32
    %scan3A_7 = arith.constant 0 : i32
    %scan3A_8 = arith.constant 160 : i32
    %scan3A_9 = arith.addi %scan3A_7, %scan3A_8 : i32
    %scan3A_10 = arith.constant 1 : i32
    scf.for %scan3A_646 = %scan3A_7 to %scan3A_9 step %scan3A_10  : i32 {
      %mul3A_647 = arith.constant 16 : i32
      %mul3A_648 = arith.muli %scan3A_646, %mul3A_647 : i32
      %add3A_649 = arith.constant 0 : i32
      %add3A_650 = arith.addi %mul3A_648, %add3A_649 : i32
      %mul3A_651 = arith.constant 16 : i32
      %mul3A_652 = arith.muli %add3A_650, %mul3A_651 : i32
      %swap3A = arith.index_cast %mul3A_652 : i32 to index
      %swap3A_653 = tpu.vector_load %arg5[%swap3A] {strides = array<i32>} : memref<40960xf32, #tpu.memory_space<vmem>>, vector<16xf32>,
      tpu.vector_store %arg5[%swap3A], %broadcast_in_dim3A_6 {strides = array<i32>} : memref<40960xf32, #tpu.memory_space<vmem>>, vector<16xf32>,
      %mul3A_654 = arith.constant 16 : i32
      %mul3A_655 = arith.muli %scan3A_646, %mul3A_654 : i32
      %add3A_656 = arith.constant 1 : i32
      %add3A_657 = arith.addi %mul3A_655, %add3A_656 : i32
      %mul3A_658 = arith.constant 16 : i32
      %mul3A_659 = arith.muli %add3A_657, %mul3A_658 : i32
      %swap3A_660 = arith.index_cast %mul3A_659 : i32 to index
      %swap3A_661 = tpu.vector_load %arg5[%swap3A_660] {strides = array<i32>} : memref<40960xf32, #tpu.memory_space<vmem>>, vector<16xf32>,
      tpu.vector_store %arg5[%swap3A_660], %broadcast_in_dim3A_6 {strides = array<i32>} : memref<40960xf32, #tpu.memory_space<vmem>>, vector<16xf32>,
      %mul3A_662 = arith.constant 16 : i32
      %mul3A_663 = arith.muli %scan3A_646, %mul3A_662 : i32
      %add3A_664 = arith.constant 2 : i32
      %add3A_665 = arith.addi %mul3A_663, %add3A_664 : i32
      %mul3A_666 = arith.constant 16 : i32
      %mul3A_667 = arith.muli %add3A_665, %mul3A_666 : i32
      %swap3A_668 = arith.index_cast %mul3A_667 : i32 to index
      %swap3A_669 = tpu.vector_load %arg5[%swap3A_668] {strides = array<i32>} : memref<40960xf32, #tpu.memory_space<vmem>>, vector<16xf32>,
      tpu.vector_store %arg5[%swap3A_668], %broadcast_in_dim3A_6 {strides = array<i32>} : memref<40960xf32, #tpu.memory_space<vmem>>, vector<16xf32>,
      %mul3A_670 = arith.constant 16 : i32
      %mul3A_671 = arith.muli %scan3A_646, %mul3A_670 : i32
      %add3A_672 = arith.constant 3 : i32
      %add3A_673 = arith.addi %mul3A_671, %add3A_672 : i32
      %mul3A_674 = arith.constant 16 : i32
      %mul3A_675 = arith.muli %add3A_673, %mul3A_674 : i32
      %swap3A_676 = arith.index_cast %mul3A_675 : i32 to index
      %swap3A_677 = tpu.vector_load %arg5[%swap3A_676] {strides = array<i32>} : memref<40960xf32, #tpu.memory_space<vmem>>, vector<16xf32>,
      tpu.vector_store %arg5[%swap3A_676], %broadcast_in_dim3A_6 {strides = array<i32>} : memref<40960xf32, #tpu.memory_space<vmem>>, vector<16xf32>,
      %mul3A_678 = arith.constant 16 : i32
      %mul3A_679 = arith.muli %scan3A_646, %mul3A_678 : i32
      %add3A_680 = arith.constant 4 : i32
      %add3A_681 = arith.addi %mul3A_679, %add3A_680 : i32
      %mul3A_682 = arith.constant 16 : i32
      %mul3A_683 = arith.muli %add3A_681, %mul3A_682 : i32
      %swap3A_684 = arith.index_cast %mul3A_683 : i32 to index
      %swap3A_685 = tpu.vector_load %arg5[%swap3A_684] {strides = array<i32>} : memref<40960xf32, #tpu.memory_space<vmem>>, vector<16xf32>,
      tpu.vector_store %arg5[%swap3A_684], %broadcast_in_dim3A_6 {strides = array<i32>} : memref<40960xf32, #tpu.memory_space<vmem>>, vector<16xf32>,
      %mul3A_686 = arith.constant 16 : i32
      %mul3A_687 = arith.muli %scan3A_646, %mul3A_686 : i32
      %add3A_688 = arith.constant 5 : i32
      %add3A_689 = arith.addi %mul3A_687, %add3A_688 : i32
      %mul3A_690 = arith.constant 16 : i32
      %mul3A_691 = arith.muli %add3A_689, %mul3A_690 : i32
      %swap3A_692 = arith.index_cast %mul3A_691 : i32 to index
      %swap3A_693 = tpu.vector_load %arg5[%swap3A_692] {strides = array<i32>} : memref<40960xf32, #tpu.memory_space<vmem>>, vector<16xf32>,
      tpu.vector_store %arg5[%swap3A_692], %broadcast_in_dim3A_6 {strides = array<i32>} : memref<40960xf32, #tpu.memory_space<vmem>>, vector<16xf32>,
      %mul3A_694 = arith.constant 16 : i32
      %mul3A_695 = arith.muli %scan3A_646, %mul3A_694 : i32
      %add3A_696 = arith.constant 6 : i32
      %add3A_697 = arith.addi %mul3A_695, %add3A_696 : i32
      %mul3A_698 = arith.constant 16 : i32
      %mul3A_699 = arith.muli %add3A_697, %mul3A_698 : i32
      %swap3A_700 = arith.index_cast %mul3A_699 : i32 to index
      %swap3A_701 = tpu.vector_load %arg5[%swap3A_700] {strides = array<i32>} : memref<40960xf32, #tpu.memory_space<vmem>>, vector<16xf32>,
      tpu.vector_store %arg5[%swap3A_700], %broadcast_in_dim3A_6 {strides = array<i32>} : memref<40960xf32, #tpu.memory_space<vmem>>, vector<16xf32>,
      %mul3A_702 = arith.constant 16 : i32
      %mul3A_703 = arith.muli %scan3A_646, %mul3A_702 : i32
      %add3A_704 = arith.constant 7 : i32
      %add3A_705 = arith.addi %mul3A_703, %add3A_704 : i32
      %mul3A_706 = arith.constant 16 : i32
      %mul3A_707 = arith.muli %add3A_705, %mul3A_706 : i32
      %swap3A_708 = arith.index_cast %mul3A_707 : i32 to index
      %swap3A_709 = tpu.vector_load %arg5[%swap3A_708] {strides = array<i32>} : memref<40960xf32, #tpu.memory_space<vmem>>, vector<16xf32>,
      tpu.vector_store %arg5[%swap3A_708], %broadcast_in_dim3A_6 {strides = array<i32>} : memref<40960xf32, #tpu.memory_space<vmem>>, vector<16xf32>,
      %mul3A_710 = arith.constant 16 : i32
      %mul3A_711 = arith.muli %scan3A_646, %mul3A_710 : i32
      %add3A_712 = arith.constant 8 : i32
      %add3A_713 = arith.addi %mul3A_711, %add3A_712 : i32
      %mul3A_714 = arith.constant 16 : i32
      %mul3A_715 = arith.muli %add3A_713, %mul3A_714 : i32
      %swap3A_716 = arith.index_cast %mul3A_715 : i32 to index
      %swap3A_717 = tpu.vector_load %arg5[%swap3A_716] {strides = array<i32>} : memref<40960xf32, #tpu.memory_space<vmem>>, vector<16xf32>,
      tpu.vector_store %arg5[%swap3A_716], %broadcast_in_dim3A_6 {strides = array<i32>} : memref<40960xf32, #tpu.memory_space<vmem>>, vector<16xf32>,
      %mul3A_718 = arith.constant 16 : i32
      %mul3A_719 = arith.muli %scan3A_646, %mul3A_718 : i32
      %add3A_720 = arith.constant 9 : i32
      %add3A_721 = arith.addi %mul3A_719, %add3A_720 : i32
      %mul3A_722 = arith.constant 16 : i32
      %mul3A_723 = arith.muli %add3A_721, %mul3A_722 : i32
      %swap3A_724 = arith.index_cast %mul3A_723 : i32 to index
      %swap3A_725 = tpu.vector_load %arg5[%swap3A_724] {strides = array<i32>} : memref<40960xf32, #tpu.memory_space<vmem>>, vector<16xf32>,
      tpu.vector_store %arg5[%swap3A_724], %broadcast_in_dim3A_6 {strides = array<i32>} : memref<40960xf32, #tpu.memory_space<vmem>>, vector<16xf32>,
      %mul3A_726 = arith.constant 16 : i32
      %mul3A_727 = arith.muli %scan3A_646, %mul3A_726 : i32
      %add3A_728 = arith.constant 10 : i32
      %add3A_729 = arith.addi %mul3A_727, %add3A_728 : i32
      %mul3A_730 = arith.constant 16 : i32
      %mul3A_731 = arith.muli %add3A_729, %mul3A_730 : i32
      %swap3A_732 = arith.index_cast %mul3A_731 : i32 to index
      %swap3A_733 = tpu.vector_load %arg5[%swap3A_732] {strides = array<i32>} : memref<40960xf32, #tpu.memory_space<vmem>>, vector<16xf32>,
      tpu.vector_store %arg5[%swap3A_732], %broadcast_in_dim3A_6 {strides = array<i32>} : memref<40960xf32, #tpu.memory_space<vmem>>, vector<16xf32>,
      %mul3A_734 = arith.constant 16 : i32
      %mul3A_735 = arith.muli %scan3A_646, %mul3A_734 : i32
      %add3A_736 = arith.constant 11 : i32
      %add3A_737 = arith.addi %mul3A_735, %add3A_736 : i32
      %mul3A_738 = arith.constant 16 : i32
      %mul3A_739 = arith.muli %add3A_737, %mul3A_738 : i32
      %swap3A_740 = arith.index_cast %mul3A_739 : i32 to index
      %swap3A_741 = tpu.vector_load %arg5[%swap3A_740] {strides = array<i32>} : memref<40960xf32, #tpu.memory_space<vmem>>, vector<16xf32>,
      tpu.vector_store %arg5[%swap3A_740], %broadcast_in_dim3A_6 {strides = array<i32>} : memref<40960xf32, #tpu.memory_space<vmem>>, vector<16xf32>,
      %mul3A_742 = arith.constant 16 : i32
      %mul3A_743 = arith.muli %scan3A_646, %mul3A_742 : i32
      %add3A_744 = arith.constant 12 : i32
      %add3A_745 = arith.addi %mul3A_743, %add3A_744 : i32
      %mul3A_746 = arith.constant 16 : i32
      %mul3A_747 = arith.muli %add3A_745, %mul3A_746 : i32
      %swap3A_748 = arith.index_cast %mul3A_747 : i32 to index
      %swap3A_749 = tpu.vector_load %arg5[%swap3A_748] {strides = array<i32>} : memref<40960xf32, #tpu.memory_space<vmem>>, vector<16xf32>,
      tpu.vector_store %arg5[%swap3A_748], %broadcast_in_dim3A_6 {strides = array<i32>} : memref<40960xf32, #tpu.memory_space<vmem>>, vector<16xf32>,
      %mul3A_750 = arith.constant 16 : i32
      %mul3A_751 = arith.muli %scan3A_646, %mul3A_750 : i32
      %add3A_752 = arith.constant 13 : i32
      %add3A_753 = arith.addi %mul3A_751, %add3A_752 : i32
      %mul3A_754 = arith.constant 16 : i32
      %mul3A_755 = arith.muli %add3A_753, %mul3A_754 : i32
      %swap3A_756 = arith.index_cast %mul3A_755 : i32 to index
      %swap3A_757 = tpu.vector_load %arg5[%swap3A_756] {strides = array<i32>} : memref<40960xf32, #tpu.memory_space<vmem>>, vector<16xf32>,
      tpu.vector_store %arg5[%swap3A_756], %broadcast_in_dim3A_6 {strides = array<i32>} : memref<40960xf32, #tpu.memory_space<vmem>>, vector<16xf32>,
      %mul3A_758 = arith.constant 16 : i32
      %mul3A_759 = arith.muli %scan3A_646, %mul3A_758 : i32
      %add3A_760 = arith.constant 14 : i32
      %add3A_761 = arith.addi %mul3A_759, %add3A_760 : i32
      %mul3A_762 = arith.constant 16 : i32
      %mul3A_763 = arith.muli %add3A_761, %mul3A_762 : i32
      %swap3A_764 = arith.index_cast %mul3A_763 : i32 to index
      %swap3A_765 = tpu.vector_load %arg5[%swap3A_764] {strides = array<i32>} : memref<40960xf32, #tpu.memory_space<vmem>>, vector<16xf32>,
      tpu.vector_store %arg5[%swap3A_764], %broadcast_in_dim3A_6 {strides = array<i32>} : memref<40960xf32, #tpu.memory_space<vmem>>, vector<16xf32>,
      %mul3A_766 = arith.constant 16 : i32
      %mul3A_767 = arith.muli %scan3A_646, %mul3A_766 : i32
      %add3A_768 = arith.constant 15 : i32
      %add3A_769 = arith.addi %mul3A_767, %add3A_768 : i32
      %mul3A_770 = arith.constant 16 : i32
      %mul3A_771 = arith.muli %add3A_769, %mul3A_770 : i32
      %swap3A_772 = arith.index_cast %mul3A_771 : i32 to index
      %swap3A_773 = tpu.vector_load %arg5[%swap3A_772] {strides = array<i32>} : memref<40960xf32, #tpu.memory_space<vmem>>, vector<16xf32>,
      tpu.vector_store %arg5[%swap3A_772], %broadcast_in_dim3A_6 {strides = array<i32>} : memref<40960xf32, #tpu.memory_space<vmem>>, vector<16xf32>,
    }
    %scan3A_11 = arith.constant 160 : i32
    %scan3A_12 = arith.constant 0 : i32
    %scan3A_13 = arith.constant 0 : i32
    %scan3A_14 = arith.constant 160 : i32
    %scan3A_15 = arith.addi %scan3A_13, %scan3A_14 : i32
    %scan3A_16 = arith.constant 1 : i32
    scf.for %scan3A_646 = %scan3A_13 to %scan3A_15 step %scan3A_16  : i32 {
      %mul3A_647 = arith.constant 16 : i32
      %mul3A_648 = arith.muli %scan3A_646, %mul3A_647 : i32
      %add3A_649 = arith.constant 0 : i32
      %add3A_650 = arith.addi %mul3A_648, %add3A_649 : i32
      %mul3A_651 = arith.constant 16 : i32
      %mul3A_652 = arith.muli %add3A_650, %mul3A_651 : i32
      %swap3A = arith.index_cast %mul3A_652 : i32 to index
      %swap3A_653 = tpu.vector_load %arg6[%swap3A] {strides = array<i32>} : memref<40960xf32, #tpu.memory_space<vmem>>, vector<16xf32>,
      tpu.vector_store %arg6[%swap3A], %broadcast_in_dim3A_6 {strides = array<i32>} : memref<40960xf32, #tpu.memory_space<vmem>>, vector<16xf32>,
      %mul3A_654 = arith.constant 16 : i32
      %mul3A_655 = arith.muli %scan3A_646, %mul3A_654 : i32
      %add3A_656 = arith.constant 1 : i32
      %add3A_657 = arith.addi %mul3A_655, %add3A_656 : i32
      %mul3A_658 = arith.constant 16 : i32
      %mul3A_659 = arith.muli %add3A_657, %mul3A_658 : i32
      %swap3A_660 = arith.index_cast %mul3A_659 : i32 to index
      %swap3A_661 = tpu.vector_load %arg6[%swap3A_660] {strides = array<i32>} : memref<40960xf32, #tpu.memory_space<vmem>>, vector<16xf32>,
      tpu.vector_store %arg6[%swap3A_660], %broadcast_in_dim3A_6 {strides = array<i32>} : memref<40960xf32, #tpu.memory_space<vmem>>, vector<16xf32>,
      %mul3A_662 = arith.constant 16 : i32
      %mul3A_663 = arith.muli %scan3A_646, %mul3A_662 : i32
      %add3A_664 = arith.constant 2 : i32
      %add3A_665 = arith.addi %mul3A_663, %add3A_664 : i32
      %mul3A_666 = arith.constant 16 : i32
      %mul3A_667 = arith.muli %add3A_665, %mul3A_666 : i32
      %swap3A_668 = arith.index_cast %mul3A_667 : i32 to index
      %swap3A_669 = tpu.vector_load %arg6[%swap3A_668] {strides = array<i32>} : memref<40960xf32, #tpu.memory_space<vmem>>, vector<16xf32>,
      tpu.vector_store %arg6[%swap3A_668], %broadcast_in_dim3A_6 {strides = array<i32>} : memref<40960xf32, #tpu.memory_space<vmem>>, vector<16xf32>,
      %mul3A_670 = arith.constant 16 : i32
      %mul3A_671 = arith.muli %scan3A_646, %mul3A_670 : i32
      %add3A_672 = arith.constant 3 : i32
      %add3A_673 = arith.addi %mul3A_671, %add3A_672 : i32
      %mul3A_674 = arith.constant 16 : i32
      %mul3A_675 = arith.muli %add3A_673, %mul3A_674 : i32
      %swap3A_676 = arith.index_cast %mul3A_675 : i32 to index
      %swap3A_677 = tpu.vector_load %arg6[%swap3A_676] {strides = array<i32>} : memref<40960xf32, #tpu.memory_space<vmem>>, vector<16xf32>,
      tpu.vector_store %arg6[%swap3A_676], %broadcast_in_dim3A_6 {strides = array<i32>} : memref<40960xf32, #tpu.memory_space<vmem>>, vector<16xf32>,
      %mul3A_678 = arith.constant 16 : i32
      %mul3A_679 = arith.muli %scan3A_646, %mul3A_678 : i32
      %add3A_680 = arith.constant 4 : i32
      %add3A_681 = arith.addi %mul3A_679, %add3A_680 : i32
      %mul3A_682 = arith.constant 16 : i32
      %mul3A_683 = arith.muli %add3A_681, %mul3A_682 : i32
      %swap3A_684 = arith.index_cast %mul3A_683 : i32 to index
      %swap3A_685 = tpu.vector_load %arg6[%swap3A_684] {strides = array<i32>} : memref<40960xf32, #tpu.memory_space<vmem>>, vector<16xf32>,
      tpu.vector_store %arg6[%swap3A_684], %broadcast_in_dim3A_6 {strides = array<i32>} : memref<40960xf32, #tpu.memory_space<vmem>>, vector<16xf32>,
      %mul3A_686 = arith.constant 16 : i32
      %mul3A_687 = arith.muli %scan3A_646, %mul3A_686 : i32
      %add3A_688 = arith.constant 5 : i32
      %add3A_689 = arith.addi %mul3A_687, %add3A_688 : i32
      %mul3A_690 = arith.constant 16 : i32
      %mul3A_691 = arith.muli %add3A_689, %mul3A_690 : i32
      %swap3A_692 = arith.index_cast %mul3A_691 : i32 to index
      %swap3A_693 = tpu.vector_load %arg6[%swap3A_692] {strides = array<i32>} : memref<40960xf32, #tpu.memory_space<vmem>>, vector<16xf32>,
      tpu.vector_store %arg6[%swap3A_692], %broadcast_in_dim3A_6 {strides = array<i32>} : memref<40960xf32, #tpu.memory_space<vmem>>, vector<16xf32>,
      %mul3A_694 = arith.constant 16 : i32
      %mul3A_695 = arith.muli %scan3A_646, %mul3A_694 : i32
      %add3A_696 = arith.constant 6 : i32
      %add3A_697 = arith.addi %mul3A_695, %add3A_696 : i32
      %mul3A_698 = arith.constant 16 : i32
      %mul3A_699 = arith.muli %add3A_697, %mul3A_698 : i32
      %swap3A_700 = arith.index_cast %mul3A_699 : i32 to index
      %swap3A_701 = tpu.vector_load %arg6[%swap3A_700] {strides = array<i32>} : memref<40960xf32, #tpu.memory_space<vmem>>, vector<16xf32>,
      tpu.vector_store %arg6[%swap3A_700], %broadcast_in_dim3A_6 {strides = array<i32>} : memref<40960xf32, #tpu.memory_space<vmem>>, vector<16xf32>,
      %mul3A_702 = arith.constant 16 : i32
      %mul3A_703 = arith.muli %scan3A_646, %mul3A_702 : i32
      %add3A_704 = arith.constant 7 : i32
      %add3A_705 = arith.addi %mul3A_703, %add3A_704 : i32
      %mul3A_706 = arith.constant 16 : i32
      %mul3A_707 = arith.muli %add3A_705, %mul3A_706 : i32
      %swap3A_708 = arith.index_cast %mul3A_707 : i32 to index
      %swap3A_709 = tpu.vector_load %arg6[%swap3A_708] {strides = array<i32>} : memref<40960xf32, #tpu.memory_space<vmem>>, vector<16xf32>,
      tpu.vector_store %arg6[%swap3A_708], %broadcast_in_dim3A_6 {strides = array<i32>} : memref<40960xf32, #tpu.memory_space<vmem>>, vector<16xf32>,
      %mul3A_710 = arith.constant 16 : i32
      %mul3A_711 = arith.muli %scan3A_646, %mul3A_710 : i32
      %add3A_712 = arith.constant 8 : i32
      %add3A_713 = arith.addi %mul3A_711, %add3A_712 : i32
      %mul3A_714 = arith.constant 16 : i32
      %mul3A_715 = arith.muli %add3A_713, %mul3A_714 : i32
      %swap3A_716 = arith.index_cast %mul3A_715 : i32 to index
      %swap3A_717 = tpu.vector_load %arg6[%swap3A_716] {strides = array<i32>} : memref<40960xf32, #tpu.memory_space<vmem>>, vector<16xf32>,
      tpu.vector_store %arg6[%swap3A_716], %broadcast_in_dim3A_6 {strides = array<i32>} : memref<40960xf32, #tpu.memory_space<vmem>>, vector<16xf32>,
      %mul3A_718 = arith.constant 16 : i32
      %mul3A_719 = arith.muli %scan3A_646, %mul3A_718 : i32
      %add3A_720 = arith.constant 9 : i32
      %add3A_721 = arith.addi %mul3A_719, %add3A_720 : i32
      %mul3A_722 = arith.constant 16 : i32
      %mul3A_723 = arith.muli %add3A_721, %mul3A_722 : i32
      %swap3A_724 = arith.index_cast %mul3A_723 : i32 to index
      %swap3A_725 = tpu.vector_load %arg6[%swap3A_724] {strides = array<i32>} : memref<40960xf32, #tpu.memory_space<vmem>>, vector<16xf32>,
      tpu.vector_store %arg6[%swap3A_724], %broadcast_in_dim3A_6 {strides = array<i32>} : memref<40960xf32, #tpu.memory_space<vmem>>, vector<16xf32>,
      %mul3A_726 = arith.constant 16 : i32
      %mul3A_727 = arith.muli %scan3A_646, %mul3A_726 : i32
      %add3A_728 = arith.constant 10 : i32
      %add3A_729 = arith.addi %mul3A_727, %add3A_728 : i32
      %mul3A_730 = arith.constant 16 : i32
      %mul3A_731 = arith.muli %add3A_729, %mul3A_730 : i32
      %swap3A_732 = arith.index_cast %mul3A_731 : i32 to index
      %swap3A_733 = tpu.vector_load %arg6[%swap3A_732] {strides = array<i32>} : memref<40960xf32, #tpu.memory_space<vmem>>, vector<16xf32>,
      tpu.vector_store %arg6[%swap3A_732], %broadcast_in_dim3A_6 {strides = array<i32>} : memref<40960xf32, #tpu.memory_space<vmem>>, vector<16xf32>,
      %mul3A_734 = arith.constant 16 : i32
      %mul3A_735 = arith.muli %scan3A_646, %mul3A_734 : i32
      %add3A_736 = arith.constant 11 : i32
      %add3A_737 = arith.addi %mul3A_735, %add3A_736 : i32
      %mul3A_738 = arith.constant 16 : i32
      %mul3A_739 = arith.muli %add3A_737, %mul3A_738 : i32
      %swap3A_740 = arith.index_cast %mul3A_739 : i32 to index
      %swap3A_741 = tpu.vector_load %arg6[%swap3A_740] {strides = array<i32>} : memref<40960xf32, #tpu.memory_space<vmem>>, vector<16xf32>,
      tpu.vector_store %arg6[%swap3A_740], %broadcast_in_dim3A_6 {strides = array<i32>} : memref<40960xf32, #tpu.memory_space<vmem>>, vector<16xf32>,
      %mul3A_742 = arith.constant 16 : i32
      %mul3A_743 = arith.muli %scan3A_646, %mul3A_742 : i32
      %add3A_744 = arith.constant 12 : i32
      %add3A_745 = arith.addi %mul3A_743, %add3A_744 : i32
      %mul3A_746 = arith.constant 16 : i32
      %mul3A_747 = arith.muli %add3A_745, %mul3A_746 : i32
      %swap3A_748 = arith.index_cast %mul3A_747 : i32 to index
      %swap3A_749 = tpu.vector_load %arg6[%swap3A_748] {strides = array<i32>} : memref<40960xf32, #tpu.memory_space<vmem>>, vector<16xf32>,
      tpu.vector_store %arg6[%swap3A_748], %broadcast_in_dim3A_6 {strides = array<i32>} : memref<40960xf32, #tpu.memory_space<vmem>>, vector<16xf32>,
      %mul3A_750 = arith.constant 16 : i32
      %mul3A_751 = arith.muli %scan3A_646, %mul3A_750 : i32
      %add3A_752 = arith.constant 13 : i32
      %add3A_753 = arith.addi %mul3A_751, %add3A_752 : i32
      %mul3A_754 = arith.constant 16 : i32
      %mul3A_755 = arith.muli %add3A_753, %mul3A_754 : i32
      %swap3A_756 = arith.index_cast %mul3A_755 : i32 to index
      %swap3A_757 = tpu.vector_load %arg6[%swap3A_756] {strides = array<i32>} : memref<40960xf32, #tpu.memory_space<vmem>>, vector<16xf32>,
      tpu.vector_store %arg6[%swap3A_756], %broadcast_in_dim3A_6 {strides = array<i32>} : memref<40960xf32, #tpu.memory_space<vmem>>, vector<16xf32>,
      %mul3A_758 = arith.constant 16 : i32
      %mul3A_759 = arith.muli %scan3A_646, %mul3A_758 : i32
      %add3A_760 = arith.constant 14 : i32
      %add3A_761 = arith.addi %mul3A_759, %add3A_760 : i32
      %mul3A_762 = arith.constant 16 : i32
      %mul3A_763 = arith.muli %add3A_761, %mul3A_762 : i32
      %swap3A_764 = arith.index_cast %mul3A_763 : i32 to index
      %swap3A_765 = tpu.vector_load %arg6[%swap3A_764] {strides = array<i32>} : memref<40960xf32, #tpu.memory_space<vmem>>, vector<16xf32>,
      tpu.vector_store %arg6[%swap3A_764], %broadcast_in_dim3A_6 {strides = array<i32>} : memref<40960xf32, #tpu.memory_space<vmem>>, vector<16xf32>,
      %mul3A_766 = arith.constant 16 : i32
      %mul3A_767 = arith.muli %scan3A_646, %mul3A_766 : i32
      %add3A_768 = arith.constant 15 : i32
      %add3A_769 = arith.addi %mul3A_767, %add3A_768 : i32
      %mul3A_770 = arith.constant 16 : i32
      %mul3A_771 = arith.muli %add3A_769, %mul3A_770 : i32
      %swap3A_772 = arith.index_cast %mul3A_771 : i32 to index
      %swap3A_773 = tpu.vector_load %arg6[%swap3A_772] {strides = array<i32>} : memref<40960xf32, #tpu.memory_space<vmem>>, vector<16xf32>,
      tpu.vector_store %arg6[%swap3A_772], %broadcast_in_dim3A_6 {strides = array<i32>} : memref<40960xf32, #tpu.memory_space<vmem>>, vector<16xf32>,
    }
    %scan3A_17 = arith.constant 160 : i32
    %dma_wait3A = tpu.memref_slice %arg2[%mul3A_2] : memref<819200xi32, #tpu.memory_space<hbm>> -> memref<25600xi32, #tpu.memory_space<hbm>>
    %dma_wait3A_18 = tpu.memref_slice %arg2[%mul3A_2] : memref<819200xi32, #tpu.memory_space<hbm>> -> memref<25600xi32, #tpu.memory_space<hbm>>
    tpu.wait_dma2 semaphore(%arg7 : memref<!tpu.dma_semaphore, #tpu.memory_space<semaphore_mem>>) src(%dma_wait3A_18 : memref<25600xi32, #tpu.memory_space<hbm>>) dst(%arg4 : memref<25600xi32, #tpu.memory_space<vmem>>)
    %get3A = arith.constant 0 : index
    %get3A_19 = tpu.vector_load %arg4[%get3A] {strides = array<i32>} : memref<25600xi32, #tpu.memory_space<vmem>>, vector<16xi32>,
    %add3A_20 = arith.constant 0 : i32
    %add3A_21 = vector.broadcast %add3A_20 : i32 to vector<16xi32>
    %add3A_22 = arith.addi %iota3A, %add3A_21 : vector<16xi32>
    %mul3A_23 = arith.constant 128 : i32
    %mul3A_24 = vector.broadcast %mul3A_23 : i32 to vector<16xi32>
    %mul3A_25 = arith.muli %add3A_22, %mul3A_24 : vector<16xi32>
    %add3A_26 = arith.addi %mul3A_25, %get3A_19 : vector<16xi32>
    %sub3A = arith.constant 1 : i32
    %sub3A_27 = vector.broadcast %sub3A : i32 to vector<16xi32>
    %sub3A_28 = arith.subi %add3A_26, %sub3A_27 : vector<16xi32>
    %ge3A = arith.constant 1 : i32
    %ge3A_29 = vector.broadcast %ge3A : i32 to vector<16xi32>
    %ge3A_30 = arith.cmpi sge, %get3A_19, %ge3A_29 : vector<16xi32>
    tpu.vector_store_idx %arg5[%sub3A_28], %broadcast_in_dim3A_4 masked %ge3A_30 : memref<40960xf32, #tpu.memory_space<vmem>>[vector<16xi32>], vector<16xf32>, vector<16xi1>
    %get3A_31 = arith.constant 16 : index
    %get3A_32 = tpu.vector_load %arg4[%get3A_31] {strides = array<i32>} : memref<25600xi32, #tpu.memory_space<vmem>>, vector<16xi32>,
    %add3A_33 = arith.constant 16 : i32
    %add3A_34 = vector.broadcast %add3A_33 : i32 to vector<16xi32>
    %add3A_35 = arith.addi %iota3A, %add3A_34 : vector<16xi32>
    %mul3A_36 = arith.constant 128 : i32
    %mul3A_37 = vector.broadcast %mul3A_36 : i32 to vector<16xi32>
    %mul3A_38 = arith.muli %add3A_35, %mul3A_37 : vector<16xi32>
    %add3A_39 = arith.addi %mul3A_38, %get3A_32 : vector<16xi32>
    %sub3A_40 = arith.constant 1 : i32
    %sub3A_41 = vector.broadcast %sub3A_40 : i32 to vector<16xi32>
    %sub3A_42 = arith.subi %add3A_39, %sub3A_41 : vector<16xi32>
    %ge3A_43 = arith.constant 1 : i32
    %ge3A_44 = vector.broadcast %ge3A_43 : i32 to vector<16xi32>
    %ge3A_45 = arith.cmpi sge, %get3A_32, %ge3A_44 : vector<16xi32>
    tpu.vector_store_idx %arg5[%sub3A_42], %broadcast_in_dim3A_4 masked %ge3A_45 : memref<40960xf32, #tpu.memory_space<vmem>>[vector<16xi32>], vector<16xf32>, vector<16xi1>
    %get3A_46 = arith.constant 32 : index
    %get3A_47 = tpu.vector_load %arg4[%get3A_46] {strides = array<i32>} : memref<25600xi32, #tpu.memory_space<vmem>>, vector<16xi32>,
    %add3A_48 = arith.constant 32 : i32
    %add3A_49 = vector.broadcast %add3A_48 : i32 to vector<16xi32>
    %add3A_50 = arith.addi %iota3A, %add3A_49 : vector<16xi32>
    %mul3A_51 = arith.constant 128 : i32
    %mul3A_52 = vector.broadcast %mul3A_51 : i32 to vector<16xi32>
    %mul3A_53 = arith.muli %add3A_50, %mul3A_52 : vector<16xi32>
    %add3A_54 = arith.addi %mul3A_53, %get3A_47 : vector<16xi32>
    %sub3A_55 = arith.constant 1 : i32
    %sub3A_56 = vector.broadcast %sub3A_55 : i32 to vector<16xi32>
    %sub3A_57 = arith.subi %add3A_54, %sub3A_56 : vector<16xi32>
    %ge3A_58 = arith.constant 1 : i32
    %ge3A_59 = vector.broadcast %ge3A_58 : i32 to vector<16xi32>
    %ge3A_60 = arith.cmpi sge, %get3A_47, %ge3A_59 : vector<16xi32>
    tpu.vector_store_idx %arg5[%sub3A_57], %broadcast_in_dim3A_4 masked %ge3A_60 : memref<40960xf32, #tpu.memory_space<vmem>>[vector<16xi32>], vector<16xf32>, vector<16xi1>
    %get3A_61 = arith.constant 48 : index
    %get3A_62 = tpu.vector_load %arg4[%get3A_61] {strides = array<i32>} : memref<25600xi32, #tpu.memory_space<vmem>>, vector<16xi32>,
    %add3A_63 = arith.constant 48 : i32
    %add3A_64 = vector.broadcast %add3A_63 : i32 to vector<16xi32>
    %add3A_65 = arith.addi %iota3A, %add3A_64 : vector<16xi32>
    %mul3A_66 = arith.constant 128 : i32
    %mul3A_67 = vector.broadcast %mul3A_66 : i32 to vector<16xi32>
    %mul3A_68 = arith.muli %add3A_65, %mul3A_67 : vector<16xi32>
    %add3A_69 = arith.addi %mul3A_68, %get3A_62 : vector<16xi32>
    %sub3A_70 = arith.constant 1 : i32
    %sub3A_71 = vector.broadcast %sub3A_70 : i32 to vector<16xi32>
    %sub3A_72 = arith.subi %add3A_69, %sub3A_71 : vector<16xi32>
    %ge3A_73 = arith.constant 1 : i32
    %ge3A_74 = vector.broadcast %ge3A_73 : i32 to vector<16xi32>
    %ge3A_75 = arith.cmpi sge, %get3A_62, %ge3A_74 : vector<16xi32>
    tpu.vector_store_idx %arg5[%sub3A_72], %broadcast_in_dim3A_4 masked %ge3A_75 : memref<40960xf32, #tpu.memory_space<vmem>>[vector<16xi32>], vector<16xf32>, vector<16xi1>
    %get3A_76 = arith.constant 64 : index
    %get3A_77 = tpu.vector_load %arg4[%get3A_76] {strides = array<i32>} : memref<25600xi32, #tpu.memory_space<vmem>>, vector<16xi32>,
    %add3A_78 = arith.constant 64 : i32
    %add3A_79 = vector.broadcast %add3A_78 : i32 to vector<16xi32>
    %add3A_80 = arith.addi %iota3A, %add3A_79 : vector<16xi32>
    %mul3A_81 = arith.constant 128 : i32
    %mul3A_82 = vector.broadcast %mul3A_81 : i32 to vector<16xi32>
    %mul3A_83 = arith.muli %add3A_80, %mul3A_82 : vector<16xi32>
    %add3A_84 = arith.addi %mul3A_83, %get3A_77 : vector<16xi32>
    %sub3A_85 = arith.constant 1 : i32
    %sub3A_86 = vector.broadcast %sub3A_85 : i32 to vector<16xi32>
    %sub3A_87 = arith.subi %add3A_84, %sub3A_86 : vector<16xi32>
    %ge3A_88 = arith.constant 1 : i32
    %ge3A_89 = vector.broadcast %ge3A_88 : i32 to vector<16xi32>
    %ge3A_90 = arith.cmpi sge, %get3A_77, %ge3A_89 : vector<16xi32>
    tpu.vector_store_idx %arg5[%sub3A_87], %broadcast_in_dim3A_4 masked %ge3A_90 : memref<40960xf32, #tpu.memory_space<vmem>>[vector<16xi32>], vector<16xf32>, vector<16xi1>
    %get3A_91 = arith.constant 80 : index
    %get3A_92 = tpu.vector_load %arg4[%get3A_91] {strides = array<i32>} : memref<25600xi32, #tpu.memory_space<vmem>>, vector<16xi32>,
    %add3A_93 = arith.constant 80 : i32
    %add3A_94 = vector.broadcast %add3A_93 : i32 to vector<16xi32>
    %add3A_95 = arith.addi %iota3A, %add3A_94 : vector<16xi32>
    %mul3A_96 = arith.constant 128 : i32
    %mul3A_97 = vector.broadcast %mul3A_96 : i32 to vector<16xi32>
    %mul3A_98 = arith.muli %add3A_95, %mul3A_97 : vector<16xi32>
    %add3A_99 = arith.addi %mul3A_98, %get3A_92 : vector<16xi32>
    %sub3A_100 = arith.constant 1 : i32
    %sub3A_101 = vector.broadcast %sub3A_100 : i32 to vector<16xi32>
    %sub3A_102 = arith.subi %add3A_99, %sub3A_101 : vector<16xi32>
    %ge3A_103 = arith.constant 1 : i32
    %ge3A_104 = vector.broadcast %ge3A_103 : i32 to vector<16xi32>
    %ge3A_105 = arith.cmpi sge, %get3A_92, %ge3A_104 : vector<16xi32>
    tpu.vector_store_idx %arg5[%sub3A_102], %broadcast_in_dim3A_4 masked %ge3A_105 : memref<40960xf32, #tpu.memory_space<vmem>>[vector<16xi32>], vector<16xf32>, vector<16xi1>
    %get3A_106 = arith.constant 96 : index
    %get3A_107 = tpu.vector_load %arg4[%get3A_106] {strides = array<i32>} : memref<25600xi32, #tpu.memory_space<vmem>>, vector<16xi32>,
    %add3A_108 = arith.constant 96 : i32
    %add3A_109 = vector.broadcast %add3A_108 : i32 to vector<16xi32>
    %add3A_110 = arith.addi %iota3A, %add3A_109 : vector<16xi32>
    %mul3A_111 = arith.constant 128 : i32
    %mul3A_112 = vector.broadcast %mul3A_111 : i32 to vector<16xi32>
    %mul3A_113 = arith.muli %add3A_110, %mul3A_112 : vector<16xi32>
    %add3A_114 = arith.addi %mul3A_113, %get3A_107 : vector<16xi32>
    %sub3A_115 = arith.constant 1 : i32
    %sub3A_116 = vector.broadcast %sub3A_115 : i32 to vector<16xi32>
    %sub3A_117 = arith.subi %add3A_114, %sub3A_116 : vector<16xi32>
    %ge3A_118 = arith.constant 1 : i32
    %ge3A_119 = vector.broadcast %ge3A_118 : i32 to vector<16xi32>
    %ge3A_120 = arith.cmpi sge, %get3A_107, %ge3A_119 : vector<16xi32>
    tpu.vector_store_idx %arg5[%sub3A_117], %broadcast_in_dim3A_4 masked %ge3A_120 : memref<40960xf32, #tpu.memory_space<vmem>>[vector<16xi32>], vector<16xf32>, vector<16xi1>
    %get3A_121 = arith.constant 112 : index
    %get3A_122 = tpu.vector_load %arg4[%get3A_121] {strides = array<i32>} : memref<25600xi32, #tpu.memory_space<vmem>>, vector<16xi32>,
    %add3A_123 = arith.constant 112 : i32
    %add3A_124 = vector.broadcast %add3A_123 : i32 to vector<16xi32>
    %add3A_125 = arith.addi %iota3A, %add3A_124 : vector<16xi32>
    %mul3A_126 = arith.constant 128 : i32
    %mul3A_127 = vector.broadcast %mul3A_126 : i32 to vector<16xi32>
    %mul3A_128 = arith.muli %add3A_125, %mul3A_127 : vector<16xi32>
    %add3A_129 = arith.addi %mul3A_128, %get3A_122 : vector<16xi32>
    %sub3A_130 = arith.constant 1 : i32
    %sub3A_131 = vector.broadcast %sub3A_130 : i32 to vector<16xi32>
    %sub3A_132 = arith.subi %add3A_129, %sub3A_131 : vector<16xi32>
    %ge3A_133 = arith.constant 1 : i32
    %ge3A_134 = vector.broadcast %ge3A_133 : i32 to vector<16xi32>
    %ge3A_135 = arith.cmpi sge, %get3A_122, %ge3A_134 : vector<16xi32>
    tpu.vector_store_idx %arg5[%sub3A_132], %broadcast_in_dim3A_4 masked %ge3A_135 : memref<40960xf32, #tpu.memory_space<vmem>>[vector<16xi32>], vector<16xf32>, vector<16xi1>
    %get3A_136 = arith.constant 128 : index
    %get3A_137 = tpu.vector_load %arg4[%get3A_136] {strides = array<i32>} : memref<25600xi32, #tpu.memory_space<vmem>>, vector<16xi32>,
    %add3A_138 = arith.constant 128 : i32
    %add3A_139 = vector.broadcast %add3A_138 : i32 to vector<16xi32>
    %add3A_140 = arith.addi %iota3A, %add3A_139 : vector<16xi32>
    %mul3A_141 = arith.constant 128 : i32
    %mul3A_142 = vector.broadcast %mul3A_141 : i32 to vector<16xi32>
    %mul3A_143 = arith.muli %add3A_140, %mul3A_142 : vector<16xi32>
    %add3A_144 = arith.addi %mul3A_143, %get3A_137 : vector<16xi32>
    %sub3A_145 = arith.constant 1 : i32
    %sub3A_146 = vector.broadcast %sub3A_145 : i32 to vector<16xi32>
    %sub3A_147 = arith.subi %add3A_144, %sub3A_146 : vector<16xi32>
    %ge3A_148 = arith.constant 1 : i32
    %ge3A_149 = vector.broadcast %ge3A_148 : i32 to vector<16xi32>
    %ge3A_150 = arith.cmpi sge, %get3A_137, %ge3A_149 : vector<16xi32>
    tpu.vector_store_idx %arg5[%sub3A_147], %broadcast_in_dim3A_4 masked %ge3A_150 : memref<40960xf32, #tpu.memory_space<vmem>>[vector<16xi32>], vector<16xf32>, vector<16xi1>
    %get3A_151 = arith.constant 144 : index
    %get3A_152 = tpu.vector_load %arg4[%get3A_151] {strides = array<i32>} : memref<25600xi32, #tpu.memory_space<vmem>>, vector<16xi32>,
    %add3A_153 = arith.constant 144 : i32
    %add3A_154 = vector.broadcast %add3A_153 : i32 to vector<16xi32>
    %add3A_155 = arith.addi %iota3A, %add3A_154 : vector<16xi32>
    %mul3A_156 = arith.constant 128 : i32
    %mul3A_157 = vector.broadcast %mul3A_156 : i32 to vector<16xi32>
    %mul3A_158 = arith.muli %add3A_155, %mul3A_157 : vector<16xi32>
    %add3A_159 = arith.addi %mul3A_158, %get3A_152 : vector<16xi32>
    %sub3A_160 = arith.constant 1 : i32
    %sub3A_161 = vector.broadcast %sub3A_160 : i32 to vector<16xi32>
    %sub3A_162 = arith.subi %add3A_159, %sub3A_161 : vector<16xi32>
    %ge3A_163 = arith.constant 1 : i32
    %ge3A_164 = vector.broadcast %ge3A_163 : i32 to vector<16xi32>
    %ge3A_165 = arith.cmpi sge, %get3A_152, %ge3A_164 : vector<16xi32>
    tpu.vector_store_idx %arg5[%sub3A_162], %broadcast_in_dim3A_4 masked %ge3A_165 : memref<40960xf32, #tpu.memory_space<vmem>>[vector<16xi32>], vector<16xf32>, vector<16xi1>
    %get3A_166 = arith.constant 160 : index
    %get3A_167 = tpu.vector_load %arg4[%get3A_166] {strides = array<i32>} : memref<25600xi32, #tpu.memory_space<vmem>>, vector<16xi32>,
    %add3A_168 = arith.constant 160 : i32
    %add3A_169 = vector.broadcast %add3A_168 : i32 to vector<16xi32>
    %add3A_170 = arith.addi %iota3A, %add3A_169 : vector<16xi32>
    %mul3A_171 = arith.constant 128 : i32
    %mul3A_172 = vector.broadcast %mul3A_171 : i32 to vector<16xi32>
    %mul3A_173 = arith.muli %add3A_170, %mul3A_172 : vector<16xi32>
    %add3A_174 = arith.addi %mul3A_173, %get3A_167 : vector<16xi32>
    %sub3A_175 = arith.constant 1 : i32
    %sub3A_176 = vector.broadcast %sub3A_175 : i32 to vector<16xi32>
    %sub3A_177 = arith.subi %add3A_174, %sub3A_176 : vector<16xi32>
    %ge3A_178 = arith.constant 1 : i32
    %ge3A_179 = vector.broadcast %ge3A_178 : i32 to vector<16xi32>
    %ge3A_180 = arith.cmpi sge, %get3A_167, %ge3A_179 : vector<16xi32>
    tpu.vector_store_idx %arg5[%sub3A_177], %broadcast_in_dim3A_4 masked %ge3A_180 : memref<40960xf32, #tpu.memory_space<vmem>>[vector<16xi32>], vector<16xf32>, vector<16xi1>
    %get3A_181 = arith.constant 176 : index
    %get3A_182 = tpu.vector_load %arg4[%get3A_181] {strides = array<i32>} : memref<25600xi32, #tpu.memory_space<vmem>>, vector<16xi32>,
    %add3A_183 = arith.constant 176 : i32
    %add3A_184 = vector.broadcast %add3A_183 : i32 to vector<16xi32>
    %add3A_185 = arith.addi %iota3A, %add3A_184 : vector<16xi32>
    %mul3A_186 = arith.constant 128 : i32
    %mul3A_187 = vector.broadcast %mul3A_186 : i32 to vector<16xi32>
    %mul3A_188 = arith.muli %add3A_185, %mul3A_187 : vector<16xi32>
    %add3A_189 = arith.addi %mul3A_188, %get3A_182 : vector<16xi32>
    %sub3A_190 = arith.constant 1 : i32
    %sub3A_191 = vector.broadcast %sub3A_190 : i32 to vector<16xi32>
    %sub3A_192 = arith.subi %add3A_189, %sub3A_191 : vector<16xi32>
    %ge3A_193 = arith.constant 1 : i32
    %ge3A_194 = vector.broadcast %ge3A_193 : i32 to vector<16xi32>
    %ge3A_195 = arith.cmpi sge, %get3A_182, %ge3A_194 : vector<16xi32>
    tpu.vector_store_idx %arg5[%sub3A_192], %broadcast_in_dim3A_4 masked %ge3A_195 : memref<40960xf32, #tpu.memory_space<vmem>>[vector<16xi32>], vector<16xf32>, vector<16xi1>
    %get3A_196 = arith.constant 192 : index
    %get3A_197 = tpu.vector_load %arg4[%get3A_196] {strides = array<i32>} : memref<25600xi32, #tpu.memory_space<vmem>>, vector<16xi32>,
    %add3A_198 = arith.constant 192 : i32
    %add3A_199 = vector.broadcast %add3A_198 : i32 to vector<16xi32>
    %add3A_200 = arith.addi %iota3A, %add3A_199 : vector<16xi32>
    %mul3A_201 = arith.constant 128 : i32
    %mul3A_202 = vector.broadcast %mul3A_201 : i32 to vector<16xi32>
    %mul3A_203 = arith.muli %add3A_200, %mul3A_202 : vector<16xi32>
    %add3A_204 = arith.addi %mul3A_203, %get3A_197 : vector<16xi32>
    %sub3A_205 = arith.constant 1 : i32
    %sub3A_206 = vector.broadcast %sub3A_205 : i32 to vector<16xi32>
    %sub3A_207 = arith.subi %add3A_204, %sub3A_206 : vector<16xi32>
    %ge3A_208 = arith.constant 1 : i32
    %ge3A_209 = vector.broadcast %ge3A_208 : i32 to vector<16xi32>
    %ge3A_210 = arith.cmpi sge, %get3A_197, %ge3A_209 : vector<16xi32>
    tpu.vector_store_idx %arg5[%sub3A_207], %broadcast_in_dim3A_4 masked %ge3A_210 : memref<40960xf32, #tpu.memory_space<vmem>>[vector<16xi32>], vector<16xf32>, vector<16xi1>
    %get3A_211 = arith.constant 208 : index
    %get3A_212 = tpu.vector_load %arg4[%get3A_211] {strides = array<i32>} : memref<25600xi32, #tpu.memory_space<vmem>>, vector<16xi32>,
    %add3A_213 = arith.constant 208 : i32
    %add3A_214 = vector.broadcast %add3A_213 : i32 to vector<16xi32>
    %add3A_215 = arith.addi %iota3A, %add3A_214 : vector<16xi32>
    %mul3A_216 = arith.constant 128 : i32
    %mul3A_217 = vector.broadcast %mul3A_216 : i32 to vector<16xi32>
    %mul3A_218 = arith.muli %add3A_215, %mul3A_217 : vector<16xi32>
    %add3A_219 = arith.addi %mul3A_218, %get3A_212 : vector<16xi32>
    %sub3A_220 = arith.constant 1 : i32
    %sub3A_221 = vector.broadcast %sub3A_220 : i32 to vector<16xi32>
    %sub3A_222 = arith.subi %add3A_219, %sub3A_221 : vector<16xi32>
    %ge3A_223 = arith.constant 1 : i32
    %ge3A_224 = vector.broadcast %ge3A_223 : i32 to vector<16xi32>
    %ge3A_225 = arith.cmpi sge, %get3A_212, %ge3A_224 : vector<16xi32>
    tpu.vector_store_idx %arg5[%sub3A_222], %broadcast_in_dim3A_4 masked %ge3A_225 : memref<40960xf32, #tpu.memory_space<vmem>>[vector<16xi32>], vector<16xf32>, vector<16xi1>
    %get3A_226 = arith.constant 224 : index
    %get3A_227 = tpu.vector_load %arg4[%get3A_226] {strides = array<i32>} : memref<25600xi32, #tpu.memory_space<vmem>>, vector<16xi32>,
    %add3A_228 = arith.constant 224 : i32
    %add3A_229 = vector.broadcast %add3A_228 : i32 to vector<16xi32>
    %add3A_230 = arith.addi %iota3A, %add3A_229 : vector<16xi32>
    %mul3A_231 = arith.constant 128 : i32
    %mul3A_232 = vector.broadcast %mul3A_231 : i32 to vector<16xi32>
    %mul3A_233 = arith.muli %add3A_230, %mul3A_232 : vector<16xi32>
    %add3A_234 = arith.addi %mul3A_233, %get3A_227 : vector<16xi32>
    %sub3A_235 = arith.constant 1 : i32
    %sub3A_236 = vector.broadcast %sub3A_235 : i32 to vector<16xi32>
    %sub3A_237 = arith.subi %add3A_234, %sub3A_236 : vector<16xi32>
    %ge3A_238 = arith.constant 1 : i32
    %ge3A_239 = vector.broadcast %ge3A_238 : i32 to vector<16xi32>
    %ge3A_240 = arith.cmpi sge, %get3A_227, %ge3A_239 : vector<16xi32>
    tpu.vector_store_idx %arg5[%sub3A_237], %broadcast_in_dim3A_4 masked %ge3A_240 : memref<40960xf32, #tpu.memory_space<vmem>>[vector<16xi32>], vector<16xf32>, vector<16xi1>
    %get3A_241 = arith.constant 240 : index
    %get3A_242 = tpu.vector_load %arg4[%get3A_241] {strides = array<i32>} : memref<25600xi32, #tpu.memory_space<vmem>>, vector<16xi32>,
    %add3A_243 = arith.constant 240 : i32
    %add3A_244 = vector.broadcast %add3A_243 : i32 to vector<16xi32>
    %add3A_245 = arith.addi %iota3A, %add3A_244 : vector<16xi32>
    %mul3A_246 = arith.constant 128 : i32
    %mul3A_247 = vector.broadcast %mul3A_246 : i32 to vector<16xi32>
    %mul3A_248 = arith.muli %add3A_245, %mul3A_247 : vector<16xi32>
    %add3A_249 = arith.addi %mul3A_248, %get3A_242 : vector<16xi32>
    %sub3A_250 = arith.constant 1 : i32
    %sub3A_251 = vector.broadcast %sub3A_250 : i32 to vector<16xi32>
    %sub3A_252 = arith.subi %add3A_249, %sub3A_251 : vector<16xi32>
    %ge3A_253 = arith.constant 1 : i32
    %ge3A_254 = vector.broadcast %ge3A_253 : i32 to vector<16xi32>
    %ge3A_255 = arith.cmpi sge, %get3A_242, %ge3A_254 : vector<16xi32>
    tpu.vector_store_idx %arg5[%sub3A_252], %broadcast_in_dim3A_4 masked %ge3A_255 : memref<40960xf32, #tpu.memory_space<vmem>>[vector<16xi32>], vector<16xf32>, vector<16xi1>
    %get3A_256 = arith.constant 256 : index
    %get3A_257 = tpu.vector_load %arg4[%get3A_256] {strides = array<i32>} : memref<25600xi32, #tpu.memory_space<vmem>>, vector<16xi32>,
    %add3A_258 = arith.constant 256 : i32
    %add3A_259 = vector.broadcast %add3A_258 : i32 to vector<16xi32>
    %add3A_260 = arith.addi %iota3A, %add3A_259 : vector<16xi32>
    %mul3A_261 = arith.constant 128 : i32
    %mul3A_262 = vector.broadcast %mul3A_261 : i32 to vector<16xi32>
    %mul3A_263 = arith.muli %add3A_260, %mul3A_262 : vector<16xi32>
    %add3A_264 = arith.addi %mul3A_263, %get3A_257 : vector<16xi32>
    %sub3A_265 = arith.constant 1 : i32
    %sub3A_266 = vector.broadcast %sub3A_265 : i32 to vector<16xi32>
    %sub3A_267 = arith.subi %add3A_264, %sub3A_266 : vector<16xi32>
    %ge3A_268 = arith.constant 1 : i32
    %ge3A_269 = vector.broadcast %ge3A_268 : i32 to vector<16xi32>
    %ge3A_270 = arith.cmpi sge, %get3A_257, %ge3A_269 : vector<16xi32>
    tpu.vector_store_idx %arg5[%sub3A_267], %broadcast_in_dim3A_4 masked %ge3A_270 : memref<40960xf32, #tpu.memory_space<vmem>>[vector<16xi32>], vector<16xf32>, vector<16xi1>
    %get3A_271 = arith.constant 272 : index
    %get3A_272 = tpu.vector_load %arg4[%get3A_271] {strides = array<i32>} : memref<25600xi32, #tpu.memory_space<vmem>>, vector<16xi32>,
    %add3A_273 = arith.constant 272 : i32
    %add3A_274 = vector.broadcast %add3A_273 : i32 to vector<16xi32>
    %add3A_275 = arith.addi %iota3A, %add3A_274 : vector<16xi32>
    %mul3A_276 = arith.constant 128 : i32
    %mul3A_277 = vector.broadcast %mul3A_276 : i32 to vector<16xi32>
    %mul3A_278 = arith.muli %add3A_275, %mul3A_277 : vector<16xi32>
    %add3A_279 = arith.addi %mul3A_278, %get3A_272 : vector<16xi32>
    %sub3A_280 = arith.constant 1 : i32
    %sub3A_281 = vector.broadcast %sub3A_280 : i32 to vector<16xi32>
    %sub3A_282 = arith.subi %add3A_279, %sub3A_281 : vector<16xi32>
    %ge3A_283 = arith.constant 1 : i32
    %ge3A_284 = vector.broadcast %ge3A_283 : i32 to vector<16xi32>
    %ge3A_285 = arith.cmpi sge, %get3A_272, %ge3A_284 : vector<16xi32>
    tpu.vector_store_idx %arg5[%sub3A_282], %broadcast_in_dim3A_4 masked %ge3A_285 : memref<40960xf32, #tpu.memory_space<vmem>>[vector<16xi32>], vector<16xf32>, vector<16xi1>
    %get3A_286 = arith.constant 288 : index
    %get3A_287 = tpu.vector_load %arg4[%get3A_286] {strides = array<i32>} : memref<25600xi32, #tpu.memory_space<vmem>>, vector<16xi32>,
    %add3A_288 = arith.constant 288 : i32
    %add3A_289 = vector.broadcast %add3A_288 : i32 to vector<16xi32>
    %add3A_290 = arith.addi %iota3A, %add3A_289 : vector<16xi32>
    %mul3A_291 = arith.constant 128 : i32
    %mul3A_292 = vector.broadcast %mul3A_291 : i32 to vector<16xi32>
    %mul3A_293 = arith.muli %add3A_290, %mul3A_292 : vector<16xi32>
    %add3A_294 = arith.addi %mul3A_293, %get3A_287 : vector<16xi32>
    %sub3A_295 = arith.constant 1 : i32
    %sub3A_296 = vector.broadcast %sub3A_295 : i32 to vector<16xi32>
    %sub3A_297 = arith.subi %add3A_294, %sub3A_296 : vector<16xi32>
    %ge3A_298 = arith.constant 1 : i32
    %ge3A_299 = vector.broadcast %ge3A_298 : i32 to vector<16xi32>
    %ge3A_300 = arith.cmpi sge, %get3A_287, %ge3A_299 : vector<16xi32>
    tpu.vector_store_idx %arg5[%sub3A_297], %broadcast_in_dim3A_4 masked %ge3A_300 : memref<40960xf32, #tpu.memory_space<vmem>>[vector<16xi32>], vector<16xf32>, vector<16xi1>
    %get3A_301 = arith.constant 304 : index
    %get3A_302 = tpu.vector_load %arg4[%get3A_301] {strides = array<i32>} : memref<25600xi32, #tpu.memory_space<vmem>>, vector<16xi32>,
    %add3A_303 = arith.constant 304 : i32
    %add3A_304 = vector.broadcast %add3A_303 : i32 to vector<16xi32>
    %add3A_305 = arith.addi %iota3A, %add3A_304 : vector<16xi32>
    %mul3A_306 = arith.constant 128 : i32
    %mul3A_307 = vector.broadcast %mul3A_306 : i32 to vector<16xi32>
    %mul3A_308 = arith.muli %add3A_305, %mul3A_307 : vector<16xi32>
    %add3A_309 = arith.addi %mul3A_308, %get3A_302 : vector<16xi32>
    %sub3A_310 = arith.constant 1 : i32
    %sub3A_311 = vector.broadcast %sub3A_310 : i32 to vector<16xi32>
    %sub3A_312 = arith.subi %add3A_309, %sub3A_311 : vector<16xi32>
    %ge3A_313 = arith.constant 1 : i32
    %ge3A_314 = vector.broadcast %ge3A_313 : i32 to vector<16xi32>
    %ge3A_315 = arith.cmpi sge, %get3A_302, %ge3A_314 : vector<16xi32>
    tpu.vector_store_idx %arg5[%sub3A_312], %broadcast_in_dim3A_4 masked %ge3A_315 : memref<40960xf32, #tpu.memory_space<vmem>>[vector<16xi32>], vector<16xf32>, vector<16xi1>
    %add3A_316 = arith.constant 0 : i32
    %add3A_317 = arith.addi %mul3A_2, %add3A_316 : i32
    %mul3A_318 = arith.constant 128 : i32
    %mul3A_319 = arith.muli %add3A_317, %mul3A_318 : i32
    %dma_start3A_320 = tpu.memref_slice %arg3[%mul3A_319] : memref<104857600xf32, #tpu.memory_space<hbm>> -> memref<40960xf32, #tpu.memory_space<hbm>>
    %dma_start3A_321 = tpu.memref_slice %arg3[%mul3A_319] : memref<104857600xf32, #tpu.memory_space<hbm>> -> memref<40960xf32, #tpu.memory_space<hbm>>
    tpu.enqueue_dma source(%arg5 : memref<40960xf32, #tpu.memory_space<vmem>>) target(%dma_start3A_321 : memref<40960xf32, #tpu.memory_space<hbm>>) target_semaphore(%arg7 : memref<!tpu.dma_semaphore, #tpu.memory_space<semaphore_mem>>)
    %get3A_322 = arith.constant 320 : index
    %get3A_323 = tpu.vector_load %arg4[%get3A_322] {strides = array<i32>} : memref<25600xi32, #tpu.memory_space<vmem>>, vector<16xi32>,
    %add3A_324 = arith.constant 0 : i32
    %add3A_325 = vector.broadcast %add3A_324 : i32 to vector<16xi32>
    %add3A_326 = arith.addi %iota3A, %add3A_325 : vector<16xi32>
    %mul3A_327 = arith.constant 128 : i32
    %mul3A_328 = vector.broadcast %mul3A_327 : i32 to vector<16xi32>
    %mul3A_329 = arith.muli %add3A_326, %mul3A_328 : vector<16xi32>
    %add3A_330 = arith.addi %mul3A_329, %get3A_323 : vector<16xi32>
    %sub3A_331 = arith.constant 1 : i32
    %sub3A_332 = vector.broadcast %sub3A_331 : i32 to vector<16xi32>
    %sub3A_333 = arith.subi %add3A_330, %sub3A_332 : vector<16xi32>
    %ge3A_334 = arith.constant 1 : i32
    %ge3A_335 = vector.broadcast %ge3A_334 : i32 to vector<16xi32>
    %ge3A_336 = arith.cmpi sge, %get3A_323, %ge3A_335 : vector<16xi32>
    tpu.vector_store_idx %arg6[%sub3A_333], %broadcast_in_dim3A_4 masked %ge3A_336 : memref<40960xf32, #tpu.memory_space<vmem>>[vector<16xi32>], vector<16xf32>, vector<16xi1>
    %get3A_337 = arith.constant 336 : index
    %get3A_338 = tpu.vector_load %arg4[%get3A_337] {strides = array<i32>} : memref<25600xi32, #tpu.memory_space<vmem>>, vector<16xi32>,
    %add3A_339 = arith.constant 16 : i32
    %add3A_340 = vector.broadcast %add3A_339 : i32 to vector<16xi32>
    %add3A_341 = arith.addi %iota3A, %add3A_340 : vector<16xi32>
    %mul3A_342 = arith.constant 128 : i32
    %mul3A_343 = vector.broadcast %mul3A_342 : i32 to vector<16xi32>
    %mul3A_344 = arith.muli %add3A_341, %mul3A_343 : vector<16xi32>
    %add3A_345 = arith.addi %mul3A_344, %get3A_338 : vector<16xi32>
    %sub3A_346 = arith.constant 1 : i32
    %sub3A_347 = vector.broadcast %sub3A_346 : i32 to vector<16xi32>
    %sub3A_348 = arith.subi %add3A_345, %sub3A_347 : vector<16xi32>
    %ge3A_349 = arith.constant 1 : i32
    %ge3A_350 = vector.broadcast %ge3A_349 : i32 to vector<16xi32>
    %ge3A_351 = arith.cmpi sge, %get3A_338, %ge3A_350 : vector<16xi32>
    tpu.vector_store_idx %arg6[%sub3A_348], %broadcast_in_dim3A_4 masked %ge3A_351 : memref<40960xf32, #tpu.memory_space<vmem>>[vector<16xi32>], vector<16xf32>, vector<16xi1>
    %get3A_352 = arith.constant 352 : index
    %get3A_353 = tpu.vector_load %arg4[%get3A_352] {strides = array<i32>} : memref<25600xi32, #tpu.memory_space<vmem>>, vector<16xi32>,
    %add3A_354 = arith.constant 32 : i32
    %add3A_355 = vector.broadcast %add3A_354 : i32 to vector<16xi32>
    %add3A_356 = arith.addi %iota3A, %add3A_355 : vector<16xi32>
    %mul3A_357 = arith.constant 128 : i32
    %mul3A_358 = vector.broadcast %mul3A_357 : i32 to vector<16xi32>
    %mul3A_359 = arith.muli %add3A_356, %mul3A_358 : vector<16xi32>
    %add3A_360 = arith.addi %mul3A_359, %get3A_353 : vector<16xi32>
    %sub3A_361 = arith.constant 1 : i32
    %sub3A_362 = vector.broadcast %sub3A_361 : i32 to vector<16xi32>
    %sub3A_363 = arith.subi %add3A_360, %sub3A_362 : vector<16xi32>
    %ge3A_364 = arith.constant 1 : i32
    %ge3A_365 = vector.broadcast %ge3A_364 : i32 to vector<16xi32>
    %ge3A_366 = arith.cmpi sge, %get3A_353, %ge3A_365 : vector<16xi32>
    tpu.vector_store_idx %arg6[%sub3A_363], %broadcast_in_dim3A_4 masked %ge3A_366 : memref<40960xf32, #tpu.memory_space<vmem>>[vector<16xi32>], vector<16xf32>, vector<16xi1>
    %get3A_367 = arith.constant 368 : index
    %get3A_368 = tpu.vector_load %arg4[%get3A_367] {strides = array<i32>} : memref<25600xi32, #tpu.memory_space<vmem>>, vector<16xi32>,
    %add3A_369 = arith.constant 48 : i32
    %add3A_370 = vector.broadcast %add3A_369 : i32 to vector<16xi32>
    %add3A_371 = arith.addi %iota3A, %add3A_370 : vector<16xi32>
    %mul3A_372 = arith.constant 128 : i32
    %mul3A_373 = vector.broadcast %mul3A_372 : i32 to vector<16xi32>
    %mul3A_374 = arith.muli %add3A_371, %mul3A_373 : vector<16xi32>
    %add3A_375 = arith.addi %mul3A_374, %get3A_368 : vector<16xi32>
    %sub3A_376 = arith.constant 1 : i32
    %sub3A_377 = vector.broadcast %sub3A_376 : i32 to vector<16xi32>
    %sub3A_378 = arith.subi %add3A_375, %sub3A_377 : vector<16xi32>
    %ge3A_379 = arith.constant 1 : i32
    %ge3A_380 = vector.broadcast %ge3A_379 : i32 to vector<16xi32>
    %ge3A_381 = arith.cmpi sge, %get3A_368, %ge3A_380 : vector<16xi32>
    tpu.vector_store_idx %arg6[%sub3A_378], %broadcast_in_dim3A_4 masked %ge3A_381 : memref<40960xf32, #tpu.memory_space<vmem>>[vector<16xi32>], vector<16xf32>, vector<16xi1>
    %get3A_382 = arith.constant 384 : index
    %get3A_383 = tpu.vector_load %arg4[%get3A_382] {strides = array<i32>} : memref<25600xi32, #tpu.memory_space<vmem>>, vector<16xi32>,
    %add3A_384 = arith.constant 64 : i32
    %add3A_385 = vector.broadcast %add3A_384 : i32 to vector<16xi32>
    %add3A_386 = arith.addi %iota3A, %add3A_385 : vector<16xi32>
    %mul3A_387 = arith.constant 128 : i32
    %mul3A_388 = vector.broadcast %mul3A_387 : i32 to vector<16xi32>
    %mul3A_389 = arith.muli %add3A_386, %mul3A_388 : vector<16xi32>
    %add3A_390 = arith.addi %mul3A_389, %get3A_383 : vector<16xi32>
    %sub3A_391 = arith.constant 1 : i32
    %sub3A_392 = vector.broadcast %sub3A_391 : i32 to vector<16xi32>
    %sub3A_393 = arith.subi %add3A_390, %sub3A_392 : vector<16xi32>
    %ge3A_394 = arith.constant 1 : i32
    %ge3A_395 = vector.broadcast %ge3A_394 : i32 to vector<16xi32>
    %ge3A_396 = arith.cmpi sge, %get3A_383, %ge3A_395 : vector<16xi32>
    tpu.vector_store_idx %arg6[%sub3A_393], %broadcast_in_dim3A_4 masked %ge3A_396 : memref<40960xf32, #tpu.memory_space<vmem>>[vector<16xi32>], vector<16xf32>, vector<16xi1>
    %get3A_397 = arith.constant 400 : index
    %get3A_398 = tpu.vector_load %arg4[%get3A_397] {strides = array<i32>} : memref<25600xi32, #tpu.memory_space<vmem>>, vector<16xi32>,
    %add3A_399 = arith.constant 80 : i32
    %add3A_400 = vector.broadcast %add3A_399 : i32 to vector<16xi32>
    %add3A_401 = arith.addi %iota3A, %add3A_400 : vector<16xi32>
    %mul3A_402 = arith.constant 128 : i32
    %mul3A_403 = vector.broadcast %mul3A_402 : i32 to vector<16xi32>
    %mul3A_404 = arith.muli %add3A_401, %mul3A_403 : vector<16xi32>
    %add3A_405 = arith.addi %mul3A_404, %get3A_398 : vector<16xi32>
    %sub3A_406 = arith.constant 1 : i32
    %sub3A_407 = vector.broadcast %sub3A_406 : i32 to vector<16xi32>
    %sub3A_408 = arith.subi %add3A_405, %sub3A_407 : vector<16xi32>
    %ge3A_409 = arith.constant 1 : i32
    %ge3A_410 = vector.broadcast %ge3A_409 : i32 to vector<16xi32>
    %ge3A_411 = arith.cmpi sge, %get3A_398, %ge3A_410 : vector<16xi32>
    tpu.vector_store_idx %arg6[%sub3A_408], %broadcast_in_dim3A_4 masked %ge3A_411 : memref<40960xf32, #tpu.memory_space<vmem>>[vector<16xi32>], vector<16xf32>, vector<16xi1>
    %get3A_412 = arith.constant 416 : index
    %get3A_413 = tpu.vector_load %arg4[%get3A_412] {strides = array<i32>} : memref<25600xi32, #tpu.memory_space<vmem>>, vector<16xi32>,
    %add3A_414 = arith.constant 96 : i32
    %add3A_415 = vector.broadcast %add3A_414 : i32 to vector<16xi32>
    %add3A_416 = arith.addi %iota3A, %add3A_415 : vector<16xi32>
    %mul3A_417 = arith.constant 128 : i32
    %mul3A_418 = vector.broadcast %mul3A_417 : i32 to vector<16xi32>
    %mul3A_419 = arith.muli %add3A_416, %mul3A_418 : vector<16xi32>
    %add3A_420 = arith.addi %mul3A_419, %get3A_413 : vector<16xi32>
    %sub3A_421 = arith.constant 1 : i32
    %sub3A_422 = vector.broadcast %sub3A_421 : i32 to vector<16xi32>
    %sub3A_423 = arith.subi %add3A_420, %sub3A_422 : vector<16xi32>
    %ge3A_424 = arith.constant 1 : i32
    %ge3A_425 = vector.broadcast %ge3A_424 : i32 to vector<16xi32>
    %ge3A_426 = arith.cmpi sge, %get3A_413, %ge3A_425 : vector<16xi32>
    tpu.vector_store_idx %arg6[%sub3A_423], %broadcast_in_dim3A_4 masked %ge3A_426 : memref<40960xf32, #tpu.memory_space<vmem>>[vector<16xi32>], vector<16xf32>, vector<16xi1>
    %get3A_427 = arith.constant 432 : index
    %get3A_428 = tpu.vector_load %arg4[%get3A_427] {strides = array<i32>} : memref<25600xi32, #tpu.memory_space<vmem>>, vector<16xi32>,
    %add3A_429 = arith.constant 112 : i32
    %add3A_430 = vector.broadcast %add3A_429 : i32 to vector<16xi32>
    %add3A_431 = arith.addi %iota3A, %add3A_430 : vector<16xi32>
    %mul3A_432 = arith.constant 128 : i32
    %mul3A_433 = vector.broadcast %mul3A_432 : i32 to vector<16xi32>
    %mul3A_434 = arith.muli %add3A_431, %mul3A_433 : vector<16xi32>
    %add3A_435 = arith.addi %mul3A_434, %get3A_428 : vector<16xi32>
    %sub3A_436 = arith.constant 1 : i32
    %sub3A_437 = vector.broadcast %sub3A_436 : i32 to vector<16xi32>
    %sub3A_438 = arith.subi %add3A_435, %sub3A_437 : vector<16xi32>
    %ge3A_439 = arith.constant 1 : i32
    %ge3A_440 = vector.broadcast %ge3A_439 : i32 to vector<16xi32>
    %ge3A_441 = arith.cmpi sge, %get3A_428, %ge3A_440 : vector<16xi32>
    tpu.vector_store_idx %arg6[%sub3A_438], %broadcast_in_dim3A_4 masked %ge3A_441 : memref<40960xf32, #tpu.memory_space<vmem>>[vector<16xi32>], vector<16xf32>, vector<16xi1>
    %get3A_442 = arith.constant 448 : index
    %get3A_443 = tpu.vector_load %arg4[%get3A_442] {strides = array<i32>} : memref<25600xi32, #tpu.memory_space<vmem>>, vector<16xi32>,
    %add3A_444 = arith.constant 128 : i32
    %add3A_445 = vector.broadcast %add3A_444 : i32 to vector<16xi32>
    %add3A_446 = arith.addi %iota3A, %add3A_445 : vector<16xi32>
    %mul3A_447 = arith.constant 128 : i32
    %mul3A_448 = vector.broadcast %mul3A_447 : i32 to vector<16xi32>
    %mul3A_449 = arith.muli %add3A_446, %mul3A_448 : vector<16xi32>
    %add3A_450 = arith.addi %mul3A_449, %get3A_443 : vector<16xi32>
    %sub3A_451 = arith.constant 1 : i32
    %sub3A_452 = vector.broadcast %sub3A_451 : i32 to vector<16xi32>
    %sub3A_453 = arith.subi %add3A_450, %sub3A_452 : vector<16xi32>
    %ge3A_454 = arith.constant 1 : i32
    %ge3A_455 = vector.broadcast %ge3A_454 : i32 to vector<16xi32>
    %ge3A_456 = arith.cmpi sge, %get3A_443, %ge3A_455 : vector<16xi32>
    tpu.vector_store_idx %arg6[%sub3A_453], %broadcast_in_dim3A_4 masked %ge3A_456 : memref<40960xf32, #tpu.memory_space<vmem>>[vector<16xi32>], vector<16xf32>, vector<16xi1>
    %get3A_457 = arith.constant 464 : index
    %get3A_458 = tpu.vector_load %arg4[%get3A_457] {strides = array<i32>} : memref<25600xi32, #tpu.memory_space<vmem>>, vector<16xi32>,
    %add3A_459 = arith.constant 144 : i32
    %add3A_460 = vector.broadcast %add3A_459 : i32 to vector<16xi32>
    %add3A_461 = arith.addi %iota3A, %add3A_460 : vector<16xi32>
    %mul3A_462 = arith.constant 128 : i32
    %mul3A_463 = vector.broadcast %mul3A_462 : i32 to vector<16xi32>
    %mul3A_464 = arith.muli %add3A_461, %mul3A_463 : vector<16xi32>
    %add3A_465 = arith.addi %mul3A_464, %get3A_458 : vector<16xi32>
    %sub3A_466 = arith.constant 1 : i32
    %sub3A_467 = vector.broadcast %sub3A_466 : i32 to vector<16xi32>
    %sub3A_468 = arith.subi %add3A_465, %sub3A_467 : vector<16xi32>
    %ge3A_469 = arith.constant 1 : i32
    %ge3A_470 = vector.broadcast %ge3A_469 : i32 to vector<16xi32>
    %ge3A_471 = arith.cmpi sge, %get3A_458, %ge3A_470 : vector<16xi32>
    tpu.vector_store_idx %arg6[%sub3A_468], %broadcast_in_dim3A_4 masked %ge3A_471 : memref<40960xf32, #tpu.memory_space<vmem>>[vector<16xi32>], vector<16xf32>, vector<16xi1>
    %get3A_472 = arith.constant 480 : index
    %get3A_473 = tpu.vector_load %arg4[%get3A_472] {strides = array<i32>} : memref<25600xi32, #tpu.memory_space<vmem>>, vector<16xi32>,
    %add3A_474 = arith.constant 160 : i32
    %add3A_475 = vector.broadcast %add3A_474 : i32 to vector<16xi32>
    %add3A_476 = arith.addi %iota3A, %add3A_475 : vector<16xi32>
    %mul3A_477 = arith.constant 128 : i32
    %mul3A_478 = vector.broadcast %mul3A_477 : i32 to vector<16xi32>
    %mul3A_479 = arith.muli %add3A_476, %mul3A_478 : vector<16xi32>
    %add3A_480 = arith.addi %mul3A_479, %get3A_473 : vector<16xi32>
    %sub3A_481 = arith.constant 1 : i32
    %sub3A_482 = vector.broadcast %sub3A_481 : i32 to vector<16xi32>
    %sub3A_483 = arith.subi %add3A_480, %sub3A_482 : vector<16xi32>
    %ge3A_484 = arith.constant 1 : i32
    %ge3A_485 = vector.broadcast %ge3A_484 : i32 to vector<16xi32>
    %ge3A_486 = arith.cmpi sge, %get3A_473, %ge3A_485 : vector<16xi32>
    tpu.vector_store_idx %arg6[%sub3A_483], %broadcast_in_dim3A_4 masked %ge3A_486 : memref<40960xf32, #tpu.memory_space<vmem>>[vector<16xi32>], vector<16xf32>, vector<16xi1>
    %get3A_487 = arith.constant 496 : index
    %get3A_488 = tpu.vector_load %arg4[%get3A_487] {strides = array<i32>} : memref<25600xi32, #tpu.memory_space<vmem>>, vector<16xi32>,
    %add3A_489 = arith.constant 176 : i32
    %add3A_490 = vector.broadcast %add3A_489 : i32 to vector<16xi32>
    %add3A_491 = arith.addi %iota3A, %add3A_490 : vector<16xi32>
    %mul3A_492 = arith.constant 128 : i32
    %mul3A_493 = vector.broadcast %mul3A_492 : i32 to vector<16xi32>
    %mul3A_494 = arith.muli %add3A_491, %mul3A_493 : vector<16xi32>
    %add3A_495 = arith.addi %mul3A_494, %get3A_488 : vector<16xi32>
    %sub3A_496 = arith.constant 1 : i32
    %sub3A_497 = vector.broadcast %sub3A_496 : i32 to vector<16xi32>
    %sub3A_498 = arith.subi %add3A_495, %sub3A_497 : vector<16xi32>
    %ge3A_499 = arith.constant 1 : i32
    %ge3A_500 = vector.broadcast %ge3A_499 : i32 to vector<16xi32>
    %ge3A_501 = arith.cmpi sge, %get3A_488, %ge3A_500 : vector<16xi32>
    tpu.vector_store_idx %arg6[%sub3A_498], %broadcast_in_dim3A_4 masked %ge3A_501 : memref<40960xf32, #tpu.memory_space<vmem>>[vector<16xi32>], vector<16xf32>, vector<16xi1>
    %get3A_502 = arith.constant 512 : index
    %get3A_503 = tpu.vector_load %arg4[%get3A_502] {strides = array<i32>} : memref<25600xi32, #tpu.memory_space<vmem>>, vector<16xi32>,
    %add3A_504 = arith.constant 192 : i32
    %add3A_505 = vector.broadcast %add3A_504 : i32 to vector<16xi32>
    %add3A_506 = arith.addi %iota3A, %add3A_505 : vector<16xi32>
    %mul3A_507 = arith.constant 128 : i32
    %mul3A_508 = vector.broadcast %mul3A_507 : i32 to vector<16xi32>
    %mul3A_509 = arith.muli %add3A_506, %mul3A_508 : vector<16xi32>
    %add3A_510 = arith.addi %mul3A_509, %get3A_503 : vector<16xi32>
    %sub3A_511 = arith.constant 1 : i32
    %sub3A_512 = vector.broadcast %sub3A_511 : i32 to vector<16xi32>
    %sub3A_513 = arith.subi %add3A_510, %sub3A_512 : vector<16xi32>
    %ge3A_514 = arith.constant 1 : i32
    %ge3A_515 = vector.broadcast %ge3A_514 : i32 to vector<16xi32>
    %ge3A_516 = arith.cmpi sge, %get3A_503, %ge3A_515 : vector<16xi32>
    tpu.vector_store_idx %arg6[%sub3A_513], %broadcast_in_dim3A_4 masked %ge3A_516 : memref<40960xf32, #tpu.memory_space<vmem>>[vector<16xi32>], vector<16xf32>, vector<16xi1>
    %get3A_517 = arith.constant 528 : index
    %get3A_518 = tpu.vector_load %arg4[%get3A_517] {strides = array<i32>} : memref<25600xi32, #tpu.memory_space<vmem>>, vector<16xi32>,
    %add3A_519 = arith.constant 208 : i32
    %add3A_520 = vector.broadcast %add3A_519 : i32 to vector<16xi32>
    %add3A_521 = arith.addi %iota3A, %add3A_520 : vector<16xi32>
    %mul3A_522 = arith.constant 128 : i32
    %mul3A_523 = vector.broadcast %mul3A_522 : i32 to vector<16xi32>
    %mul3A_524 = arith.muli %add3A_521, %mul3A_523 : vector<16xi32>
    %add3A_525 = arith.addi %mul3A_524, %get3A_518 : vector<16xi32>
    %sub3A_526 = arith.constant 1 : i32
    %sub3A_527 = vector.broadcast %sub3A_526 : i32 to vector<16xi32>
    %sub3A_528 = arith.subi %add3A_525, %sub3A_527 : vector<16xi32>
    %ge3A_529 = arith.constant 1 : i32
    %ge3A_530 = vector.broadcast %ge3A_529 : i32 to vector<16xi32>
    %ge3A_531 = arith.cmpi sge, %get3A_518, %ge3A_530 : vector<16xi32>
    tpu.vector_store_idx %arg6[%sub3A_528], %broadcast_in_dim3A_4 masked %ge3A_531 : memref<40960xf32, #tpu.memory_space<vmem>>[vector<16xi32>], vector<16xf32>, vector<16xi1>
    %get3A_532 = arith.constant 544 : index
    %get3A_533 = tpu.vector_load %arg4[%get3A_532] {strides = array<i32>} : memref<25600xi32, #tpu.memory_space<vmem>>, vector<16xi32>,
    %add3A_534 = arith.constant 224 : i32
    %add3A_535 = vector.broadcast %add3A_534 : i32 to vector<16xi32>
    %add3A_536 = arith.addi %iota3A, %add3A_535 : vector<16xi32>
    %mul3A_537 = arith.constant 128 : i32
    %mul3A_538 = vector.broadcast %mul3A_537 : i32 to vector<16xi32>
    %mul3A_539 = arith.muli %add3A_536, %mul3A_538 : vector<16xi32>
    %add3A_540 = arith.addi %mul3A_539, %get3A_533 : vector<16xi32>
    %sub3A_541 = arith.constant 1 : i32
    %sub3A_542 = vector.broadcast %sub3A_541 : i32 to vector<16xi32>
    %sub3A_543 = arith.subi %add3A_540, %sub3A_542 : vector<16xi32>
    %ge3A_544 = arith.constant 1 : i32
    %ge3A_545 = vector.broadcast %ge3A_544 : i32 to vector<16xi32>
    %ge3A_546 = arith.cmpi sge, %get3A_533, %ge3A_545 : vector<16xi32>
    tpu.vector_store_idx %arg6[%sub3A_543], %broadcast_in_dim3A_4 masked %ge3A_546 : memref<40960xf32, #tpu.memory_space<vmem>>[vector<16xi32>], vector<16xf32>, vector<16xi1>
    %get3A_547 = arith.constant 560 : index
    %get3A_548 = tpu.vector_load %arg4[%get3A_547] {strides = array<i32>} : memref<25600xi32, #tpu.memory_space<vmem>>, vector<16xi32>,
    %add3A_549 = arith.constant 240 : i32
    %add3A_550 = vector.broadcast %add3A_549 : i32 to vector<16xi32>
    %add3A_551 = arith.addi %iota3A, %add3A_550 : vector<16xi32>
    %mul3A_552 = arith.constant 128 : i32
    %mul3A_553 = vector.broadcast %mul3A_552 : i32 to vector<16xi32>
    %mul3A_554 = arith.muli %add3A_551, %mul3A_553 : vector<16xi32>
    %add3A_555 = arith.addi %mul3A_554, %get3A_548 : vector<16xi32>
    %sub3A_556 = arith.constant 1 : i32
    %sub3A_557 = vector.broadcast %sub3A_556 : i32 to vector<16xi32>
    %sub3A_558 = arith.subi %add3A_555, %sub3A_557 : vector<16xi32>
    %ge3A_559 = arith.constant 1 : i32
    %ge3A_560 = vector.broadcast %ge3A_559 : i32 to vector<16xi32>
    %ge3A_561 = arith.cmpi sge, %get3A_548, %ge3A_560 : vector<16xi32>
    tpu.vector_store_idx %arg6[%sub3A_558], %broadcast_in_dim3A_4 masked %ge3A_561 : memref<40960xf32, #tpu.memory_space<vmem>>[vector<16xi32>], vector<16xf32>, vector<16xi1>
    %get3A_562 = arith.constant 576 : index
    %get3A_563 = tpu.vector_load %arg4[%get3A_562] {strides = array<i32>} : memref<25600xi32, #tpu.memory_space<vmem>>, vector<16xi32>,
    %add3A_564 = arith.constant 256 : i32
    %add3A_565 = vector.broadcast %add3A_564 : i32 to vector<16xi32>
    %add3A_566 = arith.addi %iota3A, %add3A_565 : vector<16xi32>
    %mul3A_567 = arith.constant 128 : i32
    %mul3A_568 = vector.broadcast %mul3A_567 : i32 to vector<16xi32>
    %mul3A_569 = arith.muli %add3A_566, %mul3A_568 : vector<16xi32>
    %add3A_570 = arith.addi %mul3A_569, %get3A_563 : vector<16xi32>
    %sub3A_571 = arith.constant 1 : i32
    %sub3A_572 = vector.broadcast %sub3A_571 : i32 to vector<16xi32>
    %sub3A_573 = arith.subi %add3A_570, %sub3A_572 : vector<16xi32>
    %ge3A_574 = arith.constant 1 : i32
    %ge3A_575 = vector.broadcast %ge3A_574 : i32 to vector<16xi32>
    %ge3A_576 = arith.cmpi sge, %get3A_563, %ge3A_575 : vector<16xi32>
    tpu.vector_store_idx %arg6[%sub3A_573], %broadcast_in_dim3A_4 masked %ge3A_576 : memref<40960xf32, #tpu.memory_space<vmem>>[vector<16xi32>], vector<16xf32>, vector<16xi1>
    %get3A_577 = arith.constant 592 : index
    %get3A_578 = tpu.vector_load %arg4[%get3A_577] {strides = array<i32>} : memref<25600xi32, #tpu.memory_space<vmem>>, vector<16xi32>,
    %add3A_579 = arith.constant 272 : i32
    %add3A_580 = vector.broadcast %add3A_579 : i32 to vector<16xi32>
    %add3A_581 = arith.addi %iota3A, %add3A_580 : vector<16xi32>
    %mul3A_582 = arith.constant 128 : i32
    %mul3A_583 = vector.broadcast %mul3A_582 : i32 to vector<16xi32>
    %mul3A_584 = arith.muli %add3A_581, %mul3A_583 : vector<16xi32>
    %add3A_585 = arith.addi %mul3A_584, %get3A_578 : vector<16xi32>
    %sub3A_586 = arith.constant 1 : i32
    %sub3A_587 = vector.broadcast %sub3A_586 : i32 to vector<16xi32>
    %sub3A_588 = arith.subi %add3A_585, %sub3A_587 : vector<16xi32>
    %ge3A_589 = arith.constant 1 : i32
    %ge3A_590 = vector.broadcast %ge3A_589 : i32 to vector<16xi32>
    %ge3A_591 = arith.cmpi sge, %get3A_578, %ge3A_590 : vector<16xi32>
    tpu.vector_store_idx %arg6[%sub3A_588], %broadcast_in_dim3A_4 masked %ge3A_591 : memref<40960xf32, #tpu.memory_space<vmem>>[vector<16xi32>], vector<16xf32>, vector<16xi1>
    %get3A_592 = arith.constant 608 : index
    %get3A_593 = tpu.vector_load %arg4[%get3A_592] {strides = array<i32>} : memref<25600xi32, #tpu.memory_space<vmem>>, vector<16xi32>,
    %add3A_594 = arith.constant 288 : i32
    %add3A_595 = vector.broadcast %add3A_594 : i32 to vector<16xi32>
    %add3A_596 = arith.addi %iota3A, %add3A_595 : vector<16xi32>
    %mul3A_597 = arith.constant 128 : i32
    %mul3A_598 = vector.broadcast %mul3A_597 : i32 to vector<16xi32>
    %mul3A_599 = arith.muli %add3A_596, %mul3A_598 : vector<16xi32>
    %add3A_600 = arith.addi %mul3A_599, %get3A_593 : vector<16xi32>
    %sub3A_601 = arith.constant 1 : i32
    %sub3A_602 = vector.broadcast %sub3A_601 : i32 to vector<16xi32>
    %sub3A_603 = arith.subi %add3A_600, %sub3A_602 : vector<16xi32>
    %ge3A_604 = arith.constant 1 : i32
    %ge3A_605 = vector.broadcast %ge3A_604 : i32 to vector<16xi32>
    %ge3A_606 = arith.cmpi sge, %get3A_593, %ge3A_605 : vector<16xi32>
    tpu.vector_store_idx %arg6[%sub3A_603], %broadcast_in_dim3A_4 masked %ge3A_606 : memref<40960xf32, #tpu.memory_space<vmem>>[vector<16xi32>], vector<16xf32>, vector<16xi1>
    %get3A_607 = arith.constant 624 : index
    %get3A_608 = tpu.vector_load %arg4[%get3A_607] {strides = array<i32>} : memref<25600xi32, #tpu.memory_space<vmem>>, vector<16xi32>,
    %add3A_609 = arith.constant 304 : i32
    %add3A_610 = vector.broadcast %add3A_609 : i32 to vector<16xi32>
    %add3A_611 = arith.addi %iota3A, %add3A_610 : vector<16xi32>
    %mul3A_612 = arith.constant 128 : i32
    %mul3A_613 = vector.broadcast %mul3A_612 : i32 to vector<16xi32>
    %mul3A_614 = arith.muli %add3A_611, %mul3A_613 : vector<16xi32>
    %add3A_615 = arith.addi %mul3A_614, %get3A_608 : vector<16xi32>
    %sub3A_616 = arith.constant 1 : i32
    %sub3A_617 = vector.broadcast %sub3A_616 : i32 to vector<16xi32>
    %sub3A_618 = arith.subi %add3A_615, %sub3A_617 : vector<16xi32>
    %ge3A_619 = arith.constant 1 : i32
    %ge3A_620 = vector.broadcast %ge3A_619 : i32 to vector<16xi32>
    %ge3A_621 = arith.cmpi sge, %get3A_608, %ge3A_620 : vector<16xi32>
    tpu.vector_store_idx %arg6[%sub3A_618], %broadcast_in_dim3A_4 masked %ge3A_621 : memref<40960xf32, #tpu.memory_space<vmem>>[vector<16xi32>], vector<16xf32>, vector<16xi1>
    %add3A_622 = arith.constant 320 : i32
    %add3A_623 = arith.addi %mul3A_2, %add3A_622 : i32
    %mul3A_624 = arith.constant 128 : i32
    %mul3A_625 = arith.muli %add3A_623, %mul3A_624 : i32
    %dma_start3A_626 = tpu.memref_slice %arg3[%mul3A_625] : memref<104857600xf32, #tpu.memory_space<hbm>> -> memref<40960xf32, #tpu.memory_space<hbm>>
    %dma_start3A_627 = tpu.memref_slice %arg3[%mul3A_625] : memref<104857600xf32, #tpu.memory_space<hbm>> -> memref<40960xf32, #tpu.memory_space<hbm>>
    tpu.enqueue_dma source(%arg6 : memref<40960xf32, #tpu.memory_space<vmem>>) target(%dma_start3A_627 : memref<40960xf32, #tpu.memory_space<hbm>>) target_semaphore(%arg8 : memref<!tpu.dma_semaphore, #tpu.memory_space<semaphore_mem>>)
    %scan3A_628 = arith.constant 0 : i32
    %scan3A_629 = arith.constant 1 : i32
    %scan3A_630 = arith.constant 39 : i32
    %scan3A_631 = arith.addi %scan3A_629, %scan3A_630 : i32
    %scan3A_632 = arith.constant 1 : i32
    scf.for %scan3A_646 = %scan3A_629 to %scan3A_631 step %scan3A_632  : i32 {
      %mul3A_647 = arith.constant 2 : i32
      %mul3A_648 = arith.muli %mul3A_647, %scan3A_646 : i32
      %add3A_649 = arith.constant 0 : i32
      %add3A_650 = arith.addi %mul3A_648, %add3A_649 : i32
      %sub3A_651 = arith.constant 2 : i32
      %sub3A_652 = arith.subi %add3A_650, %sub3A_651 : i32
      %mul3A_653 = arith.constant 320 : i32
      %mul3A_654 = arith.muli %sub3A_652, %mul3A_653 : i32
      %add3A_655 = arith.addi %mul3A_2, %mul3A_654 : i32
      %mul3A_656 = arith.constant 128 : i32
      %mul3A_657 = arith.muli %add3A_655, %mul3A_656 : i32
      %dma_wait3A_658 = tpu.memref_slice %arg3[%mul3A_657] : memref<104857600xf32, #tpu.memory_space<hbm>> -> memref<40960xf32, #tpu.memory_space<hbm>>
      %dma_wait3A_659 = tpu.memref_slice %arg3[%mul3A_657] : memref<104857600xf32, #tpu.memory_space<hbm>> -> memref<40960xf32, #tpu.memory_space<hbm>>
      tpu.wait_dma2 semaphore(%arg7 : memref<!tpu.dma_semaphore, #tpu.memory_space<semaphore_mem>>) src(%arg5 : memref<40960xf32, #tpu.memory_space<vmem>>) dst(%dma_wait3A_659 : memref<40960xf32, #tpu.memory_space<hbm>>)
      %sub3A_660 = arith.constant 2 : i32
      %sub3A_661 = arith.subi %add3A_650, %sub3A_660 : i32
      %mul3A_662 = arith.constant 320 : i32
      %mul3A_663 = arith.muli %sub3A_661, %mul3A_662 : i32
      %add3A_664 = arith.constant 0 : i32
      %add3A_665 = arith.addi %mul3A_663, %add3A_664 : i32
      %get3A_666 = arith.index_cast %add3A_665 : i32 to index
      %get3A_667 = tpu.vector_load %arg4[%get3A_666] {strides = array<i32>} : memref<25600xi32, #tpu.memory_space<vmem>>, vector<16xi32>,
      %add3A_668 = arith.constant 0 : i32
      %add3A_669 = vector.broadcast %add3A_668 : i32 to vector<16xi32>
      %add3A_670 = arith.addi %iota3A, %add3A_669 : vector<16xi32>
      %mul3A_671 = arith.constant 128 : i32
      %mul3A_672 = vector.broadcast %mul3A_671 : i32 to vector<16xi32>
      %mul3A_673 = arith.muli %add3A_670, %mul3A_672 : vector<16xi32>
      %add3A_674 = arith.addi %mul3A_673, %get3A_667 : vector<16xi32>
      %sub3A_675 = arith.constant 1 : i32
      %sub3A_676 = vector.broadcast %sub3A_675 : i32 to vector<16xi32>
      %sub3A_677 = arith.subi %add3A_674, %sub3A_676 : vector<16xi32>
      %ge3A_678 = arith.constant 1 : i32
      %ge3A_679 = vector.broadcast %ge3A_678 : i32 to vector<16xi32>
      %ge3A_680 = arith.cmpi sge, %get3A_667, %ge3A_679 : vector<16xi32>
      tpu.vector_store_idx %arg5[%sub3A_677], %broadcast_in_dim3A_6 masked %ge3A_680 : memref<40960xf32, #tpu.memory_space<vmem>>[vector<16xi32>], vector<16xf32>, vector<16xi1>
      %mul3A_681 = arith.constant 320 : i32
      %mul3A_682 = arith.muli %sub3A_661, %mul3A_681 : i32
      %add3A_683 = arith.constant 16 : i32
      %add3A_684 = arith.addi %mul3A_682, %add3A_683 : i32
      %get3A_685 = arith.index_cast %add3A_684 : i32 to index
      %get3A_686 = tpu.vector_load %arg4[%get3A_685] {strides = array<i32>} : memref<25600xi32, #tpu.memory_space<vmem>>, vector<16xi32>,
      %add3A_687 = arith.constant 16 : i32
      %add3A_688 = vector.broadcast %add3A_687 : i32 to vector<16xi32>
      %add3A_689 = arith.addi %iota3A, %add3A_688 : vector<16xi32>
      %mul3A_690 = arith.constant 128 : i32
      %mul3A_691 = vector.broadcast %mul3A_690 : i32 to vector<16xi32>
      %mul3A_692 = arith.muli %add3A_689, %mul3A_691 : vector<16xi32>
      %add3A_693 = arith.addi %mul3A_692, %get3A_686 : vector<16xi32>
      %sub3A_694 = arith.constant 1 : i32
      %sub3A_695 = vector.broadcast %sub3A_694 : i32 to vector<16xi32>
      %sub3A_696 = arith.subi %add3A_693, %sub3A_695 : vector<16xi32>
      %ge3A_697 = arith.constant 1 : i32
      %ge3A_698 = vector.broadcast %ge3A_697 : i32 to vector<16xi32>
      %ge3A_699 = arith.cmpi sge, %get3A_686, %ge3A_698 : vector<16xi32>
      tpu.vector_store_idx %arg5[%sub3A_696], %broadcast_in_dim3A_6 masked %ge3A_699 : memref<40960xf32, #tpu.memory_space<vmem>>[vector<16xi32>], vector<16xf32>, vector<16xi1>
      %mul3A_700 = arith.constant 320 : i32
      %mul3A_701 = arith.muli %sub3A_661, %mul3A_700 : i32
      %add3A_702 = arith.constant 32 : i32
      %add3A_703 = arith.addi %mul3A_701, %add3A_702 : i32
      %get3A_704 = arith.index_cast %add3A_703 : i32 to index
      %get3A_705 = tpu.vector_load %arg4[%get3A_704] {strides = array<i32>} : memref<25600xi32, #tpu.memory_space<vmem>>, vector<16xi32>,
      %add3A_706 = arith.constant 32 : i32
      %add3A_707 = vector.broadcast %add3A_706 : i32 to vector<16xi32>
      %add3A_708 = arith.addi %iota3A, %add3A_707 : vector<16xi32>
      %mul3A_709 = arith.constant 128 : i32
      %mul3A_710 = vector.broadcast %mul3A_709 : i32 to vector<16xi32>
      %mul3A_711 = arith.muli %add3A_708, %mul3A_710 : vector<16xi32>
      %add3A_712 = arith.addi %mul3A_711, %get3A_705 : vector<16xi32>
      %sub3A_713 = arith.constant 1 : i32
      %sub3A_714 = vector.broadcast %sub3A_713 : i32 to vector<16xi32>
      %sub3A_715 = arith.subi %add3A_712, %sub3A_714 : vector<16xi32>
      %ge3A_716 = arith.constant 1 : i32
      %ge3A_717 = vector.broadcast %ge3A_716 : i32 to vector<16xi32>
      %ge3A_718 = arith.cmpi sge, %get3A_705, %ge3A_717 : vector<16xi32>
      tpu.vector_store_idx %arg5[%sub3A_715], %broadcast_in_dim3A_6 masked %ge3A_718 : memref<40960xf32, #tpu.memory_space<vmem>>[vector<16xi32>], vector<16xf32>, vector<16xi1>
      %mul3A_719 = arith.constant 320 : i32
      %mul3A_720 = arith.muli %sub3A_661, %mul3A_719 : i32
      %add3A_721 = arith.constant 48 : i32
      %add3A_722 = arith.addi %mul3A_720, %add3A_721 : i32
      %get3A_723 = arith.index_cast %add3A_722 : i32 to index
      %get3A_724 = tpu.vector_load %arg4[%get3A_723] {strides = array<i32>} : memref<25600xi32, #tpu.memory_space<vmem>>, vector<16xi32>,
      %add3A_725 = arith.constant 48 : i32
      %add3A_726 = vector.broadcast %add3A_725 : i32 to vector<16xi32>
      %add3A_727 = arith.addi %iota3A, %add3A_726 : vector<16xi32>
      %mul3A_728 = arith.constant 128 : i32
      %mul3A_729 = vector.broadcast %mul3A_728 : i32 to vector<16xi32>
      %mul3A_730 = arith.muli %add3A_727, %mul3A_729 : vector<16xi32>
      %add3A_731 = arith.addi %mul3A_730, %get3A_724 : vector<16xi32>
      %sub3A_732 = arith.constant 1 : i32
      %sub3A_733 = vector.broadcast %sub3A_732 : i32 to vector<16xi32>
      %sub3A_734 = arith.subi %add3A_731, %sub3A_733 : vector<16xi32>
      %ge3A_735 = arith.constant 1 : i32
      %ge3A_736 = vector.broadcast %ge3A_735 : i32 to vector<16xi32>
      %ge3A_737 = arith.cmpi sge, %get3A_724, %ge3A_736 : vector<16xi32>
      tpu.vector_store_idx %arg5[%sub3A_734], %broadcast_in_dim3A_6 masked %ge3A_737 : memref<40960xf32, #tpu.memory_space<vmem>>[vector<16xi32>], vector<16xf32>, vector<16xi1>
      %mul3A_738 = arith.constant 320 : i32
      %mul3A_739 = arith.muli %sub3A_661, %mul3A_738 : i32
      %add3A_740 = arith.constant 64 : i32
      %add3A_741 = arith.addi %mul3A_739, %add3A_740 : i32
      %get3A_742 = arith.index_cast %add3A_741 : i32 to index
      %get3A_743 = tpu.vector_load %arg4[%get3A_742] {strides = array<i32>} : memref<25600xi32, #tpu.memory_space<vmem>>, vector<16xi32>,
      %add3A_744 = arith.constant 64 : i32
      %add3A_745 = vector.broadcast %add3A_744 : i32 to vector<16xi32>
      %add3A_746 = arith.addi %iota3A, %add3A_745 : vector<16xi32>
      %mul3A_747 = arith.constant 128 : i32
      %mul3A_748 = vector.broadcast %mul3A_747 : i32 to vector<16xi32>
      %mul3A_749 = arith.muli %add3A_746, %mul3A_748 : vector<16xi32>
      %add3A_750 = arith.addi %mul3A_749, %get3A_743 : vector<16xi32>
      %sub3A_751 = arith.constant 1 : i32
      %sub3A_752 = vector.broadcast %sub3A_751 : i32 to vector<16xi32>
      %sub3A_753 = arith.subi %add3A_750, %sub3A_752 : vector<16xi32>
      %ge3A_754 = arith.constant 1 : i32
      %ge3A_755 = vector.broadcast %ge3A_754 : i32 to vector<16xi32>
      %ge3A_756 = arith.cmpi sge, %get3A_743, %ge3A_755 : vector<16xi32>
      tpu.vector_store_idx %arg5[%sub3A_753], %broadcast_in_dim3A_6 masked %ge3A_756 : memref<40960xf32, #tpu.memory_space<vmem>>[vector<16xi32>], vector<16xf32>, vector<16xi1>
      %mul3A_757 = arith.constant 320 : i32
      %mul3A_758 = arith.muli %sub3A_661, %mul3A_757 : i32
      %add3A_759 = arith.constant 80 : i32
      %add3A_760 = arith.addi %mul3A_758, %add3A_759 : i32
      %get3A_761 = arith.index_cast %add3A_760 : i32 to index
      %get3A_762 = tpu.vector_load %arg4[%get3A_761] {strides = array<i32>} : memref<25600xi32, #tpu.memory_space<vmem>>, vector<16xi32>,
      %add3A_763 = arith.constant 80 : i32
      %add3A_764 = vector.broadcast %add3A_763 : i32 to vector<16xi32>
      %add3A_765 = arith.addi %iota3A, %add3A_764 : vector<16xi32>
      %mul3A_766 = arith.constant 128 : i32
      %mul3A_767 = vector.broadcast %mul3A_766 : i32 to vector<16xi32>
      %mul3A_768 = arith.muli %add3A_765, %mul3A_767 : vector<16xi32>
      %add3A_769 = arith.addi %mul3A_768, %get3A_762 : vector<16xi32>
      %sub3A_770 = arith.constant 1 : i32
      %sub3A_771 = vector.broadcast %sub3A_770 : i32 to vector<16xi32>
      %sub3A_772 = arith.subi %add3A_769, %sub3A_771 : vector<16xi32>
      %ge3A_773 = arith.constant 1 : i32
      %ge3A_774 = vector.broadcast %ge3A_773 : i32 to vector<16xi32>
      %ge3A_775 = arith.cmpi sge, %get3A_762, %ge3A_774 : vector<16xi32>
      tpu.vector_store_idx %arg5[%sub3A_772], %broadcast_in_dim3A_6 masked %ge3A_775 : memref<40960xf32, #tpu.memory_space<vmem>>[vector<16xi32>], vector<16xf32>, vector<16xi1>
      %mul3A_776 = arith.constant 320 : i32
      %mul3A_777 = arith.muli %sub3A_661, %mul3A_776 : i32
      %add3A_778 = arith.constant 96 : i32
      %add3A_779 = arith.addi %mul3A_777, %add3A_778 : i32
      %get3A_780 = arith.index_cast %add3A_779 : i32 to index
      %get3A_781 = tpu.vector_load %arg4[%get3A_780] {strides = array<i32>} : memref<25600xi32, #tpu.memory_space<vmem>>, vector<16xi32>,
      %add3A_782 = arith.constant 96 : i32
      %add3A_783 = vector.broadcast %add3A_782 : i32 to vector<16xi32>
      %add3A_784 = arith.addi %iota3A, %add3A_783 : vector<16xi32>
      %mul3A_785 = arith.constant 128 : i32
      %mul3A_786 = vector.broadcast %mul3A_785 : i32 to vector<16xi32>
      %mul3A_787 = arith.muli %add3A_784, %mul3A_786 : vector<16xi32>
      %add3A_788 = arith.addi %mul3A_787, %get3A_781 : vector<16xi32>
      %sub3A_789 = arith.constant 1 : i32
      %sub3A_790 = vector.broadcast %sub3A_789 : i32 to vector<16xi32>
      %sub3A_791 = arith.subi %add3A_788, %sub3A_790 : vector<16xi32>
      %ge3A_792 = arith.constant 1 : i32
      %ge3A_793 = vector.broadcast %ge3A_792 : i32 to vector<16xi32>
      %ge3A_794 = arith.cmpi sge, %get3A_781, %ge3A_793 : vector<16xi32>
      tpu.vector_store_idx %arg5[%sub3A_791], %broadcast_in_dim3A_6 masked %ge3A_794 : memref<40960xf32, #tpu.memory_space<vmem>>[vector<16xi32>], vector<16xf32>, vector<16xi1>
      %mul3A_795 = arith.constant 320 : i32
      %mul3A_796 = arith.muli %sub3A_661, %mul3A_795 : i32
      %add3A_797 = arith.constant 112 : i32
      %add3A_798 = arith.addi %mul3A_796, %add3A_797 : i32
      %get3A_799 = arith.index_cast %add3A_798 : i32 to index
      %get3A_800 = tpu.vector_load %arg4[%get3A_799] {strides = array<i32>} : memref<25600xi32, #tpu.memory_space<vmem>>, vector<16xi32>,
      %add3A_801 = arith.constant 112 : i32
      %add3A_802 = vector.broadcast %add3A_801 : i32 to vector<16xi32>
      %add3A_803 = arith.addi %iota3A, %add3A_802 : vector<16xi32>
      %mul3A_804 = arith.constant 128 : i32
      %mul3A_805 = vector.broadcast %mul3A_804 : i32 to vector<16xi32>
      %mul3A_806 = arith.muli %add3A_803, %mul3A_805 : vector<16xi32>
      %add3A_807 = arith.addi %mul3A_806, %get3A_800 : vector<16xi32>
      %sub3A_808 = arith.constant 1 : i32
      %sub3A_809 = vector.broadcast %sub3A_808 : i32 to vector<16xi32>
      %sub3A_810 = arith.subi %add3A_807, %sub3A_809 : vector<16xi32>
      %ge3A_811 = arith.constant 1 : i32
      %ge3A_812 = vector.broadcast %ge3A_811 : i32 to vector<16xi32>
      %ge3A_813 = arith.cmpi sge, %get3A_800, %ge3A_812 : vector<16xi32>
      tpu.vector_store_idx %arg5[%sub3A_810], %broadcast_in_dim3A_6 masked %ge3A_813 : memref<40960xf32, #tpu.memory_space<vmem>>[vector<16xi32>], vector<16xf32>, vector<16xi1>
      %mul3A_814 = arith.constant 320 : i32
      %mul3A_815 = arith.muli %sub3A_661, %mul3A_814 : i32
      %add3A_816 = arith.constant 128 : i32
      %add3A_817 = arith.addi %mul3A_815, %add3A_816 : i32
      %get3A_818 = arith.index_cast %add3A_817 : i32 to index
      %get3A_819 = tpu.vector_load %arg4[%get3A_818] {strides = array<i32>} : memref<25600xi32, #tpu.memory_space<vmem>>, vector<16xi32>,
      %add3A_820 = arith.constant 128 : i32
      %add3A_821 = vector.broadcast %add3A_820 : i32 to vector<16xi32>
      %add3A_822 = arith.addi %iota3A, %add3A_821 : vector<16xi32>
      %mul3A_823 = arith.constant 128 : i32
      %mul3A_824 = vector.broadcast %mul3A_823 : i32 to vector<16xi32>
      %mul3A_825 = arith.muli %add3A_822, %mul3A_824 : vector<16xi32>
      %add3A_826 = arith.addi %mul3A_825, %get3A_819 : vector<16xi32>
      %sub3A_827 = arith.constant 1 : i32
      %sub3A_828 = vector.broadcast %sub3A_827 : i32 to vector<16xi32>
      %sub3A_829 = arith.subi %add3A_826, %sub3A_828 : vector<16xi32>
      %ge3A_830 = arith.constant 1 : i32
      %ge3A_831 = vector.broadcast %ge3A_830 : i32 to vector<16xi32>
      %ge3A_832 = arith.cmpi sge, %get3A_819, %ge3A_831 : vector<16xi32>
      tpu.vector_store_idx %arg5[%sub3A_829], %broadcast_in_dim3A_6 masked %ge3A_832 : memref<40960xf32, #tpu.memory_space<vmem>>[vector<16xi32>], vector<16xf32>, vector<16xi1>
      %mul3A_833 = arith.constant 320 : i32
      %mul3A_834 = arith.muli %sub3A_661, %mul3A_833 : i32
      %add3A_835 = arith.constant 144 : i32
      %add3A_836 = arith.addi %mul3A_834, %add3A_835 : i32
      %get3A_837 = arith.index_cast %add3A_836 : i32 to index
      %get3A_838 = tpu.vector_load %arg4[%get3A_837] {strides = array<i32>} : memref<25600xi32, #tpu.memory_space<vmem>>, vector<16xi32>,
      %add3A_839 = arith.constant 144 : i32
      %add3A_840 = vector.broadcast %add3A_839 : i32 to vector<16xi32>
      %add3A_841 = arith.addi %iota3A, %add3A_840 : vector<16xi32>
      %mul3A_842 = arith.constant 128 : i32
      %mul3A_843 = vector.broadcast %mul3A_842 : i32 to vector<16xi32>
      %mul3A_844 = arith.muli %add3A_841, %mul3A_843 : vector<16xi32>
      %add3A_845 = arith.addi %mul3A_844, %get3A_838 : vector<16xi32>
      %sub3A_846 = arith.constant 1 : i32
      %sub3A_847 = vector.broadcast %sub3A_846 : i32 to vector<16xi32>
      %sub3A_848 = arith.subi %add3A_845, %sub3A_847 : vector<16xi32>
      %ge3A_849 = arith.constant 1 : i32
      %ge3A_850 = vector.broadcast %ge3A_849 : i32 to vector<16xi32>
      %ge3A_851 = arith.cmpi sge, %get3A_838, %ge3A_850 : vector<16xi32>
      tpu.vector_store_idx %arg5[%sub3A_848], %broadcast_in_dim3A_6 masked %ge3A_851 : memref<40960xf32, #tpu.memory_space<vmem>>[vector<16xi32>], vector<16xf32>, vector<16xi1>
      %mul3A_852 = arith.constant 320 : i32
      %mul3A_853 = arith.muli %sub3A_661, %mul3A_852 : i32
      %add3A_854 = arith.constant 160 : i32
      %add3A_855 = arith.addi %mul3A_853, %add3A_854 : i32
      %get3A_856 = arith.index_cast %add3A_855 : i32 to index
      %get3A_857 = tpu.vector_load %arg4[%get3A_856] {strides = array<i32>} : memref<25600xi32, #tpu.memory_space<vmem>>, vector<16xi32>,
      %add3A_858 = arith.constant 160 : i32
      %add3A_859 = vector.broadcast %add3A_858 : i32 to vector<16xi32>
      %add3A_860 = arith.addi %iota3A, %add3A_859 : vector<16xi32>
      %mul3A_861 = arith.constant 128 : i32
      %mul3A_862 = vector.broadcast %mul3A_861 : i32 to vector<16xi32>
      %mul3A_863 = arith.muli %add3A_860, %mul3A_862 : vector<16xi32>
      %add3A_864 = arith.addi %mul3A_863, %get3A_857 : vector<16xi32>
      %sub3A_865 = arith.constant 1 : i32
      %sub3A_866 = vector.broadcast %sub3A_865 : i32 to vector<16xi32>
      %sub3A_867 = arith.subi %add3A_864, %sub3A_866 : vector<16xi32>
      %ge3A_868 = arith.constant 1 : i32
      %ge3A_869 = vector.broadcast %ge3A_868 : i32 to vector<16xi32>
      %ge3A_870 = arith.cmpi sge, %get3A_857, %ge3A_869 : vector<16xi32>
      tpu.vector_store_idx %arg5[%sub3A_867], %broadcast_in_dim3A_6 masked %ge3A_870 : memref<40960xf32, #tpu.memory_space<vmem>>[vector<16xi32>], vector<16xf32>, vector<16xi1>
      %mul3A_871 = arith.constant 320 : i32
      %mul3A_872 = arith.muli %sub3A_661, %mul3A_871 : i32
      %add3A_873 = arith.constant 176 : i32
      %add3A_874 = arith.addi %mul3A_872, %add3A_873 : i32
      %get3A_875 = arith.index_cast %add3A_874 : i32 to index
      %get3A_876 = tpu.vector_load %arg4[%get3A_875] {strides = array<i32>} : memref<25600xi32, #tpu.memory_space<vmem>>, vector<16xi32>,
      %add3A_877 = arith.constant 176 : i32
      %add3A_878 = vector.broadcast %add3A_877 : i32 to vector<16xi32>
      %add3A_879 = arith.addi %iota3A, %add3A_878 : vector<16xi32>
      %mul3A_880 = arith.constant 128 : i32
      %mul3A_881 = vector.broadcast %mul3A_880 : i32 to vector<16xi32>
      %mul3A_882 = arith.muli %add3A_879, %mul3A_881 : vector<16xi32>
      %add3A_883 = arith.addi %mul3A_882, %get3A_876 : vector<16xi32>
      %sub3A_884 = arith.constant 1 : i32
      %sub3A_885 = vector.broadcast %sub3A_884 : i32 to vector<16xi32>
      %sub3A_886 = arith.subi %add3A_883, %sub3A_885 : vector<16xi32>
      %ge3A_887 = arith.constant 1 : i32
      %ge3A_888 = vector.broadcast %ge3A_887 : i32 to vector<16xi32>
      %ge3A_889 = arith.cmpi sge, %get3A_876, %ge3A_888 : vector<16xi32>
      tpu.vector_store_idx %arg5[%sub3A_886], %broadcast_in_dim3A_6 masked %ge3A_889 : memref<40960xf32, #tpu.memory_space<vmem>>[vector<16xi32>], vector<16xf32>, vector<16xi1>
      %mul3A_890 = arith.constant 320 : i32
      %mul3A_891 = arith.muli %sub3A_661, %mul3A_890 : i32
      %add3A_892 = arith.constant 192 : i32
      %add3A_893 = arith.addi %mul3A_891, %add3A_892 : i32
      %get3A_894 = arith.index_cast %add3A_893 : i32 to index
      %get3A_895 = tpu.vector_load %arg4[%get3A_894] {strides = array<i32>} : memref<25600xi32, #tpu.memory_space<vmem>>, vector<16xi32>,
      %add3A_896 = arith.constant 192 : i32
      %add3A_897 = vector.broadcast %add3A_896 : i32 to vector<16xi32>
      %add3A_898 = arith.addi %iota3A, %add3A_897 : vector<16xi32>
      %mul3A_899 = arith.constant 128 : i32
      %mul3A_900 = vector.broadcast %mul3A_899 : i32 to vector<16xi32>
      %mul3A_901 = arith.muli %add3A_898, %mul3A_900 : vector<16xi32>
      %add3A_902 = arith.addi %mul3A_901, %get3A_895 : vector<16xi32>
      %sub3A_903 = arith.constant 1 : i32
      %sub3A_904 = vector.broadcast %sub3A_903 : i32 to vector<16xi32>
      %sub3A_905 = arith.subi %add3A_902, %sub3A_904 : vector<16xi32>
      %ge3A_906 = arith.constant 1 : i32
      %ge3A_907 = vector.broadcast %ge3A_906 : i32 to vector<16xi32>
      %ge3A_908 = arith.cmpi sge, %get3A_895, %ge3A_907 : vector<16xi32>
      tpu.vector_store_idx %arg5[%sub3A_905], %broadcast_in_dim3A_6 masked %ge3A_908 : memref<40960xf32, #tpu.memory_space<vmem>>[vector<16xi32>], vector<16xf32>, vector<16xi1>
      %mul3A_909 = arith.constant 320 : i32
      %mul3A_910 = arith.muli %sub3A_661, %mul3A_909 : i32
      %add3A_911 = arith.constant 208 : i32
      %add3A_912 = arith.addi %mul3A_910, %add3A_911 : i32
      %get3A_913 = arith.index_cast %add3A_912 : i32 to index
      %get3A_914 = tpu.vector_load %arg4[%get3A_913] {strides = array<i32>} : memref<25600xi32, #tpu.memory_space<vmem>>, vector<16xi32>,
      %add3A_915 = arith.constant 208 : i32
      %add3A_916 = vector.broadcast %add3A_915 : i32 to vector<16xi32>
      %add3A_917 = arith.addi %iota3A, %add3A_916 : vector<16xi32>
      %mul3A_918 = arith.constant 128 : i32
      %mul3A_919 = vector.broadcast %mul3A_918 : i32 to vector<16xi32>
      %mul3A_920 = arith.muli %add3A_917, %mul3A_919 : vector<16xi32>
      %add3A_921 = arith.addi %mul3A_920, %get3A_914 : vector<16xi32>
      %sub3A_922 = arith.constant 1 : i32
      %sub3A_923 = vector.broadcast %sub3A_922 : i32 to vector<16xi32>
      %sub3A_924 = arith.subi %add3A_921, %sub3A_923 : vector<16xi32>
      %ge3A_925 = arith.constant 1 : i32
      %ge3A_926 = vector.broadcast %ge3A_925 : i32 to vector<16xi32>
      %ge3A_927 = arith.cmpi sge, %get3A_914, %ge3A_926 : vector<16xi32>
      tpu.vector_store_idx %arg5[%sub3A_924], %broadcast_in_dim3A_6 masked %ge3A_927 : memref<40960xf32, #tpu.memory_space<vmem>>[vector<16xi32>], vector<16xf32>, vector<16xi1>
      %mul3A_928 = arith.constant 320 : i32
      %mul3A_929 = arith.muli %sub3A_661, %mul3A_928 : i32
      %add3A_930 = arith.constant 224 : i32
      %add3A_931 = arith.addi %mul3A_929, %add3A_930 : i32
      %get3A_932 = arith.index_cast %add3A_931 : i32 to index
      %get3A_933 = tpu.vector_load %arg4[%get3A_932] {strides = array<i32>} : memref<25600xi32, #tpu.memory_space<vmem>>, vector<16xi32>,
      %add3A_934 = arith.constant 224 : i32
      %add3A_935 = vector.broadcast %add3A_934 : i32 to vector<16xi32>
      %add3A_936 = arith.addi %iota3A, %add3A_935 : vector<16xi32>
      %mul3A_937 = arith.constant 128 : i32
      %mul3A_938 = vector.broadcast %mul3A_937 : i32 to vector<16xi32>
      %mul3A_939 = arith.muli %add3A_936, %mul3A_938 : vector<16xi32>
      %add3A_940 = arith.addi %mul3A_939, %get3A_933 : vector<16xi32>
      %sub3A_941 = arith.constant 1 : i32
      %sub3A_942 = vector.broadcast %sub3A_941 : i32 to vector<16xi32>
      %sub3A_943 = arith.subi %add3A_940, %sub3A_942 : vector<16xi32>
      %ge3A_944 = arith.constant 1 : i32
      %ge3A_945 = vector.broadcast %ge3A_944 : i32 to vector<16xi32>
      %ge3A_946 = arith.cmpi sge, %get3A_933, %ge3A_945 : vector<16xi32>
      tpu.vector_store_idx %arg5[%sub3A_943], %broadcast_in_dim3A_6 masked %ge3A_946 : memref<40960xf32, #tpu.memory_space<vmem>>[vector<16xi32>], vector<16xf32>, vector<16xi1>
      %mul3A_947 = arith.constant 320 : i32
      %mul3A_948 = arith.muli %sub3A_661, %mul3A_947 : i32
      %add3A_949 = arith.constant 240 : i32
      %add3A_950 = arith.addi %mul3A_948, %add3A_949 : i32
      %get3A_951 = arith.index_cast %add3A_950 : i32 to index
      %get3A_952 = tpu.vector_load %arg4[%get3A_951] {strides = array<i32>} : memref<25600xi32, #tpu.memory_space<vmem>>, vector<16xi32>,
      %add3A_953 = arith.constant 240 : i32
      %add3A_954 = vector.broadcast %add3A_953 : i32 to vector<16xi32>
      %add3A_955 = arith.addi %iota3A, %add3A_954 : vector<16xi32>
      %mul3A_956 = arith.constant 128 : i32
      %mul3A_957 = vector.broadcast %mul3A_956 : i32 to vector<16xi32>
      %mul3A_958 = arith.muli %add3A_955, %mul3A_957 : vector<16xi32>
      %add3A_959 = arith.addi %mul3A_958, %get3A_952 : vector<16xi32>
      %sub3A_960 = arith.constant 1 : i32
      %sub3A_961 = vector.broadcast %sub3A_960 : i32 to vector<16xi32>
      %sub3A_962 = arith.subi %add3A_959, %sub3A_961 : vector<16xi32>
      %ge3A_963 = arith.constant 1 : i32
      %ge3A_964 = vector.broadcast %ge3A_963 : i32 to vector<16xi32>
      %ge3A_965 = arith.cmpi sge, %get3A_952, %ge3A_964 : vector<16xi32>
      tpu.vector_store_idx %arg5[%sub3A_962], %broadcast_in_dim3A_6 masked %ge3A_965 : memref<40960xf32, #tpu.memory_space<vmem>>[vector<16xi32>], vector<16xf32>, vector<16xi1>
      %mul3A_966 = arith.constant 320 : i32
      %mul3A_967 = arith.muli %sub3A_661, %mul3A_966 : i32
      %add3A_968 = arith.constant 256 : i32
      %add3A_969 = arith.addi %mul3A_967, %add3A_968 : i32
      %get3A_970 = arith.index_cast %add3A_969 : i32 to index
      %get3A_971 = tpu.vector_load %arg4[%get3A_970] {strides = array<i32>} : memref<25600xi32, #tpu.memory_space<vmem>>, vector<16xi32>,
      %add3A_972 = arith.constant 256 : i32
      %add3A_973 = vector.broadcast %add3A_972 : i32 to vector<16xi32>
      %add3A_974 = arith.addi %iota3A, %add3A_973 : vector<16xi32>
      %mul3A_975 = arith.constant 128 : i32
      %mul3A_976 = vector.broadcast %mul3A_975 : i32 to vector<16xi32>
      %mul3A_977 = arith.muli %add3A_974, %mul3A_976 : vector<16xi32>
      %add3A_978 = arith.addi %mul3A_977, %get3A_971 : vector<16xi32>
      %sub3A_979 = arith.constant 1 : i32
      %sub3A_980 = vector.broadcast %sub3A_979 : i32 to vector<16xi32>
      %sub3A_981 = arith.subi %add3A_978, %sub3A_980 : vector<16xi32>
      %ge3A_982 = arith.constant 1 : i32
      %ge3A_983 = vector.broadcast %ge3A_982 : i32 to vector<16xi32>
      %ge3A_984 = arith.cmpi sge, %get3A_971, %ge3A_983 : vector<16xi32>
      tpu.vector_store_idx %arg5[%sub3A_981], %broadcast_in_dim3A_6 masked %ge3A_984 : memref<40960xf32, #tpu.memory_space<vmem>>[vector<16xi32>], vector<16xf32>, vector<16xi1>
      %mul3A_985 = arith.constant 320 : i32
      %mul3A_986 = arith.muli %sub3A_661, %mul3A_985 : i32
      %add3A_987 = arith.constant 272 : i32
      %add3A_988 = arith.addi %mul3A_986, %add3A_987 : i32
      %get3A_989 = arith.index_cast %add3A_988 : i32 to index
      %get3A_990 = tpu.vector_load %arg4[%get3A_989] {strides = array<i32>} : memref<25600xi32, #tpu.memory_space<vmem>>, vector<16xi32>,
      %add3A_991 = arith.constant 272 : i32
      %add3A_992 = vector.broadcast %add3A_991 : i32 to vector<16xi32>
      %add3A_993 = arith.addi %iota3A, %add3A_992 : vector<16xi32>
      %mul3A_994 = arith.constant 128 : i32
      %mul3A_995 = vector.broadcast %mul3A_994 : i32 to vector<16xi32>
      %mul3A_996 = arith.muli %add3A_993, %mul3A_995 : vector<16xi32>
      %add3A_997 = arith.addi %mul3A_996, %get3A_990 : vector<16xi32>
      %sub3A_998 = arith.constant 1 : i32
      %sub3A_999 = vector.broadcast %sub3A_998 : i32 to vector<16xi32>
      %sub3A_1000 = arith.subi %add3A_997, %sub3A_999 : vector<16xi32>
      %ge3A_1001 = arith.constant 1 : i32
      %ge3A_1002 = vector.broadcast %ge3A_1001 : i32 to vector<16xi32>
      %ge3A_1003 = arith.cmpi sge, %get3A_990, %ge3A_1002 : vector<16xi32>
      tpu.vector_store_idx %arg5[%sub3A_1000], %broadcast_in_dim3A_6 masked %ge3A_1003 : memref<40960xf32, #tpu.memory_space<vmem>>[vector<16xi32>], vector<16xf32>, vector<16xi1>
      %mul3A_1004 = arith.constant 320 : i32
      %mul3A_1005 = arith.muli %sub3A_661, %mul3A_1004 : i32
      %add3A_1006 = arith.constant 288 : i32
      %add3A_1007 = arith.addi %mul3A_1005, %add3A_1006 : i32
      %get3A_1008 = arith.index_cast %add3A_1007 : i32 to index
      %get3A_1009 = tpu.vector_load %arg4[%get3A_1008] {strides = array<i32>} : memref<25600xi32, #tpu.memory_space<vmem>>, vector<16xi32>,
      %add3A_1010 = arith.constant 288 : i32
      %add3A_1011 = vector.broadcast %add3A_1010 : i32 to vector<16xi32>
      %add3A_1012 = arith.addi %iota3A, %add3A_1011 : vector<16xi32>
      %mul3A_1013 = arith.constant 128 : i32
      %mul3A_1014 = vector.broadcast %mul3A_1013 : i32 to vector<16xi32>
      %mul3A_1015 = arith.muli %add3A_1012, %mul3A_1014 : vector<16xi32>
      %add3A_1016 = arith.addi %mul3A_1015, %get3A_1009 : vector<16xi32>
      %sub3A_1017 = arith.constant 1 : i32
      %sub3A_1018 = vector.broadcast %sub3A_1017 : i32 to vector<16xi32>
      %sub3A_1019 = arith.subi %add3A_1016, %sub3A_1018 : vector<16xi32>
      %ge3A_1020 = arith.constant 1 : i32
      %ge3A_1021 = vector.broadcast %ge3A_1020 : i32 to vector<16xi32>
      %ge3A_1022 = arith.cmpi sge, %get3A_1009, %ge3A_1021 : vector<16xi32>
      tpu.vector_store_idx %arg5[%sub3A_1019], %broadcast_in_dim3A_6 masked %ge3A_1022 : memref<40960xf32, #tpu.memory_space<vmem>>[vector<16xi32>], vector<16xf32>, vector<16xi1>
      %mul3A_1023 = arith.constant 320 : i32
      %mul3A_1024 = arith.muli %sub3A_661, %mul3A_1023 : i32
      %add3A_1025 = arith.constant 304 : i32
      %add3A_1026 = arith.addi %mul3A_1024, %add3A_1025 : i32
      %get3A_1027 = arith.index_cast %add3A_1026 : i32 to index
      %get3A_1028 = tpu.vector_load %arg4[%get3A_1027] {strides = array<i32>} : memref<25600xi32, #tpu.memory_space<vmem>>, vector<16xi32>,
      %add3A_1029 = arith.constant 304 : i32
      %add3A_1030 = vector.broadcast %add3A_1029 : i32 to vector<16xi32>
      %add3A_1031 = arith.addi %iota3A, %add3A_1030 : vector<16xi32>
      %mul3A_1032 = arith.constant 128 : i32
      %mul3A_1033 = vector.broadcast %mul3A_1032 : i32 to vector<16xi32>
      %mul3A_1034 = arith.muli %add3A_1031, %mul3A_1033 : vector<16xi32>
      %add3A_1035 = arith.addi %mul3A_1034, %get3A_1028 : vector<16xi32>
      %sub3A_1036 = arith.constant 1 : i32
      %sub3A_1037 = vector.broadcast %sub3A_1036 : i32 to vector<16xi32>
      %sub3A_1038 = arith.subi %add3A_1035, %sub3A_1037 : vector<16xi32>
      %ge3A_1039 = arith.constant 1 : i32
      %ge3A_1040 = vector.broadcast %ge3A_1039 : i32 to vector<16xi32>
      %ge3A_1041 = arith.cmpi sge, %get3A_1028, %ge3A_1040 : vector<16xi32>
      tpu.vector_store_idx %arg5[%sub3A_1038], %broadcast_in_dim3A_6 masked %ge3A_1041 : memref<40960xf32, #tpu.memory_space<vmem>>[vector<16xi32>], vector<16xf32>, vector<16xi1>
      %mul3A_1042 = arith.constant 320 : i32
      %mul3A_1043 = arith.muli %add3A_650, %mul3A_1042 : i32
      %add3A_1044 = arith.constant 0 : i32
      %add3A_1045 = arith.addi %mul3A_1043, %add3A_1044 : i32
      %get3A_1046 = arith.index_cast %add3A_1045 : i32 to index
      %get3A_1047 = tpu.vector_load %arg4[%get3A_1046] {strides = array<i32>} : memref<25600xi32, #tpu.memory_space<vmem>>, vector<16xi32>,
      %add3A_1048 = arith.constant 0 : i32
      %add3A_1049 = vector.broadcast %add3A_1048 : i32 to vector<16xi32>
      %add3A_1050 = arith.addi %iota3A, %add3A_1049 : vector<16xi32>
      %mul3A_1051 = arith.constant 128 : i32
      %mul3A_1052 = vector.broadcast %mul3A_1051 : i32 to vector<16xi32>
      %mul3A_1053 = arith.muli %add3A_1050, %mul3A_1052 : vector<16xi32>
      %add3A_1054 = arith.addi %mul3A_1053, %get3A_1047 : vector<16xi32>
      %sub3A_1055 = arith.constant 1 : i32
      %sub3A_1056 = vector.broadcast %sub3A_1055 : i32 to vector<16xi32>
      %sub3A_1057 = arith.subi %add3A_1054, %sub3A_1056 : vector<16xi32>
      %ge3A_1058 = arith.constant 1 : i32
      %ge3A_1059 = vector.broadcast %ge3A_1058 : i32 to vector<16xi32>
      %ge3A_1060 = arith.cmpi sge, %get3A_1047, %ge3A_1059 : vector<16xi32>
      tpu.vector_store_idx %arg5[%sub3A_1057], %broadcast_in_dim3A_4 masked %ge3A_1060 : memref<40960xf32, #tpu.memory_space<vmem>>[vector<16xi32>], vector<16xf32>, vector<16xi1>
      %mul3A_1061 = arith.constant 320 : i32
      %mul3A_1062 = arith.muli %add3A_650, %mul3A_1061 : i32
      %add3A_1063 = arith.constant 16 : i32
      %add3A_1064 = arith.addi %mul3A_1062, %add3A_1063 : i32
      %get3A_1065 = arith.index_cast %add3A_1064 : i32 to index
      %get3A_1066 = tpu.vector_load %arg4[%get3A_1065] {strides = array<i32>} : memref<25600xi32, #tpu.memory_space<vmem>>, vector<16xi32>,
      %add3A_1067 = arith.constant 16 : i32
      %add3A_1068 = vector.broadcast %add3A_1067 : i32 to vector<16xi32>
      %add3A_1069 = arith.addi %iota3A, %add3A_1068 : vector<16xi32>
      %mul3A_1070 = arith.constant 128 : i32
      %mul3A_1071 = vector.broadcast %mul3A_1070 : i32 to vector<16xi32>
      %mul3A_1072 = arith.muli %add3A_1069, %mul3A_1071 : vector<16xi32>
      %add3A_1073 = arith.addi %mul3A_1072, %get3A_1066 : vector<16xi32>
      %sub3A_1074 = arith.constant 1 : i32
      %sub3A_1075 = vector.broadcast %sub3A_1074 : i32 to vector<16xi32>
      %sub3A_1076 = arith.subi %add3A_1073, %sub3A_1075 : vector<16xi32>
      %ge3A_1077 = arith.constant 1 : i32
      %ge3A_1078 = vector.broadcast %ge3A_1077 : i32 to vector<16xi32>
      %ge3A_1079 = arith.cmpi sge, %get3A_1066, %ge3A_1078 : vector<16xi32>
      tpu.vector_store_idx %arg5[%sub3A_1076], %broadcast_in_dim3A_4 masked %ge3A_1079 : memref<40960xf32, #tpu.memory_space<vmem>>[vector<16xi32>], vector<16xf32>, vector<16xi1>
      %mul3A_1080 = arith.constant 320 : i32
      %mul3A_1081 = arith.muli %add3A_650, %mul3A_1080 : i32
      %add3A_1082 = arith.constant 32 : i32
      %add3A_1083 = arith.addi %mul3A_1081, %add3A_1082 : i32
      %get3A_1084 = arith.index_cast %add3A_1083 : i32 to index
      %get3A_1085 = tpu.vector_load %arg4[%get3A_1084] {strides = array<i32>} : memref<25600xi32, #tpu.memory_space<vmem>>, vector<16xi32>,
      %add3A_1086 = arith.constant 32 : i32
      %add3A_1087 = vector.broadcast %add3A_1086 : i32 to vector<16xi32>
      %add3A_1088 = arith.addi %iota3A, %add3A_1087 : vector<16xi32>
      %mul3A_1089 = arith.constant 128 : i32
      %mul3A_1090 = vector.broadcast %mul3A_1089 : i32 to vector<16xi32>
      %mul3A_1091 = arith.muli %add3A_1088, %mul3A_1090 : vector<16xi32>
      %add3A_1092 = arith.addi %mul3A_1091, %get3A_1085 : vector<16xi32>
      %sub3A_1093 = arith.constant 1 : i32
      %sub3A_1094 = vector.broadcast %sub3A_1093 : i32 to vector<16xi32>
      %sub3A_1095 = arith.subi %add3A_1092, %sub3A_1094 : vector<16xi32>
      %ge3A_1096 = arith.constant 1 : i32
      %ge3A_1097 = vector.broadcast %ge3A_1096 : i32 to vector<16xi32>
      %ge3A_1098 = arith.cmpi sge, %get3A_1085, %ge3A_1097 : vector<16xi32>
      tpu.vector_store_idx %arg5[%sub3A_1095], %broadcast_in_dim3A_4 masked %ge3A_1098 : memref<40960xf32, #tpu.memory_space<vmem>>[vector<16xi32>], vector<16xf32>, vector<16xi1>
      %mul3A_1099 = arith.constant 320 : i32
      %mul3A_1100 = arith.muli %add3A_650, %mul3A_1099 : i32
      %add3A_1101 = arith.constant 48 : i32
      %add3A_1102 = arith.addi %mul3A_1100, %add3A_1101 : i32
      %get3A_1103 = arith.index_cast %add3A_1102 : i32 to index
      %get3A_1104 = tpu.vector_load %arg4[%get3A_1103] {strides = array<i32>} : memref<25600xi32, #tpu.memory_space<vmem>>, vector<16xi32>,
      %add3A_1105 = arith.constant 48 : i32
      %add3A_1106 = vector.broadcast %add3A_1105 : i32 to vector<16xi32>
      %add3A_1107 = arith.addi %iota3A, %add3A_1106 : vector<16xi32>
      %mul3A_1108 = arith.constant 128 : i32
      %mul3A_1109 = vector.broadcast %mul3A_1108 : i32 to vector<16xi32>
      %mul3A_1110 = arith.muli %add3A_1107, %mul3A_1109 : vector<16xi32>
      %add3A_1111 = arith.addi %mul3A_1110, %get3A_1104 : vector<16xi32>
      %sub3A_1112 = arith.constant 1 : i32
      %sub3A_1113 = vector.broadcast %sub3A_1112 : i32 to vector<16xi32>
      %sub3A_1114 = arith.subi %add3A_1111, %sub3A_1113 : vector<16xi32>
      %ge3A_1115 = arith.constant 1 : i32
      %ge3A_1116 = vector.broadcast %ge3A_1115 : i32 to vector<16xi32>
      %ge3A_1117 = arith.cmpi sge, %get3A_1104, %ge3A_1116 : vector<16xi32>
      tpu.vector_store_idx %arg5[%sub3A_1114], %broadcast_in_dim3A_4 masked %ge3A_1117 : memref<40960xf32, #tpu.memory_space<vmem>>[vector<16xi32>], vector<16xf32>, vector<16xi1>
      %mul3A_1118 = arith.constant 320 : i32
      %mul3A_1119 = arith.muli %add3A_650, %mul3A_1118 : i32
      %add3A_1120 = arith.constant 64 : i32
      %add3A_1121 = arith.addi %mul3A_1119, %add3A_1120 : i32
      %get3A_1122 = arith.index_cast %add3A_1121 : i32 to index
      %get3A_1123 = tpu.vector_load %arg4[%get3A_1122] {strides = array<i32>} : memref<25600xi32, #tpu.memory_space<vmem>>, vector<16xi32>,
      %add3A_1124 = arith.constant 64 : i32
      %add3A_1125 = vector.broadcast %add3A_1124 : i32 to vector<16xi32>
      %add3A_1126 = arith.addi %iota3A, %add3A_1125 : vector<16xi32>
      %mul3A_1127 = arith.constant 128 : i32
      %mul3A_1128 = vector.broadcast %mul3A_1127 : i32 to vector<16xi32>
      %mul3A_1129 = arith.muli %add3A_1126, %mul3A_1128 : vector<16xi32>
      %add3A_1130 = arith.addi %mul3A_1129, %get3A_1123 : vector<16xi32>
      %sub3A_1131 = arith.constant 1 : i32
      %sub3A_1132 = vector.broadcast %sub3A_1131 : i32 to vector<16xi32>
      %sub3A_1133 = arith.subi %add3A_1130, %sub3A_1132 : vector<16xi32>
      %ge3A_1134 = arith.constant 1 : i32
      %ge3A_1135 = vector.broadcast %ge3A_1134 : i32 to vector<16xi32>
      %ge3A_1136 = arith.cmpi sge, %get3A_1123, %ge3A_1135 : vector<16xi32>
      tpu.vector_store_idx %arg5[%sub3A_1133], %broadcast_in_dim3A_4 masked %ge3A_1136 : memref<40960xf32, #tpu.memory_space<vmem>>[vector<16xi32>], vector<16xf32>, vector<16xi1>
      %mul3A_1137 = arith.constant 320 : i32
      %mul3A_1138 = arith.muli %add3A_650, %mul3A_1137 : i32
      %add3A_1139 = arith.constant 80 : i32
      %add3A_1140 = arith.addi %mul3A_1138, %add3A_1139 : i32
      %get3A_1141 = arith.index_cast %add3A_1140 : i32 to index
      %get3A_1142 = tpu.vector_load %arg4[%get3A_1141] {strides = array<i32>} : memref<25600xi32, #tpu.memory_space<vmem>>, vector<16xi32>,
      %add3A_1143 = arith.constant 80 : i32
      %add3A_1144 = vector.broadcast %add3A_1143 : i32 to vector<16xi32>
      %add3A_1145 = arith.addi %iota3A, %add3A_1144 : vector<16xi32>
      %mul3A_1146 = arith.constant 128 : i32
      %mul3A_1147 = vector.broadcast %mul3A_1146 : i32 to vector<16xi32>
      %mul3A_1148 = arith.muli %add3A_1145, %mul3A_1147 : vector<16xi32>
      %add3A_1149 = arith.addi %mul3A_1148, %get3A_1142 : vector<16xi32>
      %sub3A_1150 = arith.constant 1 : i32
      %sub3A_1151 = vector.broadcast %sub3A_1150 : i32 to vector<16xi32>
      %sub3A_1152 = arith.subi %add3A_1149, %sub3A_1151 : vector<16xi32>
      %ge3A_1153 = arith.constant 1 : i32
      %ge3A_1154 = vector.broadcast %ge3A_1153 : i32 to vector<16xi32>
      %ge3A_1155 = arith.cmpi sge, %get3A_1142, %ge3A_1154 : vector<16xi32>
      tpu.vector_store_idx %arg5[%sub3A_1152], %broadcast_in_dim3A_4 masked %ge3A_1155 : memref<40960xf32, #tpu.memory_space<vmem>>[vector<16xi32>], vector<16xf32>, vector<16xi1>
      %mul3A_1156 = arith.constant 320 : i32
      %mul3A_1157 = arith.muli %add3A_650, %mul3A_1156 : i32
      %add3A_1158 = arith.constant 96 : i32
      %add3A_1159 = arith.addi %mul3A_1157, %add3A_1158 : i32
      %get3A_1160 = arith.index_cast %add3A_1159 : i32 to index
      %get3A_1161 = tpu.vector_load %arg4[%get3A_1160] {strides = array<i32>} : memref<25600xi32, #tpu.memory_space<vmem>>, vector<16xi32>,
      %add3A_1162 = arith.constant 96 : i32
      %add3A_1163 = vector.broadcast %add3A_1162 : i32 to vector<16xi32>
      %add3A_1164 = arith.addi %iota3A, %add3A_1163 : vector<16xi32>
      %mul3A_1165 = arith.constant 128 : i32
      %mul3A_1166 = vector.broadcast %mul3A_1165 : i32 to vector<16xi32>
      %mul3A_1167 = arith.muli %add3A_1164, %mul3A_1166 : vector<16xi32>
      %add3A_1168 = arith.addi %mul3A_1167, %get3A_1161 : vector<16xi32>
      %sub3A_1169 = arith.constant 1 : i32
      %sub3A_1170 = vector.broadcast %sub3A_1169 : i32 to vector<16xi32>
      %sub3A_1171 = arith.subi %add3A_1168, %sub3A_1170 : vector<16xi32>
      %ge3A_1172 = arith.constant 1 : i32
      %ge3A_1173 = vector.broadcast %ge3A_1172 : i32 to vector<16xi32>
      %ge3A_1174 = arith.cmpi sge, %get3A_1161, %ge3A_1173 : vector<16xi32>
      tpu.vector_store_idx %arg5[%sub3A_1171], %broadcast_in_dim3A_4 masked %ge3A_1174 : memref<40960xf32, #tpu.memory_space<vmem>>[vector<16xi32>], vector<16xf32>, vector<16xi1>
      %mul3A_1175 = arith.constant 320 : i32
      %mul3A_1176 = arith.muli %add3A_650, %mul3A_1175 : i32
      %add3A_1177 = arith.constant 112 : i32
      %add3A_1178 = arith.addi %mul3A_1176, %add3A_1177 : i32
      %get3A_1179 = arith.index_cast %add3A_1178 : i32 to index
      %get3A_1180 = tpu.vector_load %arg4[%get3A_1179] {strides = array<i32>} : memref<25600xi32, #tpu.memory_space<vmem>>, vector<16xi32>,
      %add3A_1181 = arith.constant 112 : i32
      %add3A_1182 = vector.broadcast %add3A_1181 : i32 to vector<16xi32>
      %add3A_1183 = arith.addi %iota3A, %add3A_1182 : vector<16xi32>
      %mul3A_1184 = arith.constant 128 : i32
      %mul3A_1185 = vector.broadcast %mul3A_1184 : i32 to vector<16xi32>
      %mul3A_1186 = arith.muli %add3A_1183, %mul3A_1185 : vector<16xi32>
      %add3A_1187 = arith.addi %mul3A_1186, %get3A_1180 : vector<16xi32>
      %sub3A_1188 = arith.constant 1 : i32
      %sub3A_1189 = vector.broadcast %sub3A_1188 : i32 to vector<16xi32>
      %sub3A_1190 = arith.subi %add3A_1187, %sub3A_1189 : vector<16xi32>
      %ge3A_1191 = arith.constant 1 : i32
      %ge3A_1192 = vector.broadcast %ge3A_1191 : i32 to vector<16xi32>
      %ge3A_1193 = arith.cmpi sge, %get3A_1180, %ge3A_1192 : vector<16xi32>
      tpu.vector_store_idx %arg5[%sub3A_1190], %broadcast_in_dim3A_4 masked %ge3A_1193 : memref<40960xf32, #tpu.memory_space<vmem>>[vector<16xi32>], vector<16xf32>, vector<16xi1>
      %mul3A_1194 = arith.constant 320 : i32
      %mul3A_1195 = arith.muli %add3A_650, %mul3A_1194 : i32
      %add3A_1196 = arith.constant 128 : i32
      %add3A_1197 = arith.addi %mul3A_1195, %add3A_1196 : i32
      %get3A_1198 = arith.index_cast %add3A_1197 : i32 to index
      %get3A_1199 = tpu.vector_load %arg4[%get3A_1198] {strides = array<i32>} : memref<25600xi32, #tpu.memory_space<vmem>>, vector<16xi32>,
      %add3A_1200 = arith.constant 128 : i32
      %add3A_1201 = vector.broadcast %add3A_1200 : i32 to vector<16xi32>
      %add3A_1202 = arith.addi %iota3A, %add3A_1201 : vector<16xi32>
      %mul3A_1203 = arith.constant 128 : i32
      %mul3A_1204 = vector.broadcast %mul3A_1203 : i32 to vector<16xi32>
      %mul3A_1205 = arith.muli %add3A_1202, %mul3A_1204 : vector<16xi32>
      %add3A_1206 = arith.addi %mul3A_1205, %get3A_1199 : vector<16xi32>
      %sub3A_1207 = arith.constant 1 : i32
      %sub3A_1208 = vector.broadcast %sub3A_1207 : i32 to vector<16xi32>
      %sub3A_1209 = arith.subi %add3A_1206, %sub3A_1208 : vector<16xi32>
      %ge3A_1210 = arith.constant 1 : i32
      %ge3A_1211 = vector.broadcast %ge3A_1210 : i32 to vector<16xi32>
      %ge3A_1212 = arith.cmpi sge, %get3A_1199, %ge3A_1211 : vector<16xi32>
      tpu.vector_store_idx %arg5[%sub3A_1209], %broadcast_in_dim3A_4 masked %ge3A_1212 : memref<40960xf32, #tpu.memory_space<vmem>>[vector<16xi32>], vector<16xf32>, vector<16xi1>
      %mul3A_1213 = arith.constant 320 : i32
      %mul3A_1214 = arith.muli %add3A_650, %mul3A_1213 : i32
      %add3A_1215 = arith.constant 144 : i32
      %add3A_1216 = arith.addi %mul3A_1214, %add3A_1215 : i32
      %get3A_1217 = arith.index_cast %add3A_1216 : i32 to index
      %get3A_1218 = tpu.vector_load %arg4[%get3A_1217] {strides = array<i32>} : memref<25600xi32, #tpu.memory_space<vmem>>, vector<16xi32>,
      %add3A_1219 = arith.constant 144 : i32
      %add3A_1220 = vector.broadcast %add3A_1219 : i32 to vector<16xi32>
      %add3A_1221 = arith.addi %iota3A, %add3A_1220 : vector<16xi32>
      %mul3A_1222 = arith.constant 128 : i32
      %mul3A_1223 = vector.broadcast %mul3A_1222 : i32 to vector<16xi32>
      %mul3A_1224 = arith.muli %add3A_1221, %mul3A_1223 : vector<16xi32>
      %add3A_1225 = arith.addi %mul3A_1224, %get3A_1218 : vector<16xi32>
      %sub3A_1226 = arith.constant 1 : i32
      %sub3A_1227 = vector.broadcast %sub3A_1226 : i32 to vector<16xi32>
      %sub3A_1228 = arith.subi %add3A_1225, %sub3A_1227 : vector<16xi32>
      %ge3A_1229 = arith.constant 1 : i32
      %ge3A_1230 = vector.broadcast %ge3A_1229 : i32 to vector<16xi32>
      %ge3A_1231 = arith.cmpi sge, %get3A_1218, %ge3A_1230 : vector<16xi32>
      tpu.vector_store_idx %arg5[%sub3A_1228], %broadcast_in_dim3A_4 masked %ge3A_1231 : memref<40960xf32, #tpu.memory_space<vmem>>[vector<16xi32>], vector<16xf32>, vector<16xi1>
      %mul3A_1232 = arith.constant 320 : i32
      %mul3A_1233 = arith.muli %add3A_650, %mul3A_1232 : i32
      %add3A_1234 = arith.constant 160 : i32
      %add3A_1235 = arith.addi %mul3A_1233, %add3A_1234 : i32
      %get3A_1236 = arith.index_cast %add3A_1235 : i32 to index
      %get3A_1237 = tpu.vector_load %arg4[%get3A_1236] {strides = array<i32>} : memref<25600xi32, #tpu.memory_space<vmem>>, vector<16xi32>,
      %add3A_1238 = arith.constant 160 : i32
      %add3A_1239 = vector.broadcast %add3A_1238 : i32 to vector<16xi32>
      %add3A_1240 = arith.addi %iota3A, %add3A_1239 : vector<16xi32>
      %mul3A_1241 = arith.constant 128 : i32
      %mul3A_1242 = vector.broadcast %mul3A_1241 : i32 to vector<16xi32>
      %mul3A_1243 = arith.muli %add3A_1240, %mul3A_1242 : vector<16xi32>
      %add3A_1244 = arith.addi %mul3A_1243, %get3A_1237 : vector<16xi32>
      %sub3A_1245 = arith.constant 1 : i32
      %sub3A_1246 = vector.broadcast %sub3A_1245 : i32 to vector<16xi32>
      %sub3A_1247 = arith.subi %add3A_1244, %sub3A_1246 : vector<16xi32>
      %ge3A_1248 = arith.constant 1 : i32
      %ge3A_1249 = vector.broadcast %ge3A_1248 : i32 to vector<16xi32>
      %ge3A_1250 = arith.cmpi sge, %get3A_1237, %ge3A_1249 : vector<16xi32>
      tpu.vector_store_idx %arg5[%sub3A_1247], %broadcast_in_dim3A_4 masked %ge3A_1250 : memref<40960xf32, #tpu.memory_space<vmem>>[vector<16xi32>], vector<16xf32>, vector<16xi1>
      %mul3A_1251 = arith.constant 320 : i32
      %mul3A_1252 = arith.muli %add3A_650, %mul3A_1251 : i32
      %add3A_1253 = arith.constant 176 : i32
      %add3A_1254 = arith.addi %mul3A_1252, %add3A_1253 : i32
      %get3A_1255 = arith.index_cast %add3A_1254 : i32 to index
      %get3A_1256 = tpu.vector_load %arg4[%get3A_1255] {strides = array<i32>} : memref<25600xi32, #tpu.memory_space<vmem>>, vector<16xi32>,
      %add3A_1257 = arith.constant 176 : i32
      %add3A_1258 = vector.broadcast %add3A_1257 : i32 to vector<16xi32>
      %add3A_1259 = arith.addi %iota3A, %add3A_1258 : vector<16xi32>
      %mul3A_1260 = arith.constant 128 : i32
      %mul3A_1261 = vector.broadcast %mul3A_1260 : i32 to vector<16xi32>
      %mul3A_1262 = arith.muli %add3A_1259, %mul3A_1261 : vector<16xi32>
      %add3A_1263 = arith.addi %mul3A_1262, %get3A_1256 : vector<16xi32>
      %sub3A_1264 = arith.constant 1 : i32
      %sub3A_1265 = vector.broadcast %sub3A_1264 : i32 to vector<16xi32>
      %sub3A_1266 = arith.subi %add3A_1263, %sub3A_1265 : vector<16xi32>
      %ge3A_1267 = arith.constant 1 : i32
      %ge3A_1268 = vector.broadcast %ge3A_1267 : i32 to vector<16xi32>
      %ge3A_1269 = arith.cmpi sge, %get3A_1256, %ge3A_1268 : vector<16xi32>
      tpu.vector_store_idx %arg5[%sub3A_1266], %broadcast_in_dim3A_4 masked %ge3A_1269 : memref<40960xf32, #tpu.memory_space<vmem>>[vector<16xi32>], vector<16xf32>, vector<16xi1>
      %mul3A_1270 = arith.constant 320 : i32
      %mul3A_1271 = arith.muli %add3A_650, %mul3A_1270 : i32
      %add3A_1272 = arith.constant 192 : i32
      %add3A_1273 = arith.addi %mul3A_1271, %add3A_1272 : i32
      %get3A_1274 = arith.index_cast %add3A_1273 : i32 to index
      %get3A_1275 = tpu.vector_load %arg4[%get3A_1274] {strides = array<i32>} : memref<25600xi32, #tpu.memory_space<vmem>>, vector<16xi32>,
      %add3A_1276 = arith.constant 192 : i32
      %add3A_1277 = vector.broadcast %add3A_1276 : i32 to vector<16xi32>
      %add3A_1278 = arith.addi %iota3A, %add3A_1277 : vector<16xi32>
      %mul3A_1279 = arith.constant 128 : i32
      %mul3A_1280 = vector.broadcast %mul3A_1279 : i32 to vector<16xi32>
      %mul3A_1281 = arith.muli %add3A_1278, %mul3A_1280 : vector<16xi32>
      %add3A_1282 = arith.addi %mul3A_1281, %get3A_1275 : vector<16xi32>
      %sub3A_1283 = arith.constant 1 : i32
      %sub3A_1284 = vector.broadcast %sub3A_1283 : i32 to vector<16xi32>
      %sub3A_1285 = arith.subi %add3A_1282, %sub3A_1284 : vector<16xi32>
      %ge3A_1286 = arith.constant 1 : i32
      %ge3A_1287 = vector.broadcast %ge3A_1286 : i32 to vector<16xi32>
      %ge3A_1288 = arith.cmpi sge, %get3A_1275, %ge3A_1287 : vector<16xi32>
      tpu.vector_store_idx %arg5[%sub3A_1285], %broadcast_in_dim3A_4 masked %ge3A_1288 : memref<40960xf32, #tpu.memory_space<vmem>>[vector<16xi32>], vector<16xf32>, vector<16xi1>
      %mul3A_1289 = arith.constant 320 : i32
      %mul3A_1290 = arith.muli %add3A_650, %mul3A_1289 : i32
      %add3A_1291 = arith.constant 208 : i32
      %add3A_1292 = arith.addi %mul3A_1290, %add3A_1291 : i32
      %get3A_1293 = arith.index_cast %add3A_1292 : i32 to index
      %get3A_1294 = tpu.vector_load %arg4[%get3A_1293] {strides = array<i32>} : memref<25600xi32, #tpu.memory_space<vmem>>, vector<16xi32>,
      %add3A_1295 = arith.constant 208 : i32
      %add3A_1296 = vector.broadcast %add3A_1295 : i32 to vector<16xi32>
      %add3A_1297 = arith.addi %iota3A, %add3A_1296 : vector<16xi32>
      %mul3A_1298 = arith.constant 128 : i32
      %mul3A_1299 = vector.broadcast %mul3A_1298 : i32 to vector<16xi32>
      %mul3A_1300 = arith.muli %add3A_1297, %mul3A_1299 : vector<16xi32>
      %add3A_1301 = arith.addi %mul3A_1300, %get3A_1294 : vector<16xi32>
      %sub3A_1302 = arith.constant 1 : i32
      %sub3A_1303 = vector.broadcast %sub3A_1302 : i32 to vector<16xi32>
      %sub3A_1304 = arith.subi %add3A_1301, %sub3A_1303 : vector<16xi32>
      %ge3A_1305 = arith.constant 1 : i32
      %ge3A_1306 = vector.broadcast %ge3A_1305 : i32 to vector<16xi32>
      %ge3A_1307 = arith.cmpi sge, %get3A_1294, %ge3A_1306 : vector<16xi32>
      tpu.vector_store_idx %arg5[%sub3A_1304], %broadcast_in_dim3A_4 masked %ge3A_1307 : memref<40960xf32, #tpu.memory_space<vmem>>[vector<16xi32>], vector<16xf32>, vector<16xi1>
      %mul3A_1308 = arith.constant 320 : i32
      %mul3A_1309 = arith.muli %add3A_650, %mul3A_1308 : i32
      %add3A_1310 = arith.constant 224 : i32
      %add3A_1311 = arith.addi %mul3A_1309, %add3A_1310 : i32
      %get3A_1312 = arith.index_cast %add3A_1311 : i32 to index
      %get3A_1313 = tpu.vector_load %arg4[%get3A_1312] {strides = array<i32>} : memref<25600xi32, #tpu.memory_space<vmem>>, vector<16xi32>,
      %add3A_1314 = arith.constant 224 : i32
      %add3A_1315 = vector.broadcast %add3A_1314 : i32 to vector<16xi32>
      %add3A_1316 = arith.addi %iota3A, %add3A_1315 : vector<16xi32>
      %mul3A_1317 = arith.constant 128 : i32
      %mul3A_1318 = vector.broadcast %mul3A_1317 : i32 to vector<16xi32>
      %mul3A_1319 = arith.muli %add3A_1316, %mul3A_1318 : vector<16xi32>
      %add3A_1320 = arith.addi %mul3A_1319, %get3A_1313 : vector<16xi32>
      %sub3A_1321 = arith.constant 1 : i32
      %sub3A_1322 = vector.broadcast %sub3A_1321 : i32 to vector<16xi32>
      %sub3A_1323 = arith.subi %add3A_1320, %sub3A_1322 : vector<16xi32>
      %ge3A_1324 = arith.constant 1 : i32
      %ge3A_1325 = vector.broadcast %ge3A_1324 : i32 to vector<16xi32>
      %ge3A_1326 = arith.cmpi sge, %get3A_1313, %ge3A_1325 : vector<16xi32>
      tpu.vector_store_idx %arg5[%sub3A_1323], %broadcast_in_dim3A_4 masked %ge3A_1326 : memref<40960xf32, #tpu.memory_space<vmem>>[vector<16xi32>], vector<16xf32>, vector<16xi1>
      %mul3A_1327 = arith.constant 320 : i32
      %mul3A_1328 = arith.muli %add3A_650, %mul3A_1327 : i32
      %add3A_1329 = arith.constant 240 : i32
      %add3A_1330 = arith.addi %mul3A_1328, %add3A_1329 : i32
      %get3A_1331 = arith.index_cast %add3A_1330 : i32 to index
      %get3A_1332 = tpu.vector_load %arg4[%get3A_1331] {strides = array<i32>} : memref<25600xi32, #tpu.memory_space<vmem>>, vector<16xi32>,
      %add3A_1333 = arith.constant 240 : i32
      %add3A_1334 = vector.broadcast %add3A_1333 : i32 to vector<16xi32>
      %add3A_1335 = arith.addi %iota3A, %add3A_1334 : vector<16xi32>
      %mul3A_1336 = arith.constant 128 : i32
      %mul3A_1337 = vector.broadcast %mul3A_1336 : i32 to vector<16xi32>
      %mul3A_1338 = arith.muli %add3A_1335, %mul3A_1337 : vector<16xi32>
      %add3A_1339 = arith.addi %mul3A_1338, %get3A_1332 : vector<16xi32>
      %sub3A_1340 = arith.constant 1 : i32
      %sub3A_1341 = vector.broadcast %sub3A_1340 : i32 to vector<16xi32>
      %sub3A_1342 = arith.subi %add3A_1339, %sub3A_1341 : vector<16xi32>
      %ge3A_1343 = arith.constant 1 : i32
      %ge3A_1344 = vector.broadcast %ge3A_1343 : i32 to vector<16xi32>
      %ge3A_1345 = arith.cmpi sge, %get3A_1332, %ge3A_1344 : vector<16xi32>
      tpu.vector_store_idx %arg5[%sub3A_1342], %broadcast_in_dim3A_4 masked %ge3A_1345 : memref<40960xf32, #tpu.memory_space<vmem>>[vector<16xi32>], vector<16xf32>, vector<16xi1>
      %mul3A_1346 = arith.constant 320 : i32
      %mul3A_1347 = arith.muli %add3A_650, %mul3A_1346 : i32
      %add3A_1348 = arith.constant 256 : i32
      %add3A_1349 = arith.addi %mul3A_1347, %add3A_1348 : i32
      %get3A_1350 = arith.index_cast %add3A_1349 : i32 to index
      %get3A_1351 = tpu.vector_load %arg4[%get3A_1350] {strides = array<i32>} : memref<25600xi32, #tpu.memory_space<vmem>>, vector<16xi32>,
      %add3A_1352 = arith.constant 256 : i32
      %add3A_1353 = vector.broadcast %add3A_1352 : i32 to vector<16xi32>
      %add3A_1354 = arith.addi %iota3A, %add3A_1353 : vector<16xi32>
      %mul3A_1355 = arith.constant 128 : i32
      %mul3A_1356 = vector.broadcast %mul3A_1355 : i32 to vector<16xi32>
      %mul3A_1357 = arith.muli %add3A_1354, %mul3A_1356 : vector<16xi32>
      %add3A_1358 = arith.addi %mul3A_1357, %get3A_1351 : vector<16xi32>
      %sub3A_1359 = arith.constant 1 : i32
      %sub3A_1360 = vector.broadcast %sub3A_1359 : i32 to vector<16xi32>
      %sub3A_1361 = arith.subi %add3A_1358, %sub3A_1360 : vector<16xi32>
      %ge3A_1362 = arith.constant 1 : i32
      %ge3A_1363 = vector.broadcast %ge3A_1362 : i32 to vector<16xi32>
      %ge3A_1364 = arith.cmpi sge, %get3A_1351, %ge3A_1363 : vector<16xi32>
      tpu.vector_store_idx %arg5[%sub3A_1361], %broadcast_in_dim3A_4 masked %ge3A_1364 : memref<40960xf32, #tpu.memory_space<vmem>>[vector<16xi32>], vector<16xf32>, vector<16xi1>
      %mul3A_1365 = arith.constant 320 : i32
      %mul3A_1366 = arith.muli %add3A_650, %mul3A_1365 : i32
      %add3A_1367 = arith.constant 272 : i32
      %add3A_1368 = arith.addi %mul3A_1366, %add3A_1367 : i32
      %get3A_1369 = arith.index_cast %add3A_1368 : i32 to index
      %get3A_1370 = tpu.vector_load %arg4[%get3A_1369] {strides = array<i32>} : memref<25600xi32, #tpu.memory_space<vmem>>, vector<16xi32>,
      %add3A_1371 = arith.constant 272 : i32
      %add3A_1372 = vector.broadcast %add3A_1371 : i32 to vector<16xi32>
      %add3A_1373 = arith.addi %iota3A, %add3A_1372 : vector<16xi32>
      %mul3A_1374 = arith.constant 128 : i32
      %mul3A_1375 = vector.broadcast %mul3A_1374 : i32 to vector<16xi32>
      %mul3A_1376 = arith.muli %add3A_1373, %mul3A_1375 : vector<16xi32>
      %add3A_1377 = arith.addi %mul3A_1376, %get3A_1370 : vector<16xi32>
      %sub3A_1378 = arith.constant 1 : i32
      %sub3A_1379 = vector.broadcast %sub3A_1378 : i32 to vector<16xi32>
      %sub3A_1380 = arith.subi %add3A_1377, %sub3A_1379 : vector<16xi32>
      %ge3A_1381 = arith.constant 1 : i32
      %ge3A_1382 = vector.broadcast %ge3A_1381 : i32 to vector<16xi32>
      %ge3A_1383 = arith.cmpi sge, %get3A_1370, %ge3A_1382 : vector<16xi32>
      tpu.vector_store_idx %arg5[%sub3A_1380], %broadcast_in_dim3A_4 masked %ge3A_1383 : memref<40960xf32, #tpu.memory_space<vmem>>[vector<16xi32>], vector<16xf32>, vector<16xi1>
      %mul3A_1384 = arith.constant 320 : i32
      %mul3A_1385 = arith.muli %add3A_650, %mul3A_1384 : i32
      %add3A_1386 = arith.constant 288 : i32
      %add3A_1387 = arith.addi %mul3A_1385, %add3A_1386 : i32
      %get3A_1388 = arith.index_cast %add3A_1387 : i32 to index
      %get3A_1389 = tpu.vector_load %arg4[%get3A_1388] {strides = array<i32>} : memref<25600xi32, #tpu.memory_space<vmem>>, vector<16xi32>,
      %add3A_1390 = arith.constant 288 : i32
      %add3A_1391 = vector.broadcast %add3A_1390 : i32 to vector<16xi32>
      %add3A_1392 = arith.addi %iota3A, %add3A_1391 : vector<16xi32>
      %mul3A_1393 = arith.constant 128 : i32
      %mul3A_1394 = vector.broadcast %mul3A_1393 : i32 to vector<16xi32>
      %mul3A_1395 = arith.muli %add3A_1392, %mul3A_1394 : vector<16xi32>
      %add3A_1396 = arith.addi %mul3A_1395, %get3A_1389 : vector<16xi32>
      %sub3A_1397 = arith.constant 1 : i32
      %sub3A_1398 = vector.broadcast %sub3A_1397 : i32 to vector<16xi32>
      %sub3A_1399 = arith.subi %add3A_1396, %sub3A_1398 : vector<16xi32>
      %ge3A_1400 = arith.constant 1 : i32
      %ge3A_1401 = vector.broadcast %ge3A_1400 : i32 to vector<16xi32>
      %ge3A_1402 = arith.cmpi sge, %get3A_1389, %ge3A_1401 : vector<16xi32>
      tpu.vector_store_idx %arg5[%sub3A_1399], %broadcast_in_dim3A_4 masked %ge3A_1402 : memref<40960xf32, #tpu.memory_space<vmem>>[vector<16xi32>], vector<16xf32>, vector<16xi1>
      %mul3A_1403 = arith.constant 320 : i32
      %mul3A_1404 = arith.muli %add3A_650, %mul3A_1403 : i32
      %add3A_1405 = arith.constant 304 : i32
      %add3A_1406 = arith.addi %mul3A_1404, %add3A_1405 : i32
      %get3A_1407 = arith.index_cast %add3A_1406 : i32 to index
      %get3A_1408 = tpu.vector_load %arg4[%get3A_1407] {strides = array<i32>} : memref<25600xi32, #tpu.memory_space<vmem>>, vector<16xi32>,
      %add3A_1409 = arith.constant 304 : i32
      %add3A_1410 = vector.broadcast %add3A_1409 : i32 to vector<16xi32>
      %add3A_1411 = arith.addi %iota3A, %add3A_1410 : vector<16xi32>
      %mul3A_1412 = arith.constant 128 : i32
      %mul3A_1413 = vector.broadcast %mul3A_1412 : i32 to vector<16xi32>
      %mul3A_1414 = arith.muli %add3A_1411, %mul3A_1413 : vector<16xi32>
      %add3A_1415 = arith.addi %mul3A_1414, %get3A_1408 : vector<16xi32>
      %sub3A_1416 = arith.constant 1 : i32
      %sub3A_1417 = vector.broadcast %sub3A_1416 : i32 to vector<16xi32>
      %sub3A_1418 = arith.subi %add3A_1415, %sub3A_1417 : vector<16xi32>
      %ge3A_1419 = arith.constant 1 : i32
      %ge3A_1420 = vector.broadcast %ge3A_1419 : i32 to vector<16xi32>
      %ge3A_1421 = arith.cmpi sge, %get3A_1408, %ge3A_1420 : vector<16xi32>
      tpu.vector_store_idx %arg5[%sub3A_1418], %broadcast_in_dim3A_4 masked %ge3A_1421 : memref<40960xf32, #tpu.memory_space<vmem>>[vector<16xi32>], vector<16xf32>, vector<16xi1>
      %mul3A_1422 = arith.constant 320 : i32
      %mul3A_1423 = arith.muli %add3A_650, %mul3A_1422 : i32
      %add3A_1424 = arith.addi %mul3A_2, %mul3A_1423 : i32
      %mul3A_1425 = arith.constant 128 : i32
      %mul3A_1426 = arith.muli %add3A_1424, %mul3A_1425 : i32
      %dma_start3A_1427 = tpu.memref_slice %arg3[%mul3A_1426] : memref<104857600xf32, #tpu.memory_space<hbm>> -> memref<40960xf32, #tpu.memory_space<hbm>>
      %dma_start3A_1428 = tpu.memref_slice %arg3[%mul3A_1426] : memref<104857600xf32, #tpu.memory_space<hbm>> -> memref<40960xf32, #tpu.memory_space<hbm>>
      tpu.enqueue_dma source(%arg5 : memref<40960xf32, #tpu.memory_space<vmem>>) target(%dma_start3A_1428 : memref<40960xf32, #tpu.memory_space<hbm>>) target_semaphore(%arg7 : memref<!tpu.dma_semaphore, #tpu.memory_space<semaphore_mem>>)
      %mul3A_1429 = arith.constant 2 : i32
      %mul3A_1430 = arith.muli %mul3A_1429, %scan3A_646 : i32
      %add3A_1431 = arith.constant 1 : i32
      %add3A_1432 = arith.addi %mul3A_1430, %add3A_1431 : i32
      %sub3A_1433 = arith.constant 2 : i32
      %sub3A_1434 = arith.subi %add3A_1432, %sub3A_1433 : i32
      %mul3A_1435 = arith.constant 320 : i32
      %mul3A_1436 = arith.muli %sub3A_1434, %mul3A_1435 : i32
      %add3A_1437 = arith.addi %mul3A_2, %mul3A_1436 : i32
      %mul3A_1438 = arith.constant 128 : i32
      %mul3A_1439 = arith.muli %add3A_1437, %mul3A_1438 : i32
      %dma_wait3A_1440 = tpu.memref_slice %arg3[%mul3A_1439] : memref<104857600xf32, #tpu.memory_space<hbm>> -> memref<40960xf32, #tpu.memory_space<hbm>>
      %dma_wait3A_1441 = tpu.memref_slice %arg3[%mul3A_1439] : memref<104857600xf32, #tpu.memory_space<hbm>> -> memref<40960xf32, #tpu.memory_space<hbm>>
      tpu.wait_dma2 semaphore(%arg8 : memref<!tpu.dma_semaphore, #tpu.memory_space<semaphore_mem>>) src(%arg6 : memref<40960xf32, #tpu.memory_space<vmem>>) dst(%dma_wait3A_1441 : memref<40960xf32, #tpu.memory_space<hbm>>)
      %sub3A_1442 = arith.constant 2 : i32
      %sub3A_1443 = arith.subi %add3A_1432, %sub3A_1442 : i32
      %mul3A_1444 = arith.constant 320 : i32
      %mul3A_1445 = arith.muli %sub3A_1443, %mul3A_1444 : i32
      %add3A_1446 = arith.constant 0 : i32
      %add3A_1447 = arith.addi %mul3A_1445, %add3A_1446 : i32
      %get3A_1448 = arith.index_cast %add3A_1447 : i32 to index
      %get3A_1449 = tpu.vector_load %arg4[%get3A_1448] {strides = array<i32>} : memref<25600xi32, #tpu.memory_space<vmem>>, vector<16xi32>,
      %add3A_1450 = arith.constant 0 : i32
      %add3A_1451 = vector.broadcast %add3A_1450 : i32 to vector<16xi32>
      %add3A_1452 = arith.addi %iota3A, %add3A_1451 : vector<16xi32>
      %mul3A_1453 = arith.constant 128 : i32
      %mul3A_1454 = vector.broadcast %mul3A_1453 : i32 to vector<16xi32>
      %mul3A_1455 = arith.muli %add3A_1452, %mul3A_1454 : vector<16xi32>
      %add3A_1456 = arith.addi %mul3A_1455, %get3A_1449 : vector<16xi32>
      %sub3A_1457 = arith.constant 1 : i32
      %sub3A_1458 = vector.broadcast %sub3A_1457 : i32 to vector<16xi32>
      %sub3A_1459 = arith.subi %add3A_1456, %sub3A_1458 : vector<16xi32>
      %ge3A_1460 = arith.constant 1 : i32
      %ge3A_1461 = vector.broadcast %ge3A_1460 : i32 to vector<16xi32>
      %ge3A_1462 = arith.cmpi sge, %get3A_1449, %ge3A_1461 : vector<16xi32>
      tpu.vector_store_idx %arg6[%sub3A_1459], %broadcast_in_dim3A_6 masked %ge3A_1462 : memref<40960xf32, #tpu.memory_space<vmem>>[vector<16xi32>], vector<16xf32>, vector<16xi1>
      %mul3A_1463 = arith.constant 320 : i32
      %mul3A_1464 = arith.muli %sub3A_1443, %mul3A_1463 : i32
      %add3A_1465 = arith.constant 16 : i32
      %add3A_1466 = arith.addi %mul3A_1464, %add3A_1465 : i32
      %get3A_1467 = arith.index_cast %add3A_1466 : i32 to index
      %get3A_1468 = tpu.vector_load %arg4[%get3A_1467] {strides = array<i32>} : memref<25600xi32, #tpu.memory_space<vmem>>, vector<16xi32>,
      %add3A_1469 = arith.constant 16 : i32
      %add3A_1470 = vector.broadcast %add3A_1469 : i32 to vector<16xi32>
      %add3A_1471 = arith.addi %iota3A, %add3A_1470 : vector<16xi32>
      %mul3A_1472 = arith.constant 128 : i32
      %mul3A_1473 = vector.broadcast %mul3A_1472 : i32 to vector<16xi32>
      %mul3A_1474 = arith.muli %add3A_1471, %mul3A_1473 : vector<16xi32>
      %add3A_1475 = arith.addi %mul3A_1474, %get3A_1468 : vector<16xi32>
      %sub3A_1476 = arith.constant 1 : i32
      %sub3A_1477 = vector.broadcast %sub3A_1476 : i32 to vector<16xi32>
      %sub3A_1478 = arith.subi %add3A_1475, %sub3A_1477 : vector<16xi32>
      %ge3A_1479 = arith.constant 1 : i32
      %ge3A_1480 = vector.broadcast %ge3A_1479 : i32 to vector<16xi32>
      %ge3A_1481 = arith.cmpi sge, %get3A_1468, %ge3A_1480 : vector<16xi32>
      tpu.vector_store_idx %arg6[%sub3A_1478], %broadcast_in_dim3A_6 masked %ge3A_1481 : memref<40960xf32, #tpu.memory_space<vmem>>[vector<16xi32>], vector<16xf32>, vector<16xi1>
      %mul3A_1482 = arith.constant 320 : i32
      %mul3A_1483 = arith.muli %sub3A_1443, %mul3A_1482 : i32
      %add3A_1484 = arith.constant 32 : i32
      %add3A_1485 = arith.addi %mul3A_1483, %add3A_1484 : i32
      %get3A_1486 = arith.index_cast %add3A_1485 : i32 to index
      %get3A_1487 = tpu.vector_load %arg4[%get3A_1486] {strides = array<i32>} : memref<25600xi32, #tpu.memory_space<vmem>>, vector<16xi32>,
      %add3A_1488 = arith.constant 32 : i32
      %add3A_1489 = vector.broadcast %add3A_1488 : i32 to vector<16xi32>
      %add3A_1490 = arith.addi %iota3A, %add3A_1489 : vector<16xi32>
      %mul3A_1491 = arith.constant 128 : i32
      %mul3A_1492 = vector.broadcast %mul3A_1491 : i32 to vector<16xi32>
      %mul3A_1493 = arith.muli %add3A_1490, %mul3A_1492 : vector<16xi32>
      %add3A_1494 = arith.addi %mul3A_1493, %get3A_1487 : vector<16xi32>
      %sub3A_1495 = arith.constant 1 : i32
      %sub3A_1496 = vector.broadcast %sub3A_1495 : i32 to vector<16xi32>
      %sub3A_1497 = arith.subi %add3A_1494, %sub3A_1496 : vector<16xi32>
      %ge3A_1498 = arith.constant 1 : i32
      %ge3A_1499 = vector.broadcast %ge3A_1498 : i32 to vector<16xi32>
      %ge3A_1500 = arith.cmpi sge, %get3A_1487, %ge3A_1499 : vector<16xi32>
      tpu.vector_store_idx %arg6[%sub3A_1497], %broadcast_in_dim3A_6 masked %ge3A_1500 : memref<40960xf32, #tpu.memory_space<vmem>>[vector<16xi32>], vector<16xf32>, vector<16xi1>
      %mul3A_1501 = arith.constant 320 : i32
      %mul3A_1502 = arith.muli %sub3A_1443, %mul3A_1501 : i32
      %add3A_1503 = arith.constant 48 : i32
      %add3A_1504 = arith.addi %mul3A_1502, %add3A_1503 : i32
      %get3A_1505 = arith.index_cast %add3A_1504 : i32 to index
      %get3A_1506 = tpu.vector_load %arg4[%get3A_1505] {strides = array<i32>} : memref<25600xi32, #tpu.memory_space<vmem>>, vector<16xi32>,
      %add3A_1507 = arith.constant 48 : i32
      %add3A_1508 = vector.broadcast %add3A_1507 : i32 to vector<16xi32>
      %add3A_1509 = arith.addi %iota3A, %add3A_1508 : vector<16xi32>
      %mul3A_1510 = arith.constant 128 : i32
      %mul3A_1511 = vector.broadcast %mul3A_1510 : i32 to vector<16xi32>
      %mul3A_1512 = arith.muli %add3A_1509, %mul3A_1511 : vector<16xi32>
      %add3A_1513 = arith.addi %mul3A_1512, %get3A_1506 : vector<16xi32>
      %sub3A_1514 = arith.constant 1 : i32
      %sub3A_1515 = vector.broadcast %sub3A_1514 : i32 to vector<16xi32>
      %sub3A_1516 = arith.subi %add3A_1513, %sub3A_1515 : vector<16xi32>
      %ge3A_1517 = arith.constant 1 : i32
      %ge3A_1518 = vector.broadcast %ge3A_1517 : i32 to vector<16xi32>
      %ge3A_1519 = arith.cmpi sge, %get3A_1506, %ge3A_1518 : vector<16xi32>
      tpu.vector_store_idx %arg6[%sub3A_1516], %broadcast_in_dim3A_6 masked %ge3A_1519 : memref<40960xf32, #tpu.memory_space<vmem>>[vector<16xi32>], vector<16xf32>, vector<16xi1>
      %mul3A_1520 = arith.constant 320 : i32
      %mul3A_1521 = arith.muli %sub3A_1443, %mul3A_1520 : i32
      %add3A_1522 = arith.constant 64 : i32
      %add3A_1523 = arith.addi %mul3A_1521, %add3A_1522 : i32
      %get3A_1524 = arith.index_cast %add3A_1523 : i32 to index
      %get3A_1525 = tpu.vector_load %arg4[%get3A_1524] {strides = array<i32>} : memref<25600xi32, #tpu.memory_space<vmem>>, vector<16xi32>,
      %add3A_1526 = arith.constant 64 : i32
      %add3A_1527 = vector.broadcast %add3A_1526 : i32 to vector<16xi32>
      %add3A_1528 = arith.addi %iota3A, %add3A_1527 : vector<16xi32>
      %mul3A_1529 = arith.constant 128 : i32
      %mul3A_1530 = vector.broadcast %mul3A_1529 : i32 to vector<16xi32>
      %mul3A_1531 = arith.muli %add3A_1528, %mul3A_1530 : vector<16xi32>
      %add3A_1532 = arith.addi %mul3A_1531, %get3A_1525 : vector<16xi32>
      %sub3A_1533 = arith.constant 1 : i32
      %sub3A_1534 = vector.broadcast %sub3A_1533 : i32 to vector<16xi32>
      %sub3A_1535 = arith.subi %add3A_1532, %sub3A_1534 : vector<16xi32>
      %ge3A_1536 = arith.constant 1 : i32
      %ge3A_1537 = vector.broadcast %ge3A_1536 : i32 to vector<16xi32>
      %ge3A_1538 = arith.cmpi sge, %get3A_1525, %ge3A_1537 : vector<16xi32>
      tpu.vector_store_idx %arg6[%sub3A_1535], %broadcast_in_dim3A_6 masked %ge3A_1538 : memref<40960xf32, #tpu.memory_space<vmem>>[vector<16xi32>], vector<16xf32>, vector<16xi1>
      %mul3A_1539 = arith.constant 320 : i32
      %mul3A_1540 = arith.muli %sub3A_1443, %mul3A_1539 : i32
      %add3A_1541 = arith.constant 80 : i32
      %add3A_1542 = arith.addi %mul3A_1540, %add3A_1541 : i32
      %get3A_1543 = arith.index_cast %add3A_1542 : i32 to index
      %get3A_1544 = tpu.vector_load %arg4[%get3A_1543] {strides = array<i32>} : memref<25600xi32, #tpu.memory_space<vmem>>, vector<16xi32>,
      %add3A_1545 = arith.constant 80 : i32
      %add3A_1546 = vector.broadcast %add3A_1545 : i32 to vector<16xi32>
      %add3A_1547 = arith.addi %iota3A, %add3A_1546 : vector<16xi32>
      %mul3A_1548 = arith.constant 128 : i32
      %mul3A_1549 = vector.broadcast %mul3A_1548 : i32 to vector<16xi32>
      %mul3A_1550 = arith.muli %add3A_1547, %mul3A_1549 : vector<16xi32>
      %add3A_1551 = arith.addi %mul3A_1550, %get3A_1544 : vector<16xi32>
      %sub3A_1552 = arith.constant 1 : i32
      %sub3A_1553 = vector.broadcast %sub3A_1552 : i32 to vector<16xi32>
      %sub3A_1554 = arith.subi %add3A_1551, %sub3A_1553 : vector<16xi32>
      %ge3A_1555 = arith.constant 1 : i32
      %ge3A_1556 = vector.broadcast %ge3A_1555 : i32 to vector<16xi32>
      %ge3A_1557 = arith.cmpi sge, %get3A_1544, %ge3A_1556 : vector<16xi32>
      tpu.vector_store_idx %arg6[%sub3A_1554], %broadcast_in_dim3A_6 masked %ge3A_1557 : memref<40960xf32, #tpu.memory_space<vmem>>[vector<16xi32>], vector<16xf32>, vector<16xi1>
      %mul3A_1558 = arith.constant 320 : i32
      %mul3A_1559 = arith.muli %sub3A_1443, %mul3A_1558 : i32
      %add3A_1560 = arith.constant 96 : i32
      %add3A_1561 = arith.addi %mul3A_1559, %add3A_1560 : i32
      %get3A_1562 = arith.index_cast %add3A_1561 : i32 to index
      %get3A_1563 = tpu.vector_load %arg4[%get3A_1562] {strides = array<i32>} : memref<25600xi32, #tpu.memory_space<vmem>>, vector<16xi32>,
      %add3A_1564 = arith.constant 96 : i32
      %add3A_1565 = vector.broadcast %add3A_1564 : i32 to vector<16xi32>
      %add3A_1566 = arith.addi %iota3A, %add3A_1565 : vector<16xi32>
      %mul3A_1567 = arith.constant 128 : i32
      %mul3A_1568 = vector.broadcast %mul3A_1567 : i32 to vector<16xi32>
      %mul3A_1569 = arith.muli %add3A_1566, %mul3A_1568 : vector<16xi32>
      %add3A_1570 = arith.addi %mul3A_1569, %get3A_1563 : vector<16xi32>
      %sub3A_1571 = arith.constant 1 : i32
      %sub3A_1572 = vector.broadcast %sub3A_1571 : i32 to vector<16xi32>
      %sub3A_1573 = arith.subi %add3A_1570, %sub3A_1572 : vector<16xi32>
      %ge3A_1574 = arith.constant 1 : i32
      %ge3A_1575 = vector.broadcast %ge3A_1574 : i32 to vector<16xi32>
      %ge3A_1576 = arith.cmpi sge, %get3A_1563, %ge3A_1575 : vector<16xi32>
      tpu.vector_store_idx %arg6[%sub3A_1573], %broadcast_in_dim3A_6 masked %ge3A_1576 : memref<40960xf32, #tpu.memory_space<vmem>>[vector<16xi32>], vector<16xf32>, vector<16xi1>
      %mul3A_1577 = arith.constant 320 : i32
      %mul3A_1578 = arith.muli %sub3A_1443, %mul3A_1577 : i32
      %add3A_1579 = arith.constant 112 : i32
      %add3A_1580 = arith.addi %mul3A_1578, %add3A_1579 : i32
      %get3A_1581 = arith.index_cast %add3A_1580 : i32 to index
      %get3A_1582 = tpu.vector_load %arg4[%get3A_1581] {strides = array<i32>} : memref<25600xi32, #tpu.memory_space<vmem>>, vector<16xi32>,
      %add3A_1583 = arith.constant 112 : i32
      %add3A_1584 = vector.broadcast %add3A_1583 : i32 to vector<16xi32>
      %add3A_1585 = arith.addi %iota3A, %add3A_1584 : vector<16xi32>
      %mul3A_1586 = arith.constant 128 : i32
      %mul3A_1587 = vector.broadcast %mul3A_1586 : i32 to vector<16xi32>
      %mul3A_1588 = arith.muli %add3A_1585, %mul3A_1587 : vector<16xi32>
      %add3A_1589 = arith.addi %mul3A_1588, %get3A_1582 : vector<16xi32>
      %sub3A_1590 = arith.constant 1 : i32
      %sub3A_1591 = vector.broadcast %sub3A_1590 : i32 to vector<16xi32>
      %sub3A_1592 = arith.subi %add3A_1589, %sub3A_1591 : vector<16xi32>
      %ge3A_1593 = arith.constant 1 : i32
      %ge3A_1594 = vector.broadcast %ge3A_1593 : i32 to vector<16xi32>
      %ge3A_1595 = arith.cmpi sge, %get3A_1582, %ge3A_1594 : vector<16xi32>
      tpu.vector_store_idx %arg6[%sub3A_1592], %broadcast_in_dim3A_6 masked %ge3A_1595 : memref<40960xf32, #tpu.memory_space<vmem>>[vector<16xi32>], vector<16xf32>, vector<16xi1>
      %mul3A_1596 = arith.constant 320 : i32
      %mul3A_1597 = arith.muli %sub3A_1443, %mul3A_1596 : i32
      %add3A_1598 = arith.constant 128 : i32
      %add3A_1599 = arith.addi %mul3A_1597, %add3A_1598 : i32
      %get3A_1600 = arith.index_cast %add3A_1599 : i32 to index
      %get3A_1601 = tpu.vector_load %arg4[%get3A_1600] {strides = array<i32>} : memref<25600xi32, #tpu.memory_space<vmem>>, vector<16xi32>,
      %add3A_1602 = arith.constant 128 : i32
      %add3A_1603 = vector.broadcast %add3A_1602 : i32 to vector<16xi32>
      %add3A_1604 = arith.addi %iota3A, %add3A_1603 : vector<16xi32>
      %mul3A_1605 = arith.constant 128 : i32
      %mul3A_1606 = vector.broadcast %mul3A_1605 : i32 to vector<16xi32>
      %mul3A_1607 = arith.muli %add3A_1604, %mul3A_1606 : vector<16xi32>
      %add3A_1608 = arith.addi %mul3A_1607, %get3A_1601 : vector<16xi32>
      %sub3A_1609 = arith.constant 1 : i32
      %sub3A_1610 = vector.broadcast %sub3A_1609 : i32 to vector<16xi32>
      %sub3A_1611 = arith.subi %add3A_1608, %sub3A_1610 : vector<16xi32>
      %ge3A_1612 = arith.constant 1 : i32
      %ge3A_1613 = vector.broadcast %ge3A_1612 : i32 to vector<16xi32>
      %ge3A_1614 = arith.cmpi sge, %get3A_1601, %ge3A_1613 : vector<16xi32>
      tpu.vector_store_idx %arg6[%sub3A_1611], %broadcast_in_dim3A_6 masked %ge3A_1614 : memref<40960xf32, #tpu.memory_space<vmem>>[vector<16xi32>], vector<16xf32>, vector<16xi1>
      %mul3A_1615 = arith.constant 320 : i32
      %mul3A_1616 = arith.muli %sub3A_1443, %mul3A_1615 : i32
      %add3A_1617 = arith.constant 144 : i32
      %add3A_1618 = arith.addi %mul3A_1616, %add3A_1617 : i32
      %get3A_1619 = arith.index_cast %add3A_1618 : i32 to index
      %get3A_1620 = tpu.vector_load %arg4[%get3A_1619] {strides = array<i32>} : memref<25600xi32, #tpu.memory_space<vmem>>, vector<16xi32>,
      %add3A_1621 = arith.constant 144 : i32
      %add3A_1622 = vector.broadcast %add3A_1621 : i32 to vector<16xi32>
      %add3A_1623 = arith.addi %iota3A, %add3A_1622 : vector<16xi32>
      %mul3A_1624 = arith.constant 128 : i32
      %mul3A_1625 = vector.broadcast %mul3A_1624 : i32 to vector<16xi32>
      %mul3A_1626 = arith.muli %add3A_1623, %mul3A_1625 : vector<16xi32>
      %add3A_1627 = arith.addi %mul3A_1626, %get3A_1620 : vector<16xi32>
      %sub3A_1628 = arith.constant 1 : i32
      %sub3A_1629 = vector.broadcast %sub3A_1628 : i32 to vector<16xi32>
      %sub3A_1630 = arith.subi %add3A_1627, %sub3A_1629 : vector<16xi32>
      %ge3A_1631 = arith.constant 1 : i32
      %ge3A_1632 = vector.broadcast %ge3A_1631 : i32 to vector<16xi32>
      %ge3A_1633 = arith.cmpi sge, %get3A_1620, %ge3A_1632 : vector<16xi32>
      tpu.vector_store_idx %arg6[%sub3A_1630], %broadcast_in_dim3A_6 masked %ge3A_1633 : memref<40960xf32, #tpu.memory_space<vmem>>[vector<16xi32>], vector<16xf32>, vector<16xi1>
      %mul3A_1634 = arith.constant 320 : i32
      %mul3A_1635 = arith.muli %sub3A_1443, %mul3A_1634 : i32
      %add3A_1636 = arith.constant 160 : i32
      %add3A_1637 = arith.addi %mul3A_1635, %add3A_1636 : i32
      %get3A_1638 = arith.index_cast %add3A_1637 : i32 to index
      %get3A_1639 = tpu.vector_load %arg4[%get3A_1638] {strides = array<i32>} : memref<25600xi32, #tpu.memory_space<vmem>>, vector<16xi32>,
      %add3A_1640 = arith.constant 160 : i32
      %add3A_1641 = vector.broadcast %add3A_1640 : i32 to vector<16xi32>
      %add3A_1642 = arith.addi %iota3A, %add3A_1641 : vector<16xi32>
      %mul3A_1643 = arith.constant 128 : i32
      %mul3A_1644 = vector.broadcast %mul3A_1643 : i32 to vector<16xi32>
      %mul3A_1645 = arith.muli %add3A_1642, %mul3A_1644 : vector<16xi32>
      %add3A_1646 = arith.addi %mul3A_1645, %get3A_1639 : vector<16xi32>
      %sub3A_1647 = arith.constant 1 : i32
      %sub3A_1648 = vector.broadcast %sub3A_1647 : i32 to vector<16xi32>
      %sub3A_1649 = arith.subi %add3A_1646, %sub3A_1648 : vector<16xi32>
      %ge3A_1650 = arith.constant 1 : i32
      %ge3A_1651 = vector.broadcast %ge3A_1650 : i32 to vector<16xi32>
      %ge3A_1652 = arith.cmpi sge, %get3A_1639, %ge3A_1651 : vector<16xi32>
      tpu.vector_store_idx %arg6[%sub3A_1649], %broadcast_in_dim3A_6 masked %ge3A_1652 : memref<40960xf32, #tpu.memory_space<vmem>>[vector<16xi32>], vector<16xf32>, vector<16xi1>
      %mul3A_1653 = arith.constant 320 : i32
      %mul3A_1654 = arith.muli %sub3A_1443, %mul3A_1653 : i32
      %add3A_1655 = arith.constant 176 : i32
      %add3A_1656 = arith.addi %mul3A_1654, %add3A_1655 : i32
      %get3A_1657 = arith.index_cast %add3A_1656 : i32 to index
      %get3A_1658 = tpu.vector_load %arg4[%get3A_1657] {strides = array<i32>} : memref<25600xi32, #tpu.memory_space<vmem>>, vector<16xi32>,
      %add3A_1659 = arith.constant 176 : i32
      %add3A_1660 = vector.broadcast %add3A_1659 : i32 to vector<16xi32>
      %add3A_1661 = arith.addi %iota3A, %add3A_1660 : vector<16xi32>
      %mul3A_1662 = arith.constant 128 : i32
      %mul3A_1663 = vector.broadcast %mul3A_1662 : i32 to vector<16xi32>
      %mul3A_1664 = arith.muli %add3A_1661, %mul3A_1663 : vector<16xi32>
      %add3A_1665 = arith.addi %mul3A_1664, %get3A_1658 : vector<16xi32>
      %sub3A_1666 = arith.constant 1 : i32
      %sub3A_1667 = vector.broadcast %sub3A_1666 : i32 to vector<16xi32>
      %sub3A_1668 = arith.subi %add3A_1665, %sub3A_1667 : vector<16xi32>
      %ge3A_1669 = arith.constant 1 : i32
      %ge3A_1670 = vector.broadcast %ge3A_1669 : i32 to vector<16xi32>
      %ge3A_1671 = arith.cmpi sge, %get3A_1658, %ge3A_1670 : vector<16xi32>
      tpu.vector_store_idx %arg6[%sub3A_1668], %broadcast_in_dim3A_6 masked %ge3A_1671 : memref<40960xf32, #tpu.memory_space<vmem>>[vector<16xi32>], vector<16xf32>, vector<16xi1>
      %mul3A_1672 = arith.constant 320 : i32
      %mul3A_1673 = arith.muli %sub3A_1443, %mul3A_1672 : i32
      %add3A_1674 = arith.constant 192 : i32
      %add3A_1675 = arith.addi %mul3A_1673, %add3A_1674 : i32
      %get3A_1676 = arith.index_cast %add3A_1675 : i32 to index
      %get3A_1677 = tpu.vector_load %arg4[%get3A_1676] {strides = array<i32>} : memref<25600xi32, #tpu.memory_space<vmem>>, vector<16xi32>,
      %add3A_1678 = arith.constant 192 : i32
      %add3A_1679 = vector.broadcast %add3A_1678 : i32 to vector<16xi32>
      %add3A_1680 = arith.addi %iota3A, %add3A_1679 : vector<16xi32>
      %mul3A_1681 = arith.constant 128 : i32
      %mul3A_1682 = vector.broadcast %mul3A_1681 : i32 to vector<16xi32>
      %mul3A_1683 = arith.muli %add3A_1680, %mul3A_1682 : vector<16xi32>
      %add3A_1684 = arith.addi %mul3A_1683, %get3A_1677 : vector<16xi32>
      %sub3A_1685 = arith.constant 1 : i32
      %sub3A_1686 = vector.broadcast %sub3A_1685 : i32 to vector<16xi32>
      %sub3A_1687 = arith.subi %add3A_1684, %sub3A_1686 : vector<16xi32>
      %ge3A_1688 = arith.constant 1 : i32
      %ge3A_1689 = vector.broadcast %ge3A_1688 : i32 to vector<16xi32>
      %ge3A_1690 = arith.cmpi sge, %get3A_1677, %ge3A_1689 : vector<16xi32>
      tpu.vector_store_idx %arg6[%sub3A_1687], %broadcast_in_dim3A_6 masked %ge3A_1690 : memref<40960xf32, #tpu.memory_space<vmem>>[vector<16xi32>], vector<16xf32>, vector<16xi1>
      %mul3A_1691 = arith.constant 320 : i32
      %mul3A_1692 = arith.muli %sub3A_1443, %mul3A_1691 : i32
      %add3A_1693 = arith.constant 208 : i32
      %add3A_1694 = arith.addi %mul3A_1692, %add3A_1693 : i32
      %get3A_1695 = arith.index_cast %add3A_1694 : i32 to index
      %get3A_1696 = tpu.vector_load %arg4[%get3A_1695] {strides = array<i32>} : memref<25600xi32, #tpu.memory_space<vmem>>, vector<16xi32>,
      %add3A_1697 = arith.constant 208 : i32
      %add3A_1698 = vector.broadcast %add3A_1697 : i32 to vector<16xi32>
      %add3A_1699 = arith.addi %iota3A, %add3A_1698 : vector<16xi32>
      %mul3A_1700 = arith.constant 128 : i32
      %mul3A_1701 = vector.broadcast %mul3A_1700 : i32 to vector<16xi32>
      %mul3A_1702 = arith.muli %add3A_1699, %mul3A_1701 : vector<16xi32>
      %add3A_1703 = arith.addi %mul3A_1702, %get3A_1696 : vector<16xi32>
      %sub3A_1704 = arith.constant 1 : i32
      %sub3A_1705 = vector.broadcast %sub3A_1704 : i32 to vector<16xi32>
      %sub3A_1706 = arith.subi %add3A_1703, %sub3A_1705 : vector<16xi32>
      %ge3A_1707 = arith.constant 1 : i32
      %ge3A_1708 = vector.broadcast %ge3A_1707 : i32 to vector<16xi32>
      %ge3A_1709 = arith.cmpi sge, %get3A_1696, %ge3A_1708 : vector<16xi32>
      tpu.vector_store_idx %arg6[%sub3A_1706], %broadcast_in_dim3A_6 masked %ge3A_1709 : memref<40960xf32, #tpu.memory_space<vmem>>[vector<16xi32>], vector<16xf32>, vector<16xi1>
      %mul3A_1710 = arith.constant 320 : i32
      %mul3A_1711 = arith.muli %sub3A_1443, %mul3A_1710 : i32
      %add3A_1712 = arith.constant 224 : i32
      %add3A_1713 = arith.addi %mul3A_1711, %add3A_1712 : i32
      %get3A_1714 = arith.index_cast %add3A_1713 : i32 to index
      %get3A_1715 = tpu.vector_load %arg4[%get3A_1714] {strides = array<i32>} : memref<25600xi32, #tpu.memory_space<vmem>>, vector<16xi32>,
      %add3A_1716 = arith.constant 224 : i32
      %add3A_1717 = vector.broadcast %add3A_1716 : i32 to vector<16xi32>
      %add3A_1718 = arith.addi %iota3A, %add3A_1717 : vector<16xi32>
      %mul3A_1719 = arith.constant 128 : i32
      %mul3A_1720 = vector.broadcast %mul3A_1719 : i32 to vector<16xi32>
      %mul3A_1721 = arith.muli %add3A_1718, %mul3A_1720 : vector<16xi32>
      %add3A_1722 = arith.addi %mul3A_1721, %get3A_1715 : vector<16xi32>
      %sub3A_1723 = arith.constant 1 : i32
      %sub3A_1724 = vector.broadcast %sub3A_1723 : i32 to vector<16xi32>
      %sub3A_1725 = arith.subi %add3A_1722, %sub3A_1724 : vector<16xi32>
      %ge3A_1726 = arith.constant 1 : i32
      %ge3A_1727 = vector.broadcast %ge3A_1726 : i32 to vector<16xi32>
      %ge3A_1728 = arith.cmpi sge, %get3A_1715, %ge3A_1727 : vector<16xi32>
      tpu.vector_store_idx %arg6[%sub3A_1725], %broadcast_in_dim3A_6 masked %ge3A_1728 : memref<40960xf32, #tpu.memory_space<vmem>>[vector<16xi32>], vector<16xf32>, vector<16xi1>
      %mul3A_1729 = arith.constant 320 : i32
      %mul3A_1730 = arith.muli %sub3A_1443, %mul3A_1729 : i32
      %add3A_1731 = arith.constant 240 : i32
      %add3A_1732 = arith.addi %mul3A_1730, %add3A_1731 : i32
      %get3A_1733 = arith.index_cast %add3A_1732 : i32 to index
      %get3A_1734 = tpu.vector_load %arg4[%get3A_1733] {strides = array<i32>} : memref<25600xi32, #tpu.memory_space<vmem>>, vector<16xi32>,
      %add3A_1735 = arith.constant 240 : i32
      %add3A_1736 = vector.broadcast %add3A_1735 : i32 to vector<16xi32>
      %add3A_1737 = arith.addi %iota3A, %add3A_1736 : vector<16xi32>
      %mul3A_1738 = arith.constant 128 : i32
      %mul3A_1739 = vector.broadcast %mul3A_1738 : i32 to vector<16xi32>
      %mul3A_1740 = arith.muli %add3A_1737, %mul3A_1739 : vector<16xi32>
      %add3A_1741 = arith.addi %mul3A_1740, %get3A_1734 : vector<16xi32>
      %sub3A_1742 = arith.constant 1 : i32
      %sub3A_1743 = vector.broadcast %sub3A_1742 : i32 to vector<16xi32>
      %sub3A_1744 = arith.subi %add3A_1741, %sub3A_1743 : vector<16xi32>
      %ge3A_1745 = arith.constant 1 : i32
      %ge3A_1746 = vector.broadcast %ge3A_1745 : i32 to vector<16xi32>
      %ge3A_1747 = arith.cmpi sge, %get3A_1734, %ge3A_1746 : vector<16xi32>
      tpu.vector_store_idx %arg6[%sub3A_1744], %broadcast_in_dim3A_6 masked %ge3A_1747 : memref<40960xf32, #tpu.memory_space<vmem>>[vector<16xi32>], vector<16xf32>, vector<16xi1>
      %mul3A_1748 = arith.constant 320 : i32
      %mul3A_1749 = arith.muli %sub3A_1443, %mul3A_1748 : i32
      %add3A_1750 = arith.constant 256 : i32
      %add3A_1751 = arith.addi %mul3A_1749, %add3A_1750 : i32
      %get3A_1752 = arith.index_cast %add3A_1751 : i32 to index
      %get3A_1753 = tpu.vector_load %arg4[%get3A_1752] {strides = array<i32>} : memref<25600xi32, #tpu.memory_space<vmem>>, vector<16xi32>,
      %add3A_1754 = arith.constant 256 : i32
      %add3A_1755 = vector.broadcast %add3A_1754 : i32 to vector<16xi32>
      %add3A_1756 = arith.addi %iota3A, %add3A_1755 : vector<16xi32>
      %mul3A_1757 = arith.constant 128 : i32
      %mul3A_1758 = vector.broadcast %mul3A_1757 : i32 to vector<16xi32>
      %mul3A_1759 = arith.muli %add3A_1756, %mul3A_1758 : vector<16xi32>
      %add3A_1760 = arith.addi %mul3A_1759, %get3A_1753 : vector<16xi32>
      %sub3A_1761 = arith.constant 1 : i32
      %sub3A_1762 = vector.broadcast %sub3A_1761 : i32 to vector<16xi32>
      %sub3A_1763 = arith.subi %add3A_1760, %sub3A_1762 : vector<16xi32>
      %ge3A_1764 = arith.constant 1 : i32
      %ge3A_1765 = vector.broadcast %ge3A_1764 : i32 to vector<16xi32>
      %ge3A_1766 = arith.cmpi sge, %get3A_1753, %ge3A_1765 : vector<16xi32>
      tpu.vector_store_idx %arg6[%sub3A_1763], %broadcast_in_dim3A_6 masked %ge3A_1766 : memref<40960xf32, #tpu.memory_space<vmem>>[vector<16xi32>], vector<16xf32>, vector<16xi1>
      %mul3A_1767 = arith.constant 320 : i32
      %mul3A_1768 = arith.muli %sub3A_1443, %mul3A_1767 : i32
      %add3A_1769 = arith.constant 272 : i32
      %add3A_1770 = arith.addi %mul3A_1768, %add3A_1769 : i32
      %get3A_1771 = arith.index_cast %add3A_1770 : i32 to index
      %get3A_1772 = tpu.vector_load %arg4[%get3A_1771] {strides = array<i32>} : memref<25600xi32, #tpu.memory_space<vmem>>, vector<16xi32>,
      %add3A_1773 = arith.constant 272 : i32
      %add3A_1774 = vector.broadcast %add3A_1773 : i32 to vector<16xi32>
      %add3A_1775 = arith.addi %iota3A, %add3A_1774 : vector<16xi32>
      %mul3A_1776 = arith.constant 128 : i32
      %mul3A_1777 = vector.broadcast %mul3A_1776 : i32 to vector<16xi32>
      %mul3A_1778 = arith.muli %add3A_1775, %mul3A_1777 : vector<16xi32>
      %add3A_1779 = arith.addi %mul3A_1778, %get3A_1772 : vector<16xi32>
      %sub3A_1780 = arith.constant 1 : i32
      %sub3A_1781 = vector.broadcast %sub3A_1780 : i32 to vector<16xi32>
      %sub3A_1782 = arith.subi %add3A_1779, %sub3A_1781 : vector<16xi32>
      %ge3A_1783 = arith.constant 1 : i32
      %ge3A_1784 = vector.broadcast %ge3A_1783 : i32 to vector<16xi32>
      %ge3A_1785 = arith.cmpi sge, %get3A_1772, %ge3A_1784 : vector<16xi32>
      tpu.vector_store_idx %arg6[%sub3A_1782], %broadcast_in_dim3A_6 masked %ge3A_1785 : memref<40960xf32, #tpu.memory_space<vmem>>[vector<16xi32>], vector<16xf32>, vector<16xi1>
      %mul3A_1786 = arith.constant 320 : i32
      %mul3A_1787 = arith.muli %sub3A_1443, %mul3A_1786 : i32
      %add3A_1788 = arith.constant 288 : i32
      %add3A_1789 = arith.addi %mul3A_1787, %add3A_1788 : i32
      %get3A_1790 = arith.index_cast %add3A_1789 : i32 to index
      %get3A_1791 = tpu.vector_load %arg4[%get3A_1790] {strides = array<i32>} : memref<25600xi32, #tpu.memory_space<vmem>>, vector<16xi32>,
      %add3A_1792 = arith.constant 288 : i32
      %add3A_1793 = vector.broadcast %add3A_1792 : i32 to vector<16xi32>
      %add3A_1794 = arith.addi %iota3A, %add3A_1793 : vector<16xi32>
      %mul3A_1795 = arith.constant 128 : i32
      %mul3A_1796 = vector.broadcast %mul3A_1795 : i32 to vector<16xi32>
      %mul3A_1797 = arith.muli %add3A_1794, %mul3A_1796 : vector<16xi32>
      %add3A_1798 = arith.addi %mul3A_1797, %get3A_1791 : vector<16xi32>
      %sub3A_1799 = arith.constant 1 : i32
      %sub3A_1800 = vector.broadcast %sub3A_1799 : i32 to vector<16xi32>
      %sub3A_1801 = arith.subi %add3A_1798, %sub3A_1800 : vector<16xi32>
      %ge3A_1802 = arith.constant 1 : i32
      %ge3A_1803 = vector.broadcast %ge3A_1802 : i32 to vector<16xi32>
      %ge3A_1804 = arith.cmpi sge, %get3A_1791, %ge3A_1803 : vector<16xi32>
      tpu.vector_store_idx %arg6[%sub3A_1801], %broadcast_in_dim3A_6 masked %ge3A_1804 : memref<40960xf32, #tpu.memory_space<vmem>>[vector<16xi32>], vector<16xf32>, vector<16xi1>
      %mul3A_1805 = arith.constant 320 : i32
      %mul3A_1806 = arith.muli %sub3A_1443, %mul3A_1805 : i32
      %add3A_1807 = arith.constant 304 : i32
      %add3A_1808 = arith.addi %mul3A_1806, %add3A_1807 : i32
      %get3A_1809 = arith.index_cast %add3A_1808 : i32 to index
      %get3A_1810 = tpu.vector_load %arg4[%get3A_1809] {strides = array<i32>} : memref<25600xi32, #tpu.memory_space<vmem>>, vector<16xi32>,
      %add3A_1811 = arith.constant 304 : i32
      %add3A_1812 = vector.broadcast %add3A_1811 : i32 to vector<16xi32>
      %add3A_1813 = arith.addi %iota3A, %add3A_1812 : vector<16xi32>
      %mul3A_1814 = arith.constant 128 : i32
      %mul3A_1815 = vector.broadcast %mul3A_1814 : i32 to vector<16xi32>
      %mul3A_1816 = arith.muli %add3A_1813, %mul3A_1815 : vector<16xi32>
      %add3A_1817 = arith.addi %mul3A_1816, %get3A_1810 : vector<16xi32>
      %sub3A_1818 = arith.constant 1 : i32
      %sub3A_1819 = vector.broadcast %sub3A_1818 : i32 to vector<16xi32>
      %sub3A_1820 = arith.subi %add3A_1817, %sub3A_1819 : vector<16xi32>
      %ge3A_1821 = arith.constant 1 : i32
      %ge3A_1822 = vector.broadcast %ge3A_1821 : i32 to vector<16xi32>
      %ge3A_1823 = arith.cmpi sge, %get3A_1810, %ge3A_1822 : vector<16xi32>
      tpu.vector_store_idx %arg6[%sub3A_1820], %broadcast_in_dim3A_6 masked %ge3A_1823 : memref<40960xf32, #tpu.memory_space<vmem>>[vector<16xi32>], vector<16xf32>, vector<16xi1>
      %mul3A_1824 = arith.constant 320 : i32
      %mul3A_1825 = arith.muli %add3A_1432, %mul3A_1824 : i32
      %add3A_1826 = arith.constant 0 : i32
      %add3A_1827 = arith.addi %mul3A_1825, %add3A_1826 : i32
      %get3A_1828 = arith.index_cast %add3A_1827 : i32 to index
      %get3A_1829 = tpu.vector_load %arg4[%get3A_1828] {strides = array<i32>} : memref<25600xi32, #tpu.memory_space<vmem>>, vector<16xi32>,
      %add3A_1830 = arith.constant 0 : i32
      %add3A_1831 = vector.broadcast %add3A_1830 : i32 to vector<16xi32>
      %add3A_1832 = arith.addi %iota3A, %add3A_1831 : vector<16xi32>
      %mul3A_1833 = arith.constant 128 : i32
      %mul3A_1834 = vector.broadcast %mul3A_1833 : i32 to vector<16xi32>
      %mul3A_1835 = arith.muli %add3A_1832, %mul3A_1834 : vector<16xi32>
      %add3A_1836 = arith.addi %mul3A_1835, %get3A_1829 : vector<16xi32>
      %sub3A_1837 = arith.constant 1 : i32
      %sub3A_1838 = vector.broadcast %sub3A_1837 : i32 to vector<16xi32>
      %sub3A_1839 = arith.subi %add3A_1836, %sub3A_1838 : vector<16xi32>
      %ge3A_1840 = arith.constant 1 : i32
      %ge3A_1841 = vector.broadcast %ge3A_1840 : i32 to vector<16xi32>
      %ge3A_1842 = arith.cmpi sge, %get3A_1829, %ge3A_1841 : vector<16xi32>
      tpu.vector_store_idx %arg6[%sub3A_1839], %broadcast_in_dim3A_4 masked %ge3A_1842 : memref<40960xf32, #tpu.memory_space<vmem>>[vector<16xi32>], vector<16xf32>, vector<16xi1>
      %mul3A_1843 = arith.constant 320 : i32
      %mul3A_1844 = arith.muli %add3A_1432, %mul3A_1843 : i32
      %add3A_1845 = arith.constant 16 : i32
      %add3A_1846 = arith.addi %mul3A_1844, %add3A_1845 : i32
      %get3A_1847 = arith.index_cast %add3A_1846 : i32 to index
      %get3A_1848 = tpu.vector_load %arg4[%get3A_1847] {strides = array<i32>} : memref<25600xi32, #tpu.memory_space<vmem>>, vector<16xi32>,
      %add3A_1849 = arith.constant 16 : i32
      %add3A_1850 = vector.broadcast %add3A_1849 : i32 to vector<16xi32>
      %add3A_1851 = arith.addi %iota3A, %add3A_1850 : vector<16xi32>
      %mul3A_1852 = arith.constant 128 : i32
      %mul3A_1853 = vector.broadcast %mul3A_1852 : i32 to vector<16xi32>
      %mul3A_1854 = arith.muli %add3A_1851, %mul3A_1853 : vector<16xi32>
      %add3A_1855 = arith.addi %mul3A_1854, %get3A_1848 : vector<16xi32>
      %sub3A_1856 = arith.constant 1 : i32
      %sub3A_1857 = vector.broadcast %sub3A_1856 : i32 to vector<16xi32>
      %sub3A_1858 = arith.subi %add3A_1855, %sub3A_1857 : vector<16xi32>
      %ge3A_1859 = arith.constant 1 : i32
      %ge3A_1860 = vector.broadcast %ge3A_1859 : i32 to vector<16xi32>
      %ge3A_1861 = arith.cmpi sge, %get3A_1848, %ge3A_1860 : vector<16xi32>
      tpu.vector_store_idx %arg6[%sub3A_1858], %broadcast_in_dim3A_4 masked %ge3A_1861 : memref<40960xf32, #tpu.memory_space<vmem>>[vector<16xi32>], vector<16xf32>, vector<16xi1>
      %mul3A_1862 = arith.constant 320 : i32
      %mul3A_1863 = arith.muli %add3A_1432, %mul3A_1862 : i32
      %add3A_1864 = arith.constant 32 : i32
      %add3A_1865 = arith.addi %mul3A_1863, %add3A_1864 : i32
      %get3A_1866 = arith.index_cast %add3A_1865 : i32 to index
      %get3A_1867 = tpu.vector_load %arg4[%get3A_1866] {strides = array<i32>} : memref<25600xi32, #tpu.memory_space<vmem>>, vector<16xi32>,
      %add3A_1868 = arith.constant 32 : i32
      %add3A_1869 = vector.broadcast %add3A_1868 : i32 to vector<16xi32>
      %add3A_1870 = arith.addi %iota3A, %add3A_1869 : vector<16xi32>
      %mul3A_1871 = arith.constant 128 : i32
      %mul3A_1872 = vector.broadcast %mul3A_1871 : i32 to vector<16xi32>
      %mul3A_1873 = arith.muli %add3A_1870, %mul3A_1872 : vector<16xi32>
      %add3A_1874 = arith.addi %mul3A_1873, %get3A_1867 : vector<16xi32>
      %sub3A_1875 = arith.constant 1 : i32
      %sub3A_1876 = vector.broadcast %sub3A_1875 : i32 to vector<16xi32>
      %sub3A_1877 = arith.subi %add3A_1874, %sub3A_1876 : vector<16xi32>
      %ge3A_1878 = arith.constant 1 : i32
      %ge3A_1879 = vector.broadcast %ge3A_1878 : i32 to vector<16xi32>
      %ge3A_1880 = arith.cmpi sge, %get3A_1867, %ge3A_1879 : vector<16xi32>
      tpu.vector_store_idx %arg6[%sub3A_1877], %broadcast_in_dim3A_4 masked %ge3A_1880 : memref<40960xf32, #tpu.memory_space<vmem>>[vector<16xi32>], vector<16xf32>, vector<16xi1>
      %mul3A_1881 = arith.constant 320 : i32
      %mul3A_1882 = arith.muli %add3A_1432, %mul3A_1881 : i32
      %add3A_1883 = arith.constant 48 : i32
      %add3A_1884 = arith.addi %mul3A_1882, %add3A_1883 : i32
      %get3A_1885 = arith.index_cast %add3A_1884 : i32 to index
      %get3A_1886 = tpu.vector_load %arg4[%get3A_1885] {strides = array<i32>} : memref<25600xi32, #tpu.memory_space<vmem>>, vector<16xi32>,
      %add3A_1887 = arith.constant 48 : i32
      %add3A_1888 = vector.broadcast %add3A_1887 : i32 to vector<16xi32>
      %add3A_1889 = arith.addi %iota3A, %add3A_1888 : vector<16xi32>
      %mul3A_1890 = arith.constant 128 : i32
      %mul3A_1891 = vector.broadcast %mul3A_1890 : i32 to vector<16xi32>
      %mul3A_1892 = arith.muli %add3A_1889, %mul3A_1891 : vector<16xi32>
      %add3A_1893 = arith.addi %mul3A_1892, %get3A_1886 : vector<16xi32>
      %sub3A_1894 = arith.constant 1 : i32
      %sub3A_1895 = vector.broadcast %sub3A_1894 : i32 to vector<16xi32>
      %sub3A_1896 = arith.subi %add3A_1893, %sub3A_1895 : vector<16xi32>
      %ge3A_1897 = arith.constant 1 : i32
      %ge3A_1898 = vector.broadcast %ge3A_1897 : i32 to vector<16xi32>
      %ge3A_1899 = arith.cmpi sge, %get3A_1886, %ge3A_1898 : vector<16xi32>
      tpu.vector_store_idx %arg6[%sub3A_1896], %broadcast_in_dim3A_4 masked %ge3A_1899 : memref<40960xf32, #tpu.memory_space<vmem>>[vector<16xi32>], vector<16xf32>, vector<16xi1>
      %mul3A_1900 = arith.constant 320 : i32
      %mul3A_1901 = arith.muli %add3A_1432, %mul3A_1900 : i32
      %add3A_1902 = arith.constant 64 : i32
      %add3A_1903 = arith.addi %mul3A_1901, %add3A_1902 : i32
      %get3A_1904 = arith.index_cast %add3A_1903 : i32 to index
      %get3A_1905 = tpu.vector_load %arg4[%get3A_1904] {strides = array<i32>} : memref<25600xi32, #tpu.memory_space<vmem>>, vector<16xi32>,
      %add3A_1906 = arith.constant 64 : i32
      %add3A_1907 = vector.broadcast %add3A_1906 : i32 to vector<16xi32>
      %add3A_1908 = arith.addi %iota3A, %add3A_1907 : vector<16xi32>
      %mul3A_1909 = arith.constant 128 : i32
      %mul3A_1910 = vector.broadcast %mul3A_1909 : i32 to vector<16xi32>
      %mul3A_1911 = arith.muli %add3A_1908, %mul3A_1910 : vector<16xi32>
      %add3A_1912 = arith.addi %mul3A_1911, %get3A_1905 : vector<16xi32>
      %sub3A_1913 = arith.constant 1 : i32
      %sub3A_1914 = vector.broadcast %sub3A_1913 : i32 to vector<16xi32>
      %sub3A_1915 = arith.subi %add3A_1912, %sub3A_1914 : vector<16xi32>
      %ge3A_1916 = arith.constant 1 : i32
      %ge3A_1917 = vector.broadcast %ge3A_1916 : i32 to vector<16xi32>
      %ge3A_1918 = arith.cmpi sge, %get3A_1905, %ge3A_1917 : vector<16xi32>
      tpu.vector_store_idx %arg6[%sub3A_1915], %broadcast_in_dim3A_4 masked %ge3A_1918 : memref<40960xf32, #tpu.memory_space<vmem>>[vector<16xi32>], vector<16xf32>, vector<16xi1>
      %mul3A_1919 = arith.constant 320 : i32
      %mul3A_1920 = arith.muli %add3A_1432, %mul3A_1919 : i32
      %add3A_1921 = arith.constant 80 : i32
      %add3A_1922 = arith.addi %mul3A_1920, %add3A_1921 : i32
      %get3A_1923 = arith.index_cast %add3A_1922 : i32 to index
      %get3A_1924 = tpu.vector_load %arg4[%get3A_1923] {strides = array<i32>} : memref<25600xi32, #tpu.memory_space<vmem>>, vector<16xi32>,
      %add3A_1925 = arith.constant 80 : i32
      %add3A_1926 = vector.broadcast %add3A_1925 : i32 to vector<16xi32>
      %add3A_1927 = arith.addi %iota3A, %add3A_1926 : vector<16xi32>
      %mul3A_1928 = arith.constant 128 : i32
      %mul3A_1929 = vector.broadcast %mul3A_1928 : i32 to vector<16xi32>
      %mul3A_1930 = arith.muli %add3A_1927, %mul3A_1929 : vector<16xi32>
      %add3A_1931 = arith.addi %mul3A_1930, %get3A_1924 : vector<16xi32>
      %sub3A_1932 = arith.constant 1 : i32
      %sub3A_1933 = vector.broadcast %sub3A_1932 : i32 to vector<16xi32>
      %sub3A_1934 = arith.subi %add3A_1931, %sub3A_1933 : vector<16xi32>
      %ge3A_1935 = arith.constant 1 : i32
      %ge3A_1936 = vector.broadcast %ge3A_1935 : i32 to vector<16xi32>
      %ge3A_1937 = arith.cmpi sge, %get3A_1924, %ge3A_1936 : vector<16xi32>
      tpu.vector_store_idx %arg6[%sub3A_1934], %broadcast_in_dim3A_4 masked %ge3A_1937 : memref<40960xf32, #tpu.memory_space<vmem>>[vector<16xi32>], vector<16xf32>, vector<16xi1>
      %mul3A_1938 = arith.constant 320 : i32
      %mul3A_1939 = arith.muli %add3A_1432, %mul3A_1938 : i32
      %add3A_1940 = arith.constant 96 : i32
      %add3A_1941 = arith.addi %mul3A_1939, %add3A_1940 : i32
      %get3A_1942 = arith.index_cast %add3A_1941 : i32 to index
      %get3A_1943 = tpu.vector_load %arg4[%get3A_1942] {strides = array<i32>} : memref<25600xi32, #tpu.memory_space<vmem>>, vector<16xi32>,
      %add3A_1944 = arith.constant 96 : i32
      %add3A_1945 = vector.broadcast %add3A_1944 : i32 to vector<16xi32>
      %add3A_1946 = arith.addi %iota3A, %add3A_1945 : vector<16xi32>
      %mul3A_1947 = arith.constant 128 : i32
      %mul3A_1948 = vector.broadcast %mul3A_1947 : i32 to vector<16xi32>
      %mul3A_1949 = arith.muli %add3A_1946, %mul3A_1948 : vector<16xi32>
      %add3A_1950 = arith.addi %mul3A_1949, %get3A_1943 : vector<16xi32>
      %sub3A_1951 = arith.constant 1 : i32
      %sub3A_1952 = vector.broadcast %sub3A_1951 : i32 to vector<16xi32>
      %sub3A_1953 = arith.subi %add3A_1950, %sub3A_1952 : vector<16xi32>
      %ge3A_1954 = arith.constant 1 : i32
      %ge3A_1955 = vector.broadcast %ge3A_1954 : i32 to vector<16xi32>
      %ge3A_1956 = arith.cmpi sge, %get3A_1943, %ge3A_1955 : vector<16xi32>
      tpu.vector_store_idx %arg6[%sub3A_1953], %broadcast_in_dim3A_4 masked %ge3A_1956 : memref<40960xf32, #tpu.memory_space<vmem>>[vector<16xi32>], vector<16xf32>, vector<16xi1>
      %mul3A_1957 = arith.constant 320 : i32
      %mul3A_1958 = arith.muli %add3A_1432, %mul3A_1957 : i32
      %add3A_1959 = arith.constant 112 : i32
      %add3A_1960 = arith.addi %mul3A_1958, %add3A_1959 : i32
      %get3A_1961 = arith.index_cast %add3A_1960 : i32 to index
      %get3A_1962 = tpu.vector_load %arg4[%get3A_1961] {strides = array<i32>} : memref<25600xi32, #tpu.memory_space<vmem>>, vector<16xi32>,
      %add3A_1963 = arith.constant 112 : i32
      %add3A_1964 = vector.broadcast %add3A_1963 : i32 to vector<16xi32>
      %add3A_1965 = arith.addi %iota3A, %add3A_1964 : vector<16xi32>
      %mul3A_1966 = arith.constant 128 : i32
      %mul3A_1967 = vector.broadcast %mul3A_1966 : i32 to vector<16xi32>
      %mul3A_1968 = arith.muli %add3A_1965, %mul3A_1967 : vector<16xi32>
      %add3A_1969 = arith.addi %mul3A_1968, %get3A_1962 : vector<16xi32>
      %sub3A_1970 = arith.constant 1 : i32
      %sub3A_1971 = vector.broadcast %sub3A_1970 : i32 to vector<16xi32>
      %sub3A_1972 = arith.subi %add3A_1969, %sub3A_1971 : vector<16xi32>
      %ge3A_1973 = arith.constant 1 : i32
      %ge3A_1974 = vector.broadcast %ge3A_1973 : i32 to vector<16xi32>
      %ge3A_1975 = arith.cmpi sge, %get3A_1962, %ge3A_1974 : vector<16xi32>
      tpu.vector_store_idx %arg6[%sub3A_1972], %broadcast_in_dim3A_4 masked %ge3A_1975 : memref<40960xf32, #tpu.memory_space<vmem>>[vector<16xi32>], vector<16xf32>, vector<16xi1>
      %mul3A_1976 = arith.constant 320 : i32
      %mul3A_1977 = arith.muli %add3A_1432, %mul3A_1976 : i32
      %add3A_1978 = arith.constant 128 : i32
      %add3A_1979 = arith.addi %mul3A_1977, %add3A_1978 : i32
      %get3A_1980 = arith.index_cast %add3A_1979 : i32 to index
      %get3A_1981 = tpu.vector_load %arg4[%get3A_1980] {strides = array<i32>} : memref<25600xi32, #tpu.memory_space<vmem>>, vector<16xi32>,
      %add3A_1982 = arith.constant 128 : i32
      %add3A_1983 = vector.broadcast %add3A_1982 : i32 to vector<16xi32>
      %add3A_1984 = arith.addi %iota3A, %add3A_1983 : vector<16xi32>
      %mul3A_1985 = arith.constant 128 : i32
      %mul3A_1986 = vector.broadcast %mul3A_1985 : i32 to vector<16xi32>
      %mul3A_1987 = arith.muli %add3A_1984, %mul3A_1986 : vector<16xi32>
      %add3A_1988 = arith.addi %mul3A_1987, %get3A_1981 : vector<16xi32>
      %sub3A_1989 = arith.constant 1 : i32
      %sub3A_1990 = vector.broadcast %sub3A_1989 : i32 to vector<16xi32>
      %sub3A_1991 = arith.subi %add3A_1988, %sub3A_1990 : vector<16xi32>
      %ge3A_1992 = arith.constant 1 : i32
      %ge3A_1993 = vector.broadcast %ge3A_1992 : i32 to vector<16xi32>
      %ge3A_1994 = arith.cmpi sge, %get3A_1981, %ge3A_1993 : vector<16xi32>
      tpu.vector_store_idx %arg6[%sub3A_1991], %broadcast_in_dim3A_4 masked %ge3A_1994 : memref<40960xf32, #tpu.memory_space<vmem>>[vector<16xi32>], vector<16xf32>, vector<16xi1>
      %mul3A_1995 = arith.constant 320 : i32
      %mul3A_1996 = arith.muli %add3A_1432, %mul3A_1995 : i32
      %add3A_1997 = arith.constant 144 : i32
      %add3A_1998 = arith.addi %mul3A_1996, %add3A_1997 : i32
      %get3A_1999 = arith.index_cast %add3A_1998 : i32 to index
      %get3A_2000 = tpu.vector_load %arg4[%get3A_1999] {strides = array<i32>} : memref<25600xi32, #tpu.memory_space<vmem>>, vector<16xi32>,
      %add3A_2001 = arith.constant 144 : i32
      %add3A_2002 = vector.broadcast %add3A_2001 : i32 to vector<16xi32>
      %add3A_2003 = arith.addi %iota3A, %add3A_2002 : vector<16xi32>
      %mul3A_2004 = arith.constant 128 : i32
      %mul3A_2005 = vector.broadcast %mul3A_2004 : i32 to vector<16xi32>
      %mul3A_2006 = arith.muli %add3A_2003, %mul3A_2005 : vector<16xi32>
      %add3A_2007 = arith.addi %mul3A_2006, %get3A_2000 : vector<16xi32>
      %sub3A_2008 = arith.constant 1 : i32
      %sub3A_2009 = vector.broadcast %sub3A_2008 : i32 to vector<16xi32>
      %sub3A_2010 = arith.subi %add3A_2007, %sub3A_2009 : vector<16xi32>
      %ge3A_2011 = arith.constant 1 : i32
      %ge3A_2012 = vector.broadcast %ge3A_2011 : i32 to vector<16xi32>
      %ge3A_2013 = arith.cmpi sge, %get3A_2000, %ge3A_2012 : vector<16xi32>
      tpu.vector_store_idx %arg6[%sub3A_2010], %broadcast_in_dim3A_4 masked %ge3A_2013 : memref<40960xf32, #tpu.memory_space<vmem>>[vector<16xi32>], vector<16xf32>, vector<16xi1>
      %mul3A_2014 = arith.constant 320 : i32
      %mul3A_2015 = arith.muli %add3A_1432, %mul3A_2014 : i32
      %add3A_2016 = arith.constant 160 : i32
      %add3A_2017 = arith.addi %mul3A_2015, %add3A_2016 : i32
      %get3A_2018 = arith.index_cast %add3A_2017 : i32 to index
      %get3A_2019 = tpu.vector_load %arg4[%get3A_2018] {strides = array<i32>} : memref<25600xi32, #tpu.memory_space<vmem>>, vector<16xi32>,
      %add3A_2020 = arith.constant 160 : i32
      %add3A_2021 = vector.broadcast %add3A_2020 : i32 to vector<16xi32>
      %add3A_2022 = arith.addi %iota3A, %add3A_2021 : vector<16xi32>
      %mul3A_2023 = arith.constant 128 : i32
      %mul3A_2024 = vector.broadcast %mul3A_2023 : i32 to vector<16xi32>
      %mul3A_2025 = arith.muli %add3A_2022, %mul3A_2024 : vector<16xi32>
      %add3A_2026 = arith.addi %mul3A_2025, %get3A_2019 : vector<16xi32>
      %sub3A_2027 = arith.constant 1 : i32
      %sub3A_2028 = vector.broadcast %sub3A_2027 : i32 to vector<16xi32>
      %sub3A_2029 = arith.subi %add3A_2026, %sub3A_2028 : vector<16xi32>
      %ge3A_2030 = arith.constant 1 : i32
      %ge3A_2031 = vector.broadcast %ge3A_2030 : i32 to vector<16xi32>
      %ge3A_2032 = arith.cmpi sge, %get3A_2019, %ge3A_2031 : vector<16xi32>
      tpu.vector_store_idx %arg6[%sub3A_2029], %broadcast_in_dim3A_4 masked %ge3A_2032 : memref<40960xf32, #tpu.memory_space<vmem>>[vector<16xi32>], vector<16xf32>, vector<16xi1>
      %mul3A_2033 = arith.constant 320 : i32
      %mul3A_2034 = arith.muli %add3A_1432, %mul3A_2033 : i32
      %add3A_2035 = arith.constant 176 : i32
      %add3A_2036 = arith.addi %mul3A_2034, %add3A_2035 : i32
      %get3A_2037 = arith.index_cast %add3A_2036 : i32 to index
      %get3A_2038 = tpu.vector_load %arg4[%get3A_2037] {strides = array<i32>} : memref<25600xi32, #tpu.memory_space<vmem>>, vector<16xi32>,
      %add3A_2039 = arith.constant 176 : i32
      %add3A_2040 = vector.broadcast %add3A_2039 : i32 to vector<16xi32>
      %add3A_2041 = arith.addi %iota3A, %add3A_2040 : vector<16xi32>
      %mul3A_2042 = arith.constant 128 : i32
      %mul3A_2043 = vector.broadcast %mul3A_2042 : i32 to vector<16xi32>
      %mul3A_2044 = arith.muli %add3A_2041, %mul3A_2043 : vector<16xi32>
      %add3A_2045 = arith.addi %mul3A_2044, %get3A_2038 : vector<16xi32>
      %sub3A_2046 = arith.constant 1 : i32
      %sub3A_2047 = vector.broadcast %sub3A_2046 : i32 to vector<16xi32>
      %sub3A_2048 = arith.subi %add3A_2045, %sub3A_2047 : vector<16xi32>
      %ge3A_2049 = arith.constant 1 : i32
      %ge3A_2050 = vector.broadcast %ge3A_2049 : i32 to vector<16xi32>
      %ge3A_2051 = arith.cmpi sge, %get3A_2038, %ge3A_2050 : vector<16xi32>
      tpu.vector_store_idx %arg6[%sub3A_2048], %broadcast_in_dim3A_4 masked %ge3A_2051 : memref<40960xf32, #tpu.memory_space<vmem>>[vector<16xi32>], vector<16xf32>, vector<16xi1>
      %mul3A_2052 = arith.constant 320 : i32
      %mul3A_2053 = arith.muli %add3A_1432, %mul3A_2052 : i32
      %add3A_2054 = arith.constant 192 : i32
      %add3A_2055 = arith.addi %mul3A_2053, %add3A_2054 : i32
      %get3A_2056 = arith.index_cast %add3A_2055 : i32 to index
      %get3A_2057 = tpu.vector_load %arg4[%get3A_2056] {strides = array<i32>} : memref<25600xi32, #tpu.memory_space<vmem>>, vector<16xi32>,
      %add3A_2058 = arith.constant 192 : i32
      %add3A_2059 = vector.broadcast %add3A_2058 : i32 to vector<16xi32>
      %add3A_2060 = arith.addi %iota3A, %add3A_2059 : vector<16xi32>
      %mul3A_2061 = arith.constant 128 : i32
      %mul3A_2062 = vector.broadcast %mul3A_2061 : i32 to vector<16xi32>
      %mul3A_2063 = arith.muli %add3A_2060, %mul3A_2062 : vector<16xi32>
      %add3A_2064 = arith.addi %mul3A_2063, %get3A_2057 : vector<16xi32>
      %sub3A_2065 = arith.constant 1 : i32
      %sub3A_2066 = vector.broadcast %sub3A_2065 : i32 to vector<16xi32>
      %sub3A_2067 = arith.subi %add3A_2064, %sub3A_2066 : vector<16xi32>
      %ge3A_2068 = arith.constant 1 : i32
      %ge3A_2069 = vector.broadcast %ge3A_2068 : i32 to vector<16xi32>
      %ge3A_2070 = arith.cmpi sge, %get3A_2057, %ge3A_2069 : vector<16xi32>
      tpu.vector_store_idx %arg6[%sub3A_2067], %broadcast_in_dim3A_4 masked %ge3A_2070 : memref<40960xf32, #tpu.memory_space<vmem>>[vector<16xi32>], vector<16xf32>, vector<16xi1>
      %mul3A_2071 = arith.constant 320 : i32
      %mul3A_2072 = arith.muli %add3A_1432, %mul3A_2071 : i32
      %add3A_2073 = arith.constant 208 : i32
      %add3A_2074 = arith.addi %mul3A_2072, %add3A_2073 : i32
      %get3A_2075 = arith.index_cast %add3A_2074 : i32 to index
      %get3A_2076 = tpu.vector_load %arg4[%get3A_2075] {strides = array<i32>} : memref<25600xi32, #tpu.memory_space<vmem>>, vector<16xi32>,
      %add3A_2077 = arith.constant 208 : i32
      %add3A_2078 = vector.broadcast %add3A_2077 : i32 to vector<16xi32>
      %add3A_2079 = arith.addi %iota3A, %add3A_2078 : vector<16xi32>
      %mul3A_2080 = arith.constant 128 : i32
      %mul3A_2081 = vector.broadcast %mul3A_2080 : i32 to vector<16xi32>
      %mul3A_2082 = arith.muli %add3A_2079, %mul3A_2081 : vector<16xi32>
      %add3A_2083 = arith.addi %mul3A_2082, %get3A_2076 : vector<16xi32>
      %sub3A_2084 = arith.constant 1 : i32
      %sub3A_2085 = vector.broadcast %sub3A_2084 : i32 to vector<16xi32>
      %sub3A_2086 = arith.subi %add3A_2083, %sub3A_2085 : vector<16xi32>
      %ge3A_2087 = arith.constant 1 : i32
      %ge3A_2088 = vector.broadcast %ge3A_2087 : i32 to vector<16xi32>
      %ge3A_2089 = arith.cmpi sge, %get3A_2076, %ge3A_2088 : vector<16xi32>
      tpu.vector_store_idx %arg6[%sub3A_2086], %broadcast_in_dim3A_4 masked %ge3A_2089 : memref<40960xf32, #tpu.memory_space<vmem>>[vector<16xi32>], vector<16xf32>, vector<16xi1>
      %mul3A_2090 = arith.constant 320 : i32
      %mul3A_2091 = arith.muli %add3A_1432, %mul3A_2090 : i32
      %add3A_2092 = arith.constant 224 : i32
      %add3A_2093 = arith.addi %mul3A_2091, %add3A_2092 : i32
      %get3A_2094 = arith.index_cast %add3A_2093 : i32 to index
      %get3A_2095 = tpu.vector_load %arg4[%get3A_2094] {strides = array<i32>} : memref<25600xi32, #tpu.memory_space<vmem>>, vector<16xi32>,
      %add3A_2096 = arith.constant 224 : i32
      %add3A_2097 = vector.broadcast %add3A_2096 : i32 to vector<16xi32>
      %add3A_2098 = arith.addi %iota3A, %add3A_2097 : vector<16xi32>
      %mul3A_2099 = arith.constant 128 : i32
      %mul3A_2100 = vector.broadcast %mul3A_2099 : i32 to vector<16xi32>
      %mul3A_2101 = arith.muli %add3A_2098, %mul3A_2100 : vector<16xi32>
      %add3A_2102 = arith.addi %mul3A_2101, %get3A_2095 : vector<16xi32>
      %sub3A_2103 = arith.constant 1 : i32
      %sub3A_2104 = vector.broadcast %sub3A_2103 : i32 to vector<16xi32>
      %sub3A_2105 = arith.subi %add3A_2102, %sub3A_2104 : vector<16xi32>
      %ge3A_2106 = arith.constant 1 : i32
      %ge3A_2107 = vector.broadcast %ge3A_2106 : i32 to vector<16xi32>
      %ge3A_2108 = arith.cmpi sge, %get3A_2095, %ge3A_2107 : vector<16xi32>
      tpu.vector_store_idx %arg6[%sub3A_2105], %broadcast_in_dim3A_4 masked %ge3A_2108 : memref<40960xf32, #tpu.memory_space<vmem>>[vector<16xi32>], vector<16xf32>, vector<16xi1>
      %mul3A_2109 = arith.constant 320 : i32
      %mul3A_2110 = arith.muli %add3A_1432, %mul3A_2109 : i32
      %add3A_2111 = arith.constant 240 : i32
      %add3A_2112 = arith.addi %mul3A_2110, %add3A_2111 : i32
      %get3A_2113 = arith.index_cast %add3A_2112 : i32 to index
      %get3A_2114 = tpu.vector_load %arg4[%get3A_2113] {strides = array<i32>} : memref<25600xi32, #tpu.memory_space<vmem>>, vector<16xi32>,
      %add3A_2115 = arith.constant 240 : i32
      %add3A_2116 = vector.broadcast %add3A_2115 : i32 to vector<16xi32>
      %add3A_2117 = arith.addi %iota3A, %add3A_2116 : vector<16xi32>
      %mul3A_2118 = arith.constant 128 : i32
      %mul3A_2119 = vector.broadcast %mul3A_2118 : i32 to vector<16xi32>
      %mul3A_2120 = arith.muli %add3A_2117, %mul3A_2119 : vector<16xi32>
      %add3A_2121 = arith.addi %mul3A_2120, %get3A_2114 : vector<16xi32>
      %sub3A_2122 = arith.constant 1 : i32
      %sub3A_2123 = vector.broadcast %sub3A_2122 : i32 to vector<16xi32>
      %sub3A_2124 = arith.subi %add3A_2121, %sub3A_2123 : vector<16xi32>
      %ge3A_2125 = arith.constant 1 : i32
      %ge3A_2126 = vector.broadcast %ge3A_2125 : i32 to vector<16xi32>
      %ge3A_2127 = arith.cmpi sge, %get3A_2114, %ge3A_2126 : vector<16xi32>
      tpu.vector_store_idx %arg6[%sub3A_2124], %broadcast_in_dim3A_4 masked %ge3A_2127 : memref<40960xf32, #tpu.memory_space<vmem>>[vector<16xi32>], vector<16xf32>, vector<16xi1>
      %mul3A_2128 = arith.constant 320 : i32
      %mul3A_2129 = arith.muli %add3A_1432, %mul3A_2128 : i32
      %add3A_2130 = arith.constant 256 : i32
      %add3A_2131 = arith.addi %mul3A_2129, %add3A_2130 : i32
      %get3A_2132 = arith.index_cast %add3A_2131 : i32 to index
      %get3A_2133 = tpu.vector_load %arg4[%get3A_2132] {strides = array<i32>} : memref<25600xi32, #tpu.memory_space<vmem>>, vector<16xi32>,
      %add3A_2134 = arith.constant 256 : i32
      %add3A_2135 = vector.broadcast %add3A_2134 : i32 to vector<16xi32>
      %add3A_2136 = arith.addi %iota3A, %add3A_2135 : vector<16xi32>
      %mul3A_2137 = arith.constant 128 : i32
      %mul3A_2138 = vector.broadcast %mul3A_2137 : i32 to vector<16xi32>
      %mul3A_2139 = arith.muli %add3A_2136, %mul3A_2138 : vector<16xi32>
      %add3A_2140 = arith.addi %mul3A_2139, %get3A_2133 : vector<16xi32>
      %sub3A_2141 = arith.constant 1 : i32
      %sub3A_2142 = vector.broadcast %sub3A_2141 : i32 to vector<16xi32>
      %sub3A_2143 = arith.subi %add3A_2140, %sub3A_2142 : vector<16xi32>
      %ge3A_2144 = arith.constant 1 : i32
      %ge3A_2145 = vector.broadcast %ge3A_2144 : i32 to vector<16xi32>
      %ge3A_2146 = arith.cmpi sge, %get3A_2133, %ge3A_2145 : vector<16xi32>
      tpu.vector_store_idx %arg6[%sub3A_2143], %broadcast_in_dim3A_4 masked %ge3A_2146 : memref<40960xf32, #tpu.memory_space<vmem>>[vector<16xi32>], vector<16xf32>, vector<16xi1>
      %mul3A_2147 = arith.constant 320 : i32
      %mul3A_2148 = arith.muli %add3A_1432, %mul3A_2147 : i32
      %add3A_2149 = arith.constant 272 : i32
      %add3A_2150 = arith.addi %mul3A_2148, %add3A_2149 : i32
      %get3A_2151 = arith.index_cast %add3A_2150 : i32 to index
      %get3A_2152 = tpu.vector_load %arg4[%get3A_2151] {strides = array<i32>} : memref<25600xi32, #tpu.memory_space<vmem>>, vector<16xi32>,
      %add3A_2153 = arith.constant 272 : i32
      %add3A_2154 = vector.broadcast %add3A_2153 : i32 to vector<16xi32>
      %add3A_2155 = arith.addi %iota3A, %add3A_2154 : vector<16xi32>
      %mul3A_2156 = arith.constant 128 : i32
      %mul3A_2157 = vector.broadcast %mul3A_2156 : i32 to vector<16xi32>
      %mul3A_2158 = arith.muli %add3A_2155, %mul3A_2157 : vector<16xi32>
      %add3A_2159 = arith.addi %mul3A_2158, %get3A_2152 : vector<16xi32>
      %sub3A_2160 = arith.constant 1 : i32
      %sub3A_2161 = vector.broadcast %sub3A_2160 : i32 to vector<16xi32>
      %sub3A_2162 = arith.subi %add3A_2159, %sub3A_2161 : vector<16xi32>
      %ge3A_2163 = arith.constant 1 : i32
      %ge3A_2164 = vector.broadcast %ge3A_2163 : i32 to vector<16xi32>
      %ge3A_2165 = arith.cmpi sge, %get3A_2152, %ge3A_2164 : vector<16xi32>
      tpu.vector_store_idx %arg6[%sub3A_2162], %broadcast_in_dim3A_4 masked %ge3A_2165 : memref<40960xf32, #tpu.memory_space<vmem>>[vector<16xi32>], vector<16xf32>, vector<16xi1>
      %mul3A_2166 = arith.constant 320 : i32
      %mul3A_2167 = arith.muli %add3A_1432, %mul3A_2166 : i32
      %add3A_2168 = arith.constant 288 : i32
      %add3A_2169 = arith.addi %mul3A_2167, %add3A_2168 : i32
      %get3A_2170 = arith.index_cast %add3A_2169 : i32 to index
      %get3A_2171 = tpu.vector_load %arg4[%get3A_2170] {strides = array<i32>} : memref<25600xi32, #tpu.memory_space<vmem>>, vector<16xi32>,
      %add3A_2172 = arith.constant 288 : i32
      %add3A_2173 = vector.broadcast %add3A_2172 : i32 to vector<16xi32>
      %add3A_2174 = arith.addi %iota3A, %add3A_2173 : vector<16xi32>
      %mul3A_2175 = arith.constant 128 : i32
      %mul3A_2176 = vector.broadcast %mul3A_2175 : i32 to vector<16xi32>
      %mul3A_2177 = arith.muli %add3A_2174, %mul3A_2176 : vector<16xi32>
      %add3A_2178 = arith.addi %mul3A_2177, %get3A_2171 : vector<16xi32>
      %sub3A_2179 = arith.constant 1 : i32
      %sub3A_2180 = vector.broadcast %sub3A_2179 : i32 to vector<16xi32>
      %sub3A_2181 = arith.subi %add3A_2178, %sub3A_2180 : vector<16xi32>
      %ge3A_2182 = arith.constant 1 : i32
      %ge3A_2183 = vector.broadcast %ge3A_2182 : i32 to vector<16xi32>
      %ge3A_2184 = arith.cmpi sge, %get3A_2171, %ge3A_2183 : vector<16xi32>
      tpu.vector_store_idx %arg6[%sub3A_2181], %broadcast_in_dim3A_4 masked %ge3A_2184 : memref<40960xf32, #tpu.memory_space<vmem>>[vector<16xi32>], vector<16xf32>, vector<16xi1>
      %mul3A_2185 = arith.constant 320 : i32
      %mul3A_2186 = arith.muli %add3A_1432, %mul3A_2185 : i32
      %add3A_2187 = arith.constant 304 : i32
      %add3A_2188 = arith.addi %mul3A_2186, %add3A_2187 : i32
      %get3A_2189 = arith.index_cast %add3A_2188 : i32 to index
      %get3A_2190 = tpu.vector_load %arg4[%get3A_2189] {strides = array<i32>} : memref<25600xi32, #tpu.memory_space<vmem>>, vector<16xi32>,
      %add3A_2191 = arith.constant 304 : i32
      %add3A_2192 = vector.broadcast %add3A_2191 : i32 to vector<16xi32>
      %add3A_2193 = arith.addi %iota3A, %add3A_2192 : vector<16xi32>
      %mul3A_2194 = arith.constant 128 : i32
      %mul3A_2195 = vector.broadcast %mul3A_2194 : i32 to vector<16xi32>
      %mul3A_2196 = arith.muli %add3A_2193, %mul3A_2195 : vector<16xi32>
      %add3A_2197 = arith.addi %mul3A_2196, %get3A_2190 : vector<16xi32>
      %sub3A_2198 = arith.constant 1 : i32
      %sub3A_2199 = vector.broadcast %sub3A_2198 : i32 to vector<16xi32>
      %sub3A_2200 = arith.subi %add3A_2197, %sub3A_2199 : vector<16xi32>
      %ge3A_2201 = arith.constant 1 : i32
      %ge3A_2202 = vector.broadcast %ge3A_2201 : i32 to vector<16xi32>
      %ge3A_2203 = arith.cmpi sge, %get3A_2190, %ge3A_2202 : vector<16xi32>
      tpu.vector_store_idx %arg6[%sub3A_2200], %broadcast_in_dim3A_4 masked %ge3A_2203 : memref<40960xf32, #tpu.memory_space<vmem>>[vector<16xi32>], vector<16xf32>, vector<16xi1>
      %mul3A_2204 = arith.constant 320 : i32
      %mul3A_2205 = arith.muli %add3A_1432, %mul3A_2204 : i32
      %add3A_2206 = arith.addi %mul3A_2, %mul3A_2205 : i32
      %mul3A_2207 = arith.constant 128 : i32
      %mul3A_2208 = arith.muli %add3A_2206, %mul3A_2207 : i32
      %dma_start3A_2209 = tpu.memref_slice %arg3[%mul3A_2208] : memref<104857600xf32, #tpu.memory_space<hbm>> -> memref<40960xf32, #tpu.memory_space<hbm>>
      %dma_start3A_2210 = tpu.memref_slice %arg3[%mul3A_2208] : memref<104857600xf32, #tpu.memory_space<hbm>> -> memref<40960xf32, #tpu.memory_space<hbm>>
      tpu.enqueue_dma source(%arg6 : memref<40960xf32, #tpu.memory_space<vmem>>) target(%dma_start3A_2210 : memref<40960xf32, #tpu.memory_space<hbm>>) target_semaphore(%arg8 : memref<!tpu.dma_semaphore, #tpu.memory_space<semaphore_mem>>)
    }
    %scan3A_633 = arith.constant 39 : i32
    %add3A_634 = arith.constant 24960 : i32
    %add3A_635 = arith.addi %mul3A_2, %add3A_634 : i32
    %mul3A_636 = arith.constant 128 : i32
    %mul3A_637 = arith.muli %add3A_635, %mul3A_636 : i32
    %dma_wait3A_638 = tpu.memref_slice %arg3[%mul3A_637] : memref<104857600xf32, #tpu.memory_space<hbm>> -> memref<40960xf32, #tpu.memory_space<hbm>>
    %dma_wait3A_639 = tpu.memref_slice %arg3[%mul3A_637] : memref<104857600xf32, #tpu.memory_space<hbm>> -> memref<40960xf32, #tpu.memory_space<hbm>>
    tpu.wait_dma2 semaphore(%arg7 : memref<!tpu.dma_semaphore, #tpu.memory_space<semaphore_mem>>) src(%arg5 : memref<40960xf32, #tpu.memory_space<vmem>>) dst(%dma_wait3A_639 : memref<40960xf32, #tpu.memory_space<hbm>>)
    %add3A_640 = arith.constant 25280 : i32
    %add3A_641 = arith.addi %mul3A_2, %add3A_640 : i32
    %mul3A_642 = arith.constant 128 : i32
    %mul3A_643 = arith.muli %add3A_641, %mul3A_642 : i32
    %dma_wait3A_644 = tpu.memref_slice %arg3[%mul3A_643] : memref<104857600xf32, #tpu.memory_space<hbm>> -> memref<40960xf32, #tpu.memory_space<hbm>>
    %dma_wait3A_645 = tpu.memref_slice %arg3[%mul3A_643] : memref<104857600xf32, #tpu.memory_space<hbm>> -> memref<40960xf32, #tpu.memory_space<hbm>>
    tpu.wait_dma2 semaphore(%arg8 : memref<!tpu.dma_semaphore, #tpu.memory_space<semaphore_mem>>) src(%arg6 : memref<40960xf32, #tpu.memory_space<vmem>>) dst(%dma_wait3A_645 : memref<40960xf32, #tpu.memory_space<hbm>>)
    return
  }
}

</mosaic_0001>

<sc_bundles>
// kernel: kernel.3.cloned.1.call-start
scs
__scs_entry_jumppad:
0x0: {  	(pc) =	sbr.rel $0x88, $3  }
0x1: {  	(tag) =	ssettag $0x0;
	lr =	simm.s32 $0x1  }
0x2: {  	[smem:$0x3FA0] =	sst lr;
	_ =	strace $0xD0000000  }
0x3: {  	_ = 	snop  }
0x4: {  	_ = 	snop  }
0x5: {  	_ = 	snop  }
0x6: {  	_ = 	snop  }
0x7: {  	_ = 	snop  }
__scs_overlays_trampoline_lowered:
0x8: {  	[smem:$0x3FAF] =	sst s0  }
0x9: {  	[smem:$0x3FB0] =	sst s1  }
0xa: {  	[smem:$0x3FB1] =	sst s2  }
0xb: {  	[smem:$0x3FB2] =	sst s3  }
0xc: {  	[smem:$0x3FB3] =	sst s4  }
0xd: {  	[smem:$0x3FB4] =	sst s5  }
0xe: {  	[smem:$0x3FB5] =	sst s6  }
0xf: {  	[smem:$0x3FB6] =	sst s7  }
0x10: {  	[smem:$0x3FB7] =	sst s8  }
0x11: {  	[smem:$0x3FB8] =	sst s9;
	s0 =	simm.s32 @!p0 $0x0  }
0x12: {  	s1 =	sld [smem:$0x3F9E];
	s0 =	simm.s32 @p0 $0x1  }
0x13: {  	[smem:$0x3FB9] =	sst s0;
	s0 =	simm.s32 @!p1 $0x0  }
0x14: {  	s2 =	sld [smem:$0x3F9D];
	s0 =	simm.s32 @p1 $0x1  }
0x15: {  	[smem:$0x3FBA] =	sst s0;
	s0 =	simm.s32 @!p2 $0x0  }
0x16: {  	s3 =	sld [smem:$0x3FDB];
	s0 =	simm.s32 @p2 $0x1  }
0x17: {  	s4 =	simm.s32 $0x1BF5;
	[smem:$0x3FBC] =	sst s0  }
0x18: {  	s0 =	sld [smem:$0x3F9F];
	_ =	swait.ge [sflag:s4], $0x0  }
0x19: {  	s7 =	sld [smem:$0x3FA0]  }
0x1a: {  	s8 =	sadd.s32 $0xFFFFE003, lr  }
0x1b: {  	s9 =	sadd.s32 $0xFFFFFEF7, lr;
	s5 =	simm.s32 $0xFFFFFFFF;
	p2 =	slt.u32 s8, $0xFFFFF086  }
0x1c: {  	p1 =	slt.u32 s9, $0xF7A;
	s5 =	simm.s32 @!p2 $0x0  }
0x1d: {  	s5 =	simm.s32 @p1 $0x1;
	p0 =	seq.s32 s7, s2  }
0x1e: {  	s7 =	smul.u32 @!p0 $0xF7A, s2;
	p2 =	seq.s32 @!p0 s5, $0x0  }
0x1f: {  	s9 =	smul.u32 $0xF7A, s1;
	s8 =	simm.s32 @!p0 $0x1BF5;
	p2 =	por !p2, p0  }
0x20: {  	[sflag:s8] =	ssyncset.s32 @!p0 $0xFFFFF086;
	s6 =	sadd.s32 @!p0 s3, s7;
	s7 =	simm.s32 @!p0 $0x108  }
0x21: {  	s3 =	sadd.s32 s3, s9;
	s6 =	sadd.s32 @!p0 $0x88, s6;
	s7 =	simm.s32 @p2 $0x1082  }
0x22: {  	[simem:s7], [sflag:s8] =	dma.local @!p0 [hbm:s6], $0xF7A  }
0x23: {  	s9 =	sor.u32 $0xD0000000, s2;
	s6 =	simm.s32 $0x108;
	_ =	swait.ge @!p0 [sflag:s8], $0x0  }
0x24: {  	s3 =	sadd.s32 $0x88, s3;
	s6 =	simm.s32 @!p1 $0x1082;
	[sflag:s4] =	ssyncset.s32 $0xFFFFF086  }
0x25: {  	[simem:s6], [sflag:s4] =	dma.local [hbm:s3], $0xF7A  }
0x26: {  	[smem:$0x3FA0] =	sst s1;
	(tag) =	ssettag s2;
	_ =	strace s9  }
0x27: {  	s1 =	sld [smem:$0x3FB0]  }
0x28: {  	s2 =	sld [smem:$0x3FB1]  }
0x29: {  	s4 =	sld [smem:$0x3FB3]  }
0x2a: {  	p0 =	seq.s32 s5, $0x0;
	s5 =	sld [smem:$0x3FB4]  }
0x2b: {  	s6 =	sld [smem:$0x3FB5]  }
0x2c: {  	s7 =	sld [smem:$0x3FB6]  }
0x2d: {  	s3 =	simm.s32 $0x108;
	s8 =	sld [smem:$0x3FB7]  }
0x2e: {  	s3 =	simm.s32 @!p0 $0x1082;
	s9 =	sld [smem:$0x3FB8]  }
0x2f: {  	lr =	sadd.s32 s0, s3;
	s0 =	sld [smem:$0x3FAF]  }
0x30: {  	s3 =	sld [smem:$0x3FB2]  }
0x31: {  	[smem:$0x3FBB] =	sst s10  }
0x32: {  	s10 =	sld [smem:$0x3FB9];
	_ =	sdelay $0x3  }
0x33: {  	p0 =	seq.s32 s10, $0x1;
	s10 =	sld [smem:$0x3FBB];
	_ =	sdelay $0x3  }
0x34: {  	[smem:$0x3FBB] =	sst s10  }
0x35: {  	s10 =	sld [smem:$0x3FBA];
	_ =	sdelay $0x3  }
0x36: {  	p1 =	seq.s32 s10, $0x1;
	s10 =	sld [smem:$0x3FBB];
	_ =	sdelay $0x3  }
0x37: {  	[smem:$0x3FBB] =	sst s10  }
0x38: {  	s10 =	sld [smem:$0x3FBC]  }
0x39: {  	_ = 	snop;
	(pc) =	sbr.ind lr, $3  }
0x3a: {  	_ = 	snop  }
0x3b: {  	_ = 	snop  }
0x3c: {  	p2 =	seq.s32 s10, $0x1;
	s10 =	sld [smem:$0x3FBB]  }
0x3d: {  	_ =	shalt  }
0x3e: {  	_ =	shalt  }
0x3f: {  	_ =	shalt  }
0x40: {  	_ =	shalt  }
0x41: {  	_ =	shalt  }
0x42: {  	_ =	shalt  }
0x43: {  	_ =	shalt  }
0x44: {  	_ =	shalt  }
0x45: {  	_ =	shalt  }
0x46: {  	_ =	shalt  }
0x47: {  	_ =	shalt  }
0x48: {  	_ =	shalt  }
0x49: {  	_ =	shalt  }
0x4a: {  	_ =	shalt  }
0x4b: {  	_ =	shalt  }
0x4c: {  	_ =	shalt  }
0x4d: {  	_ =	shalt  }
0x4e: {  	_ =	shalt  }
0x4f: {  	_ =	shalt  }
0x50: {  	_ =	shalt  }
0x51: {  	_ =	shalt  }
0x52: {  	_ =	shalt  }
0x53: {  	_ =	shalt  }
0x54: {  	_ =	shalt  }
0x55: {  	_ =	shalt  }
0x56: {  	_ =	shalt  }
0x57: {  	_ =	shalt  }
0x58: {  	_ =	shalt  }
0x59: {  	_ =	shalt  }
0x5a: {  	_ =	shalt  }
0x5b: {  	_ =	shalt  }
0x5c: {  	_ =	shalt  }
0x5d: {  	_ =	shalt  }
0x5e: {  	_ =	shalt  }
0x5f: {  	_ =	shalt  }
0x60: {  	_ =	shalt  }
0x61: {  	_ =	shalt  }
0x62: {  	_ =	shalt  }
0x63: {  	_ =	shalt  }
0x64: {  	_ =	shalt  }
0x65: {  	_ =	shalt  }
0x66: {  	_ =	shalt  }
0x67: {  	_ =	shalt  }
0x68: {  	_ =	shalt  }
0x69: {  	_ =	shalt  }
0x6a: {  	_ =	shalt  }
0x6b: {  	_ =	shalt  }
0x6c: {  	_ =	shalt  }
0x6d: {  	_ =	shalt  }
0x6e: {  	_ =	shalt  }
0x6f: {  	_ =	shalt  }
0x70: {  	_ =	shalt  }
0x71: {  	_ =	shalt  }
0x72: {  	_ =	shalt  }
0x73: {  	_ =	shalt  }
0x74: {  	_ =	shalt  }
0x75: {  	_ =	shalt  }
0x76: {  	_ =	shalt  }
0x77: {  	_ =	shalt  }
0x78: {  	_ =	shalt  }
0x79: {  	_ =	shalt  }
0x7a: {  	_ =	shalt  }
0x7b: {  	_ =	shalt  }
0x7c: {  	_ =	shalt  }
0x7d: {  	_ =	shalt  }
0x7e: {  	_ =	shalt  }
0x7f: {  	_ =	shalt  }
0x80: {  	_ =	shalt  }
0x81: {  	_ =	shalt  }
0x82: {  	_ =	shalt  }
0x83: {  	_ =	shalt  }
0x84: {  	_ =	shalt  }
0x85: {  	_ =	shalt  }
0x86: {  	_ =	shalt  }
0x87: {  	_ =	shalt  }
.Lfunc_end0:
.L_simem_size_0:
called_computation_lowered:
.L_overlay_start_0:
0x88: {  	s2 =	sld [smem:$0x3FD9]  }
0x89: {  	s3 =	sld [smem:$0x3FFE];
	_ =	sdelay $0x1  }
0x8a: {  	s1 =	srdreg.scid  }
0x8b: {  	s0 =	sand.u32 $0x1, s1  }
0x8c: {  	s17 =	sshll.u32 s0, $0xA;
	s2 =	sadd.s32 s3, s2  }
0x8d: {  	s2 =	sadd.s32 s2, s17  }
0x8e: {  	[smem:$0x3FC7] =	sst s2  }
0x8f: {  	_ = 	snop  }
0x90: {  	s2 =	sld [smem:$0x3FD0];
	(tm) =	ssettm $0x1  }
0x91: {  	s18 =	sld [smem:$0x3FFB];
	_ =	sdelay $0x3  }
0x92: {  	_ =	strace s18  }
0x93: {  	s3 =	sld [smem:$0x3FFC];
	_ =	sdelay $0x3  }
0x94: {  	_ =	strace s3  }
0x95: {  	s3 =	sld [smem:$0x3FFD];
	_ =	sdelay $0x3  }
0x96: {  	_ =	strace s3  }
0x97: {  	_ =	strace $0x8FFFFFFF  }
0x98: {  	s19 =	sld [smem:$0x3FDB];
	_ =	sdelay $0x1  }
0x99: {  	s4 =	simm.s32 $_scs_section_size  }
0x9a: {  	s5 =	simm.s32 $_size__tile_overlayer_lowered;
	s6 =	simm.s32 $_tile_overlayer_lowered  }
0x9b: {  	s22 =	simm.s32 $0x1BFF;
	s21 =	sshll.u32 s6, $0x1;
	s3 =	sadd.s32 s4, s19  }
0x9c: {  	s7 =	simm.s32 $0x0;
	s20 =	sshll.u32 s5, $0x1;
	s5 =	sadd.s32 s21, s3  }
0x9d: {  	[timem:s7], [sflag:s22] =	dma.local [hbm:s5], s20  }
0x9e: {  	_ =	swait.ge [sflag:s22], s20  }
0x9f: {  	s4 =	ssub.s32 $0x0, s20;
	[sflag:s22] =	ssyncset.done $0x0  }
0xa0: {  	[sflag:s22] =	ssyncadd.s32 s4;
	_ =	sdelay $0x1  }
0xa1: {  	s23 =	simm.s32 $0x1B8B  }
0xa2: {  	_ =	swait.ge [sflag:s23], $0x1  }
0xa3: {  	[sflag:s23] =	ssyncset.done $0x0  }
0xa4: {  	s25 =	simm.s32 $0x1B8E;
	s24 =	sld [smem:$0x3FFE];
	[sflag:s23] =	ssyncadd.s32 $0xFFFFFFFF  }
0xa5: {  	s26 =	simm.s32 $execute0_lowered;
	[smem:$0x3FD2] =	sst s25  }
0xa6: {  	s5 =	sshll.u32 s26, $0x1;
	_ =	strace $0x80000046;
	[dreg:$0x1] =	wrdreg $0xFFFFFFFF  }
0xa7: {  	s28 =	simm.s32 $_size_execute0_lowered;
	s3 =	sadd.s32 s3, s5;
	[dreg:$0x0] =	wrdreg $0x0  }
0xa8: {  	s5 =	sshll.u32 s28, $0x1;
	[dreg:$0x2] =	wrdreg s3  }
0xa9: {  	[dreg:$0x3] =	wrdreg s5  }
0xaa: {  	[dreg:$0x4] =	wrdreg $0xC0  }
0xab: {  	_ =	task [dreg:s7], $0x5FFFF  }
0xac: {  	[dreg:$0x1] =	wrdreg $0xFFFFFFFF  }
0xad: {  	[dreg:$0x0] =	wrdreg $0x60  }
0xae: {  	[dreg:$0x2] =	wrdreg s24  }
0xaf: {  	[dreg:$0x3] =	wrdreg s2  }
0xb0: {  	[dreg:$0x4] =	wrdreg $0x9  }
0xb1: {  	_ =	task.clear_ibuf [dreg:s7], $0x5FFFF;
	_ =	strace $0x90000046  }
0xb2: {  	s29 =	simm.s32 $0x9;
	_ =	strace $0x80000048  }
0xb3: {  	_ =	swait.ge [sflag:s29], $0x1  }
0xb4: {  	[sflag:s29] =	ssyncadd.s32 $0xFFFFFFFF  }
0xb5: {  	_ =	strace $0x90000048  }
0xb6: {  	_ =	sfence  }
0xb7: {  	s30 =	sld [smem:$0x0];
	_ =	sdelay $0x2  }
0xb8: {  	s31 =	sshll.u32 s1, $0xD;
	s1 =	sshrl.u32 s1, $0x2  }
0xb9: {  	s3 =	sand.u32 $0x4000, s31;
	s1 =	sadd.s32 s1, s30  }
0xba: {  	s0 =	sor.u32 s3, s0;
	s1 =	sshll.u32 s1, $0x11  }
0xbb: {  	s0 =	sor.u32 s1, s0  }
0xbc: {  	s0 =	sadd.s32 $0x8F2B, s0  }
0xbd: {  	[sflag:s0] =	ssyncadd.remote.s32 $0x1  }
0xbe: {  	_ =	sfence.sel $0xFFFF  }
0xbf: {  	[dreg:$0x0] =	wrdreg $0xFFFFFFFF;
	(pc) =	sbr.abs _section_cstart, $3  }
0xc0: {  	[dreg:$0x1] =	wrdreg $0xFFFFFFFF  }
0xc1: {  	_ =	task.clear_ibuf [dreg:s7], $0x2FFFF;
	_ =	strace $0x9FFFFFFF  }
0xc2: {  	(tm) =	ssettm $0x7FFFFFFF  }
0xc3: {  	_ =	shalt  }
tec
execute0_lowered:
.L_overlay_start_1:
0x0: {  	(tag) =	ssettag $0x1  }
0x1: {  	s1 =	srdreg.scid;
	s4 =	rddreg [dreg:$0x0]  }
0x2: {  	s0 =	stileid.u32;
	s6 =	rddreg [dreg:$0x1]  }
0x3: {  	v0 =	vlaneseq.u32;
	s2 =	simm.s32 $0x0;
	s11 =	simm.s32 $0x10400;
	s12 =	simm.s32 $0x2  }
0x4: {  	s13 =	simm.s32 $0x0;
	s3 =	sand.u32 $0x1, s1;
	s1 =	rddreg [dreg:$0x2];
	v21 =	vmul.u32 $0x80, v0  }
0x5: {  	v2 =	vimm.f32 $1.000000000e+00;
	s30 =	sshll.u32 s0, $0x1;
	s8 =	smul.u32 $0xC800, s0;
	[smem:$0x7FF] =	sst s2  }
0x6: {  	v0 =	vimm.f32 $0.0e+00;
	s5 =	sor.u32 s3, s30;
	s9 =	smul.u32 $0x6400, s3;
	s3 =	ssub.s32 $0x2, s3;
	v1 =	vadd.s32 $0xFFFFFFFF, v21;
	v3 =	vadd.s32 $0x7FF, v21  }
0x7: {  	_ =	strace $0x80000047;
	s7 =	smul.u32 $0x6400, s5;
	s10 =	sshrl.u32 s3, $0x1;
	v4 =	vadd.s32 $0xFFF, v21;
	v5 =	vadd.s32 $0x17FF, v21;
	v6 =	vadd.s32 $0x1FFF, v21  }
0x8: {  	s5 =	smul.u32 $0x64000, s5;
	v7 =	vadd.s32 $0x27FF, v21;
	v8 =	vadd.s32 $0x2FFF, v21;
	v9 =	vadd.s32 $0x37FF, v21;
	s8 =	sadd.s32 s9, s8;
	s31 =	ssub.s32 s3, s10  }
0x9: {  	v10 =	vadd.s32 $0x3FFF, v21;
	v11 =	vadd.s32 $0x47FF, v21;
	v12 =	vadd.s32 $0x4FFF, v21;
	s9 =	simm.s32 $0x1;
	s7 =	sshrl.u32 s7, $0x3;
	s8 =	sshll.u32 s8, $0x4  }
0xa: {  	v13 =	vadd.s32 $0x57FF, v21;
	v14 =	vadd.s32 $0x5FFF, v21;
	v15 =	vadd.s32 $0x67FF, v21;
	s10 =	simm.s32 $0x6400;
	s4 =	sadd.s32 s7, s4;
	s8 =	sadd.s32 s8, s6  }
0xb: {  	v16 =	vadd.s32 $0x6FFF, v21;
	v17 =	vadd.s32 $0x77FF, v21;
	v18 =	vadd.s32 $0x7FFF, v21;
	s3 =	sadd.s32 $0x400, s4;
	s4 =	sadd.s32 s6, s5;
	s6 =	smax.u32 s31, $0x1  }
0xc: {  	v19 =	vadd.s32 $0x87FF, v21;
	v20 =	vadd.s32 $0x8FFF, v21;
	v21 =	vadd.s32 $0x97FF, v21;
	s7 =	sadd.s32 $0x3C00, s8;
	s8 =	sadd.s32 $0x2800, s8;
	s5 =	sadd.s32 $0x1400, s4  }
.LBB2_1:
0xd: {  	[tilespmem:s2], [sflag:$0x1] =	stream.linear.gather [hbm4b:s3+s2], $0x6400, $0x38;
	[tilespmem:$0x1A400] =	vst v63  }
0xe: {  	s14 =	simm.s32 $0x0;
	s15 =	simm.s32 $0x400  }
.LBB2_2:
0xf: {  	p0 =	sne.s32 s15, $0x27C00;
	[tilespmem:s14+$0x64F0] =	vst v0  }
0x10: {  	[tilespmem:s14+$0x6400] =	vst v0  }
0x11: {  	[tilespmem:s14+$0x6410] =	vst v0  }
0x12: {  	[tilespmem:s14+$0x6420] =	vst v0  }
0x13: {  	[tilespmem:s14+$0x6430] =	vst v0  }
0x14: {  	[tilespmem:s14+$0x6440] =	vst v0  }
0x15: {  	[tilespmem:s14+$0x6450] =	vst v0  }
0x16: {  	[tilespmem:s14+$0x6460] =	vst v0  }
0x17: {  	[tilespmem:s14+$0x6470] =	vst v0  }
0x18: {  	[tilespmem:s14+$0x6480] =	vst v0  }
0x19: {  	[tilespmem:s14+$0x6490] =	vst v0  }
.Ltmp0:
0x1a: {  	[tilespmem:s14+$0x64A0] =	vst v0;
	(pc) =	sbr.rel @p0 .LBB2_2-.Ltmp0, $4  }
0x1b: {  	[tilespmem:s14+$0x64B0] =	vst v0  }
0x1c: {  	[tilespmem:s14+$0x64C0] =	vst v0  }
0x1d: {  	[tilespmem:s14+$0x64D0] =	vst v0  }
0x1e: {  	[tilespmem:s14+$0x64E0] =	vst v0;
	s14 =	sshra.s32 s15, $0x2;
	s15 =	sadd.s32 $0x400, s15  }
0x1f: {  	[tilespmem:s14+$0x64F0] =	vst v0  }
0x20: {  	[tilespmem:s14+$0x6400] =	vst v0  }
0x21: {  	[tilespmem:s14+$0x6410] =	vst v0  }
0x22: {  	[tilespmem:s14+$0x6420] =	vst v0  }
0x23: {  	[tilespmem:s14+$0x6430] =	vst v0  }
0x24: {  	[tilespmem:s14+$0x6440] =	vst v0  }
0x25: {  	[tilespmem:s14+$0x6450] =	vst v0  }
0x26: {  	[tilespmem:s14+$0x6460] =	vst v0  }
0x27: {  	[tilespmem:s14+$0x6470] =	vst v0  }
0x28: {  	[tilespmem:s14+$0x6480] =	vst v0  }
0x29: {  	[tilespmem:s14+$0x6490] =	vst v0  }
0x2a: {  	[tilespmem:s14+$0x64A0] =	vst v0  }
0x2b: {  	[tilespmem:s14+$0x64B0] =	vst v0  }
0x2c: {  	[tilespmem:s14+$0x64C0] =	vst v0  }
0x2d: {  	[tilespmem:s14+$0x64D0] =	vst v0  }
0x2e: {  	[tilespmem:s14+$0x64E0] =	vst v0;
	s14 =	simm.s32 $0x0;
	s15 =	simm.s32 $0x400  }
.LBB2_4:
0x2f: {  	p0 =	sne.s32 s15, $0x27C00;
	[tilespmem:s14+$0x104F0] =	vst v0  }
0x30: {  	[tilespmem:s14+$0x10400] =	vst v0  }
0x31: {  	[tilespmem:s14+$0x10410] =	vst v0  }
0x32: {  	[tilespmem:s14+$0x10420] =	vst v0  }
0x33: {  	[tilespmem:s14+$0x10430] =	vst v0  }
0x34: {  	[tilespmem:s14+$0x10440] =	vst v0  }
0x35: {  	[tilespmem:s14+$0x10450] =	vst v0  }
0x36: {  	[tilespmem:s14+$0x10460] =	vst v0  }
0x37: {  	[tilespmem:s14+$0x10470] =	vst v0  }
0x38: {  	[tilespmem:s14+$0x10480] =	vst v0  }
0x39: {  	[tilespmem:s14+$0x10490] =	vst v0  }
.Ltmp1:
0x3a: {  	[tilespmem:s14+$0x104A0] =	vst v0;
	(pc) =	sbr.rel @p0 .LBB2_4-.Ltmp1, $4  }
0x3b: {  	[tilespmem:s14+$0x104B0] =	vst v0  }
0x3c: {  	[tilespmem:s14+$0x104C0] =	vst v0  }
0x3d: {  	[tilespmem:s14+$0x104D0] =	vst v0  }
0x3e: {  	[tilespmem:s14+$0x104E0] =	vst v0;
	s14 =	sshra.s32 s15, $0x2;
	s15 =	sadd.s32 $0x400, s15  }
0x3f: {  	[tilespmem:s14+$0x104F0] =	vst v0  }
0x40: {  	[tilespmem:s14+$0x10400] =	vst v0  }
0x41: {  	[tilespmem:s14+$0x10410] =	vst v0  }
0x42: {  	[tilespmem:s14+$0x10420] =	vst v0  }
0x43: {  	[tilespmem:s14+$0x10430] =	vst v0  }
0x44: {  	[tilespmem:s14+$0x10440] =	vst v0  }
0x45: {  	[tilespmem:s14+$0x10450] =	vst v0  }
0x46: {  	[tilespmem:s14+$0x10460] =	vst v0  }
0x47: {  	[tilespmem:s14+$0x10470] =	vst v0  }
0x48: {  	[tilespmem:s14+$0x10480] =	vst v0  }
0x49: {  	[tilespmem:s14+$0x10490] =	vst v0  }
0x4a: {  	[tilespmem:s14+$0x104A0] =	vst v0  }
0x4b: {  	[tilespmem:s14+$0x104B0] =	vst v0  }
0x4c: {  	[tilespmem:s14+$0x104C0] =	vst v0  }
0x4d: {  	[tilespmem:s14+$0x104D0] =	vst v0  }
0x4e: {  	[tilespmem:s14+$0x104E0] =	vst v0  }
0x4f: {  	_ =	swait.ge [sflag:s9], $0x6400  }
0x50: {  	[sflag:s9] =	ssyncset.done $0x0  }
0x51: {  	[sflag:s9] =	ssyncadd.s32 $0xFFFF9C00  }
0x52: {  	v22 =	vld [tilespmem:$0x0];
	_ =	sdelay $0x4  }
0x53: {  	vm0 =	vgt.s32 v22, $0x0  }
0x54: {  	v22 =	vadd.s32 v1, v22;
	_ =	sdelay $0x4  }
0x55: {  	[tilespmem:v22+s10+$0x0] =	vst.idx.msk vm0, v2  }
0x56: {  	v22 =	vld [tilespmem:$0x10];
	_ =	sdelay $0x4  }
0x57: {  	vm13 =	vgt.s32 v22, $0x0  }
0x58: {  	v22 =	vadd.s32 v3, v22;
	_ =	sdelay $0x4  }
0x59: {  	[tilespmem:v22+s10+$0x0] =	vst.idx.msk vm13, v2  }
0x5a: {  	v22 =	vld [tilespmem:$0x20];
	_ =	sdelay $0x4  }
0x5b: {  	vm14 =	vgt.s32 v22, $0x0  }
0x5c: {  	v22 =	vadd.s32 v4, v22;
	_ =	sdelay $0x4  }
0x5d: {  	[tilespmem:v22+s10+$0x0] =	vst.idx.msk vm14, v2  }
0x5e: {  	v22 =	vld [tilespmem:$0x30];
	_ =	sdelay $0x4  }
0x5f: {  	vm15 =	vgt.s32 v22, $0x0  }
0x60: {  	v22 =	vadd.s32 v5, v22;
	_ =	sdelay $0x4  }
0x61: {  	[tilespmem:v22+s10+$0x0] =	vst.idx.msk vm15, v2  }
0x62: {  	v22 =	vld [tilespmem:$0x40];
	_ =	sdelay $0x4  }
0x63: {  	vm4 =	vgt.s32 v22, $0x0  }
0x64: {  	v22 =	vadd.s32 v6, v22;
	_ =	sdelay $0x4  }
0x65: {  	[tilespmem:v22+s10+$0x0] =	vst.idx.msk vm4, v2  }
0x66: {  	v22 =	vld [tilespmem:$0x50];
	_ =	sdelay $0x4  }
0x67: {  	vm5 =	vgt.s32 v22, $0x0  }
0x68: {  	v22 =	vadd.s32 v7, v22;
	_ =	sdelay $0x4  }
0x69: {  	[tilespmem:v22+s10+$0x0] =	vst.idx.msk vm5, v2  }
0x6a: {  	v22 =	vld [tilespmem:$0x60];
	_ =	sdelay $0x4  }
0x6b: {  	vm6 =	vgt.s32 v22, $0x0  }
0x6c: {  	v22 =	vadd.s32 v8, v22;
	_ =	sdelay $0x4  }
0x6d: {  	[tilespmem:v22+s10+$0x0] =	vst.idx.msk vm6, v2  }
0x6e: {  	v22 =	vld [tilespmem:$0x70];
	_ =	sdelay $0x4  }
0x6f: {  	vm7 =	vgt.s32 v22, $0x0  }
0x70: {  	v22 =	vadd.s32 v9, v22;
	_ =	sdelay $0x4  }
0x71: {  	[tilespmem:v22+s10+$0x0] =	vst.idx.msk vm7, v2  }
0x72: {  	v22 =	vld [tilespmem:$0x80];
	_ =	sdelay $0x4  }
0x73: {  	vm8 =	vgt.s32 v22, $0x0  }
0x74: {  	v22 =	vadd.s32 v10, v22;
	_ =	sdelay $0x4  }
0x75: {  	[tilespmem:v22+s10+$0x0] =	vst.idx.msk vm8, v2  }
0x76: {  	v22 =	vld [tilespmem:$0x90];
	_ =	sdelay $0x4  }
0x77: {  	vm9 =	vgt.s32 v22, $0x0  }
0x78: {  	v22 =	vadd.s32 v11, v22;
	_ =	sdelay $0x4  }
0x79: {  	[tilespmem:v22+s10+$0x0] =	vst.idx.msk vm9, v2  }
0x7a: {  	v22 =	vld [tilespmem:$0xA0];
	_ =	sdelay $0x4  }
0x7b: {  	vm10 =	vgt.s32 v22, $0x0  }
0x7c: {  	v22 =	vadd.s32 v12, v22;
	_ =	sdelay $0x4  }
0x7d: {  	[tilespmem:v22+s10+$0x0] =	vst.idx.msk vm10, v2  }
0x7e: {  	v22 =	vld [tilespmem:$0xB0];
	_ =	sdelay $0x4  }
0x7f: {  	vm11 =	vgt.s32 v22, $0x0  }
0x80: {  	v22 =	vadd.s32 v13, v22;
	_ =	sdelay $0x4  }
0x81: {  	[tilespmem:v22+s10+$0x0] =	vst.idx.msk vm11, v2  }
0x82: {  	v22 =	vld [tilespmem:$0xC0];
	_ =	sdelay $0x4  }
0x83: {  	vm12 =	vgt.s32 v22, $0x0  }
0x84: {  	v22 =	vadd.s32 v14, v22;
	_ =	sdelay $0x4  }
0x85: {  	[tilespmem:v22+s10+$0x0] =	vst.idx.msk vm12, v2  }
0x86: {  	v22 =	vld [tilespmem:$0xD0];
	_ =	sdelay $0x4  }
0x87: {  	vm13 =	vgt.s32 v22, $0x0  }
0x88: {  	v22 =	vadd.s32 v15, v22;
	_ =	sdelay $0x4  }
0x89: {  	[tilespmem:v22+s10+$0x0] =	vst.idx.msk vm13, v2  }
0x8a: {  	v22 =	vld [tilespmem:$0xE0];
	_ =	sdelay $0x4  }
0x8b: {  	vm14 =	vgt.s32 v22, $0x0  }
0x8c: {  	v22 =	vadd.s32 v16, v22;
	_ =	sdelay $0x4  }
0x8d: {  	[tilespmem:v22+s10+$0x0] =	vst.idx.msk vm14, v2  }
0x8e: {  	v22 =	vld [tilespmem:$0xF0];
	_ =	sdelay $0x4  }
0x8f: {  	vm15 =	vgt.s32 v22, $0x0  }
0x90: {  	v22 =	vadd.s32 v17, v22;
	_ =	sdelay $0x4  }
0x91: {  	[tilespmem:v22+s10+$0x0] =	vst.idx.msk vm15, v2  }
0x92: {  	v22 =	vld [tilespmem:$0x100];
	_ =	sdelay $0x4  }
0x93: {  	vm4 =	vgt.s32 v22, $0x0  }
0x94: {  	v22 =	vadd.s32 v18, v22;
	_ =	sdelay $0x4  }
0x95: {  	[tilespmem:v22+s10+$0x0] =	vst.idx.msk vm4, v2  }
0x96: {  	v22 =	vld [tilespmem:$0x110];
	_ =	sdelay $0x4  }
0x97: {  	vm5 =	vgt.s32 v22, $0x0  }
0x98: {  	v22 =	vadd.s32 v19, v22;
	_ =	sdelay $0x4  }
0x99: {  	[tilespmem:v22+s10+$0x0] =	vst.idx.msk vm5, v2  }
0x9a: {  	v22 =	vld [tilespmem:$0x120];
	_ =	sdelay $0x4  }
0x9b: {  	vm6 =	vgt.s32 v22, $0x0  }
0x9c: {  	v22 =	vadd.s32 v20, v22;
	_ =	sdelay $0x4  }
0x9d: {  	[tilespmem:v22+s10+$0x0] =	vst.idx.msk vm6, v2  }
0x9e: {  	v22 =	vld [tilespmem:$0x130];
	_ =	sdelay $0x4  }
0x9f: {  	vm7 =	vgt.s32 v22, $0x0  }
0xa0: {  	v22 =	vadd.s32 v21, v22;
	_ =	sdelay $0x4  }
0xa1: {  	s14 =	simm.s32 $0x0;
	[tilespmem:v22+s10+$0x0] =	vst.idx.msk vm7, v2  }
0xa2: {  	[hbm4b:s4+s14] =	stream.linear.scatter [tilespmem:s10], [sflag:$0x1], $0xA000, $0x38;
	[tilespmem:$0x1A400] =	vst v63  }
0xa3: {  	v22 =	vld [tilespmem:$0x140];
	_ =	sdelay $0x4  }
0xa4: {  	vm8 =	vgt.s32 v22, $0x0  }
0xa5: {  	v22 =	vadd.s32 v1, v22;
	_ =	sdelay $0x4  }
0xa6: {  	[tilespmem:v22+s11+$0x0] =	vst.idx.msk vm8, v2  }
0xa7: {  	v22 =	vld [tilespmem:$0x150];
	_ =	sdelay $0x4  }
0xa8: {  	vm9 =	vgt.s32 v22, $0x0  }
0xa9: {  	v22 =	vadd.s32 v3, v22;
	_ =	sdelay $0x4  }
0xaa: {  	[tilespmem:v22+s11+$0x0] =	vst.idx.msk vm9, v2  }
0xab: {  	v22 =	vld [tilespmem:$0x160];
	_ =	sdelay $0x4  }
0xac: {  	vm10 =	vgt.s32 v22, $0x0  }
0xad: {  	v22 =	vadd.s32 v4, v22;
	_ =	sdelay $0x4  }
0xae: {  	[tilespmem:v22+s11+$0x0] =	vst.idx.msk vm10, v2  }
0xaf: {  	v22 =	vld [tilespmem:$0x170];
	_ =	sdelay $0x4  }
0xb0: {  	vm11 =	vgt.s32 v22, $0x0  }
0xb1: {  	v22 =	vadd.s32 v5, v22;
	_ =	sdelay $0x4  }
0xb2: {  	[tilespmem:v22+s11+$0x0] =	vst.idx.msk vm11, v2  }
0xb3: {  	v22 =	vld [tilespmem:$0x180];
	_ =	sdelay $0x4  }
0xb4: {  	vm12 =	vgt.s32 v22, $0x0  }
0xb5: {  	v22 =	vadd.s32 v6, v22;
	_ =	sdelay $0x4  }
0xb6: {  	[tilespmem:v22+s11+$0x0] =	vst.idx.msk vm12, v2  }
0xb7: {  	v22 =	vld [tilespmem:$0x190];
	_ =	sdelay $0x4  }
0xb8: {  	vm13 =	vgt.s32 v22, $0x0  }
0xb9: {  	v22 =	vadd.s32 v7, v22;
	_ =	sdelay $0x4  }
0xba: {  	[tilespmem:v22+s11+$0x0] =	vst.idx.msk vm13, v2  }
0xbb: {  	v22 =	vld [tilespmem:$0x1A0];
	_ =	sdelay $0x4  }
0xbc: {  	vm14 =	vgt.s32 v22, $0x0  }
0xbd: {  	v22 =	vadd.s32 v8, v22;
	_ =	sdelay $0x4  }
0xbe: {  	[tilespmem:v22+s11+$0x0] =	vst.idx.msk vm14, v2  }
0xbf: {  	v22 =	vld [tilespmem:$0x1B0];
	_ =	sdelay $0x4  }
0xc0: {  	vm15 =	vgt.s32 v22, $0x0  }
0xc1: {  	v22 =	vadd.s32 v9, v22;
	_ =	sdelay $0x4  }
0xc2: {  	[tilespmem:v22+s11+$0x0] =	vst.idx.msk vm15, v2  }
0xc3: {  	v22 =	vld [tilespmem:$0x1C0];
	_ =	sdelay $0x4  }
0xc4: {  	vm4 =	vgt.s32 v22, $0x0  }
0xc5: {  	v22 =	vadd.s32 v10, v22;
	_ =	sdelay $0x4  }
0xc6: {  	[tilespmem:v22+s11+$0x0] =	vst.idx.msk vm4, v2  }
0xc7: {  	v22 =	vld [tilespmem:$0x1D0];
	_ =	sdelay $0x4  }
0xc8: {  	vm5 =	vgt.s32 v22, $0x0  }
0xc9: {  	v22 =	vadd.s32 v11, v22;
	_ =	sdelay $0x4  }
0xca: {  	[tilespmem:v22+s11+$0x0] =	vst.idx.msk vm5, v2  }
0xcb: {  	v22 =	vld [tilespmem:$0x1E0];
	_ =	sdelay $0x4  }
0xcc: {  	vm6 =	vgt.s32 v22, $0x0  }
0xcd: {  	v22 =	vadd.s32 v12, v22;
	_ =	sdelay $0x4  }
0xce: {  	[tilespmem:v22+s11+$0x0] =	vst.idx.msk vm6, v2  }
0xcf: {  	v22 =	vld [tilespmem:$0x1F0];
	_ =	sdelay $0x4  }
0xd0: {  	vm7 =	vgt.s32 v22, $0x0  }
0xd1: {  	v22 =	vadd.s32 v13, v22;
	_ =	sdelay $0x4  }
0xd2: {  	[tilespmem:v22+s11+$0x0] =	vst.idx.msk vm7, v2  }
0xd3: {  	v22 =	vld [tilespmem:$0x200];
	_ =	sdelay $0x4  }
0xd4: {  	vm8 =	vgt.s32 v22, $0x0  }
0xd5: {  	v22 =	vadd.s32 v14, v22;
	_ =	sdelay $0x4  }
0xd6: {  	[tilespmem:v22+s11+$0x0] =	vst.idx.msk vm8, v2  }
0xd7: {  	v22 =	vld [tilespmem:$0x210];
	_ =	sdelay $0x4  }
0xd8: {  	vm9 =	vgt.s32 v22, $0x0  }
0xd9: {  	v22 =	vadd.s32 v15, v22;
	_ =	sdelay $0x4  }
0xda: {  	[tilespmem:v22+s11+$0x0] =	vst.idx.msk vm9, v2  }
0xdb: {  	v22 =	vld [tilespmem:$0x220];
	_ =	sdelay $0x4  }
0xdc: {  	vm10 =	vgt.s32 v22, $0x0  }
0xdd: {  	v22 =	vadd.s32 v16, v22;
	_ =	sdelay $0x4  }
0xde: {  	[tilespmem:v22+s11+$0x0] =	vst.idx.msk vm10, v2  }
0xdf: {  	v22 =	vld [tilespmem:$0x230];
	_ =	sdelay $0x4  }
0xe0: {  	vm11 =	vgt.s32 v22, $0x0  }
0xe1: {  	v22 =	vadd.s32 v17, v22;
	_ =	sdelay $0x4  }
0xe2: {  	[tilespmem:v22+s11+$0x0] =	vst.idx.msk vm11, v2  }
0xe3: {  	v22 =	vld [tilespmem:$0x240];
	_ =	sdelay $0x4  }
0xe4: {  	vm12 =	vgt.s32 v22, $0x0  }
0xe5: {  	v22 =	vadd.s32 v18, v22;
	_ =	sdelay $0x4  }
0xe6: {  	[tilespmem:v22+s11+$0x0] =	vst.idx.msk vm12, v2  }
0xe7: {  	v22 =	vld [tilespmem:$0x250];
	_ =	sdelay $0x4  }
0xe8: {  	vm13 =	vgt.s32 v22, $0x0  }
0xe9: {  	v22 =	vadd.s32 v19, v22;
	_ =	sdelay $0x4  }
0xea: {  	[tilespmem:v22+s11+$0x0] =	vst.idx.msk vm13, v2  }
0xeb: {  	v22 =	vld [tilespmem:$0x260];
	_ =	sdelay $0x4  }
0xec: {  	vm14 =	vgt.s32 v22, $0x0  }
0xed: {  	v22 =	vadd.s32 v20, v22;
	_ =	sdelay $0x4  }
0xee: {  	[tilespmem:v22+s11+$0x0] =	vst.idx.msk vm14, v2  }
0xef: {  	v22 =	vld [tilespmem:$0x270];
	_ =	sdelay $0x4  }
0xf0: {  	vm15 =	vgt.s32 v22, $0x0  }
0xf1: {  	v22 =	vadd.s32 v21, v22;
	_ =	sdelay $0x4  }
0xf2: {  	s15 =	simm.s32 $0x280;
	[tilespmem:v22+s11+$0x0] =	vst.idx.msk vm15, v2  }
0xf3: {  	[hbm4b:s5+s14] =	stream.linear.scatter [tilespmem:s11], [sflag:$0x2], $0xA000, $0x38;
	[tilespmem:$0x1A400] =	vst v63  }
.LBB2_6:
0xf4: {  	_ =	swait.ge [sflag:s9], $0xA000  }
0xf5: {  	[sflag:s9] =	ssyncset.done $0x0  }
0xf6: {  	[sflag:s9] =	ssyncadd.s32 $0xFFFF6000  }
0xf7: {  	v22 =	vld [tilespmem:s15+$0xFFFFFD80];
	_ =	sdelay $0x4  }
0xf8: {  	vm0 =	vgt.s32 v22, $0x0  }
0xf9: {  	v22 =	vadd.s32 v1, v22;
	_ =	sdelay $0x4  }
0xfa: {  	[tilespmem:v22+s10+$0x0] =	vst.idx.msk vm0, v0  }
0xfb: {  	v22 =	vld [tilespmem:s15+$0xFFFFFD90];
	_ =	sdelay $0x4  }
0xfc: {  	vm9 =	vgt.s32 v22, $0x0  }
0xfd: {  	v22 =	vadd.s32 v3, v22;
	_ =	sdelay $0x4  }
0xfe: {  	[tilespmem:v22+s10+$0x0] =	vst.idx.msk vm9, v0  }
0xff: {  	v22 =	vld [tilespmem:s15+$0xFFFFFDA0];
	_ =	sdelay $0x4  }
0x100: {  	vm10 =	vgt.s32 v22, $0x0  }
0x101: {  	v22 =	vadd.s32 v4, v22;
	_ =	sdelay $0x4  }
0x102: {  	[tilespmem:v22+s10+$0x0] =	vst.idx.msk vm10, v0  }
0x103: {  	v22 =	vld [tilespmem:s15+$0xFFFFFDB0];
	_ =	sdelay $0x4  }
0x104: {  	vm11 =	vgt.s32 v22, $0x0  }
0x105: {  	v22 =	vadd.s32 v5, v22;
	_ =	sdelay $0x4  }
0x106: {  	[tilespmem:v22+s10+$0x0] =	vst.idx.msk vm11, v0  }
0x107: {  	v22 =	vld [tilespmem:s15+$0xFFFFFDC0];
	_ =	sdelay $0x4  }
0x108: {  	vm12 =	vgt.s32 v22, $0x0  }
0x109: {  	v22 =	vadd.s32 v6, v22;
	_ =	sdelay $0x4  }
0x10a: {  	[tilespmem:v22+s10+$0x0] =	vst.idx.msk vm12, v0  }
0x10b: {  	v22 =	vld [tilespmem:s15+$0xFFFFFDD0];
	_ =	sdelay $0x4  }
0x10c: {  	vm13 =	vgt.s32 v22, $0x0  }
0x10d: {  	v22 =	vadd.s32 v7, v22;
	_ =	sdelay $0x4  }
0x10e: {  	[tilespmem:v22+s10+$0x0] =	vst.idx.msk vm13, v0  }
0x10f: {  	v22 =	vld [tilespmem:s15+$0xFFFFFDE0];
	_ =	sdelay $0x4  }
0x110: {  	vm14 =	vgt.s32 v22, $0x0  }
0x111: {  	v22 =	vadd.s32 v8, v22;
	_ =	sdelay $0x4  }
0x112: {  	[tilespmem:v22+s10+$0x0] =	vst.idx.msk vm14, v0  }
0x113: {  	v22 =	vld [tilespmem:s15+$0xFFFFFDF0];
	_ =	sdelay $0x4  }
0x114: {  	vm15 =	vgt.s32 v22, $0x0  }
0x115: {  	v22 =	vadd.s32 v9, v22;
	_ =	sdelay $0x4  }
0x116: {  	[tilespmem:v22+s10+$0x0] =	vst.idx.msk vm15, v0  }
0x117: {  	v22 =	vld [tilespmem:s15+$0xFFFFFE00];
	_ =	sdelay $0x4  }
0x118: {  	vm4 =	vgt.s32 v22, $0x0  }
0x119: {  	v22 =	vadd.s32 v10, v22;
	_ =	sdelay $0x4  }
0x11a: {  	[tilespmem:v22+s10+$0x0] =	vst.idx.msk vm4, v0  }
0x11b: {  	v22 =	vld [tilespmem:s15+$0xFFFFFE10];
	_ =	sdelay $0x4  }
0x11c: {  	vm5 =	vgt.s32 v22, $0x0  }
0x11d: {  	v22 =	vadd.s32 v11, v22;
	_ =	sdelay $0x4  }
0x11e: {  	[tilespmem:v22+s10+$0x0] =	vst.idx.msk vm5, v0  }
0x11f: {  	v22 =	vld [tilespmem:s15+$0xFFFFFE20];
	_ =	sdelay $0x4  }
0x120: {  	vm6 =	vgt.s32 v22, $0x0  }
0x121: {  	v22 =	vadd.s32 v12, v22;
	_ =	sdelay $0x4  }
0x122: {  	[tilespmem:v22+s10+$0x0] =	vst.idx.msk vm6, v0  }
0x123: {  	v22 =	vld [tilespmem:s15+$0xFFFFFE30];
	_ =	sdelay $0x4  }
0x124: {  	vm7 =	vgt.s32 v22, $0x0  }
0x125: {  	v22 =	vadd.s32 v13, v22;
	_ =	sdelay $0x4  }
0x126: {  	[tilespmem:v22+s10+$0x0] =	vst.idx.msk vm7, v0  }
0x127: {  	v22 =	vld [tilespmem:s15+$0xFFFFFE40];
	_ =	sdelay $0x4  }
0x128: {  	vm8 =	vgt.s32 v22, $0x0  }
0x129: {  	v22 =	vadd.s32 v14, v22;
	_ =	sdelay $0x4  }
0x12a: {  	[tilespmem:v22+s10+$0x0] =	vst.idx.msk vm8, v0  }
0x12b: {  	v22 =	vld [tilespmem:s15+$0xFFFFFE50];
	_ =	sdelay $0x4  }
0x12c: {  	vm9 =	vgt.s32 v22, $0x0  }
0x12d: {  	v22 =	vadd.s32 v15, v22;
	_ =	sdelay $0x4  }
0x12e: {  	[tilespmem:v22+s10+$0x0] =	vst.idx.msk vm9, v0  }
0x12f: {  	v22 =	vld [tilespmem:s15+$0xFFFFFE60];
	_ =	sdelay $0x4  }
0x130: {  	vm10 =	vgt.s32 v22, $0x0  }
0x131: {  	v22 =	vadd.s32 v16, v22;
	_ =	sdelay $0x4  }
0x132: {  	[tilespmem:v22+s10+$0x0] =	vst.idx.msk vm10, v0  }
0x133: {  	v22 =	vld [tilespmem:s15+$0xFFFFFE70];
	_ =	sdelay $0x4  }
0x134: {  	vm11 =	vgt.s32 v22, $0x0  }
0x135: {  	v22 =	vadd.s32 v17, v22;
	_ =	sdelay $0x4  }
0x136: {  	[tilespmem:v22+s10+$0x0] =	vst.idx.msk vm11, v0  }
0x137: {  	v22 =	vld [tilespmem:s15+$0xFFFFFE80];
	_ =	sdelay $0x4  }
0x138: {  	vm12 =	vgt.s32 v22, $0x0  }
0x139: {  	v22 =	vadd.s32 v18, v22;
	_ =	sdelay $0x4  }
0x13a: {  	[tilespmem:v22+s10+$0x0] =	vst.idx.msk vm12, v0  }
0x13b: {  	v22 =	vld [tilespmem:s15+$0xFFFFFE90];
	_ =	sdelay $0x4  }
0x13c: {  	vm13 =	vgt.s32 v22, $0x0  }
0x13d: {  	v22 =	vadd.s32 v19, v22;
	_ =	sdelay $0x4  }
0x13e: {  	[tilespmem:v22+s10+$0x0] =	vst.idx.msk vm13, v0  }
0x13f: {  	v22 =	vld [tilespmem:s15+$0xFFFFFEA0];
	_ =	sdelay $0x4  }
0x140: {  	vm14 =	vgt.s32 v22, $0x0  }
0x141: {  	v22 =	vadd.s32 v20, v22;
	_ =	sdelay $0x4  }
0x142: {  	[tilespmem:v22+s10+$0x0] =	vst.idx.msk vm14, v0  }
0x143: {  	v22 =	vld [tilespmem:s15+$0xFFFFFEB0];
	_ =	sdelay $0x4  }
0x144: {  	vm15 =	vgt.s32 v22, $0x0  }
0x145: {  	v22 =	vadd.s32 v21, v22;
	_ =	sdelay $0x4  }
0x146: {  	[tilespmem:v22+s10+$0x0] =	vst.idx.msk vm15, v0  }
0x147: {  	v22 =	vld [tilespmem:s15+$0x0];
	_ =	sdelay $0x4  }
0x148: {  	vm4 =	vgt.s32 v22, $0x0  }
0x149: {  	v22 =	vadd.s32 v1, v22;
	_ =	sdelay $0x4  }
0x14a: {  	[tilespmem:v22+s10+$0x0] =	vst.idx.msk vm4, v2  }
0x14b: {  	v22 =	vld [tilespmem:s15+$0x10];
	_ =	sdelay $0x4  }
0x14c: {  	vm5 =	vgt.s32 v22, $0x0  }
0x14d: {  	v22 =	vadd.s32 v3, v22;
	_ =	sdelay $0x4  }
0x14e: {  	[tilespmem:v22+s10+$0x0] =	vst.idx.msk vm5, v2  }
0x14f: {  	v22 =	vld [tilespmem:s15+$0x20];
	_ =	sdelay $0x4  }
0x150: {  	vm6 =	vgt.s32 v22, $0x0  }
0x151: {  	v22 =	vadd.s32 v4, v22;
	_ =	sdelay $0x4  }
0x152: {  	[tilespmem:v22+s10+$0x0] =	vst.idx.msk vm6, v2  }
0x153: {  	v22 =	vld [tilespmem:s15+$0x30];
	_ =	sdelay $0x4  }
0x154: {  	vm7 =	vgt.s32 v22, $0x0  }
0x155: {  	v22 =	vadd.s32 v5, v22;
	_ =	sdelay $0x4  }
0x156: {  	[tilespmem:v22+s10+$0x0] =	vst.idx.msk vm7, v2  }
0x157: {  	v22 =	vld [tilespmem:s15+$0x40];
	_ =	sdelay $0x4  }
0x158: {  	vm8 =	vgt.s32 v22, $0x0  }
0x159: {  	v22 =	vadd.s32 v6, v22;
	_ =	sdelay $0x4  }
0x15a: {  	[tilespmem:v22+s10+$0x0] =	vst.idx.msk vm8, v2  }
0x15b: {  	v22 =	vld [tilespmem:s15+$0x50];
	_ =	sdelay $0x4  }
0x15c: {  	vm9 =	vgt.s32 v22, $0x0  }
0x15d: {  	v22 =	vadd.s32 v7, v22;
	_ =	sdelay $0x4  }
0x15e: {  	[tilespmem:v22+s10+$0x0] =	vst.idx.msk vm9, v2  }
0x15f: {  	v22 =	vld [tilespmem:s15+$0x60];
	_ =	sdelay $0x4  }
0x160: {  	vm10 =	vgt.s32 v22, $0x0  }
0x161: {  	v22 =	vadd.s32 v8, v22;
	_ =	sdelay $0x4  }
0x162: {  	[tilespmem:v22+s10+$0x0] =	vst.idx.msk vm10, v2  }
0x163: {  	v22 =	vld [tilespmem:s15+$0x70];
	_ =	sdelay $0x4  }
0x164: {  	vm11 =	vgt.s32 v22, $0x0  }
0x165: {  	v22 =	vadd.s32 v9, v22;
	_ =	sdelay $0x4  }
0x166: {  	[tilespmem:v22+s10+$0x0] =	vst.idx.msk vm11, v2  }
0x167: {  	v22 =	vld [tilespmem:s15+$0x80];
	_ =	sdelay $0x4  }
0x168: {  	vm12 =	vgt.s32 v22, $0x0  }
0x169: {  	v22 =	vadd.s32 v10, v22;
	_ =	sdelay $0x4  }
0x16a: {  	[tilespmem:v22+s10+$0x0] =	vst.idx.msk vm12, v2  }
0x16b: {  	v22 =	vld [tilespmem:s15+$0x90];
	_ =	sdelay $0x4  }
0x16c: {  	vm13 =	vgt.s32 v22, $0x0  }
0x16d: {  	v22 =	vadd.s32 v11, v22;
	_ =	sdelay $0x4  }
0x16e: {  	[tilespmem:v22+s10+$0x0] =	vst.idx.msk vm13, v2  }
0x16f: {  	v22 =	vld [tilespmem:s15+$0xA0];
	_ =	sdelay $0x4  }
0x170: {  	vm14 =	vgt.s32 v22, $0x0  }
0x171: {  	v22 =	vadd.s32 v12, v22;
	_ =	sdelay $0x4  }
0x172: {  	[tilespmem:v22+s10+$0x0] =	vst.idx.msk vm14, v2  }
0x173: {  	v22 =	vld [tilespmem:s15+$0xB0];
	_ =	sdelay $0x4  }
0x174: {  	vm15 =	vgt.s32 v22, $0x0  }
0x175: {  	v22 =	vadd.s32 v13, v22;
	_ =	sdelay $0x4  }
0x176: {  	[tilespmem:v22+s10+$0x0] =	vst.idx.msk vm15, v2  }
0x177: {  	v22 =	vld [tilespmem:s15+$0xC0];
	_ =	sdelay $0x4  }
0x178: {  	vm4 =	vgt.s32 v22, $0x0  }
0x179: {  	v22 =	vadd.s32 v14, v22;
	_ =	sdelay $0x4  }
0x17a: {  	[tilespmem:v22+s10+$0x0] =	vst.idx.msk vm4, v2  }
0x17b: {  	v22 =	vld [tilespmem:s15+$0xD0];
	_ =	sdelay $0x4  }
0x17c: {  	vm5 =	vgt.s32 v22, $0x0  }
0x17d: {  	v22 =	vadd.s32 v15, v22;
	_ =	sdelay $0x4  }
0x17e: {  	[tilespmem:v22+s10+$0x0] =	vst.idx.msk vm5, v2  }
0x17f: {  	v22 =	vld [tilespmem:s15+$0xE0];
	_ =	sdelay $0x4  }
0x180: {  	vm6 =	vgt.s32 v22, $0x0  }
0x181: {  	v22 =	vadd.s32 v16, v22;
	_ =	sdelay $0x4  }
0x182: {  	[tilespmem:v22+s10+$0x0] =	vst.idx.msk vm6, v2  }
0x183: {  	v22 =	vld [tilespmem:s15+$0xF0];
	_ =	sdelay $0x4  }
0x184: {  	vm7 =	vgt.s32 v22, $0x0  }
0x185: {  	v22 =	vadd.s32 v17, v22;
	_ =	sdelay $0x4  }
0x186: {  	[tilespmem:v22+s10+$0x0] =	vst.idx.msk vm7, v2  }
0x187: {  	v22 =	vld [tilespmem:s15+$0x100];
	_ =	sdelay $0x4  }
0x188: {  	vm8 =	vgt.s32 v22, $0x0  }
0x189: {  	v22 =	vadd.s32 v18, v22;
	_ =	sdelay $0x4  }
0x18a: {  	[tilespmem:v22+s10+$0x0] =	vst.idx.msk vm8, v2  }
0x18b: {  	v22 =	vld [tilespmem:s15+$0x110];
	_ =	sdelay $0x4  }
0x18c: {  	vm9 =	vgt.s32 v22, $0x0  }
0x18d: {  	v22 =	vadd.s32 v19, v22;
	_ =	sdelay $0x4  }
0x18e: {  	[tilespmem:v22+s10+$0x0] =	vst.idx.msk vm9, v2  }
0x18f: {  	v22 =	vld [tilespmem:s15+$0x120];
	_ =	sdelay $0x4  }
0x190: {  	vm10 =	vgt.s32 v22, $0x0  }
0x191: {  	v22 =	vadd.s32 v20, v22;
	_ =	sdelay $0x4  }
0x192: {  	[tilespmem:v22+s10+$0x0] =	vst.idx.msk vm10, v2  }
0x193: {  	v22 =	vld [tilespmem:s15+$0x130];
	_ =	sdelay $0x4  }
0x194: {  	vm11 =	vgt.s32 v22, $0x0  }
0x195: {  	v22 =	vadd.s32 v21, v22;
	_ =	sdelay $0x4  }
0x196: {  	s16 =	sadd.s32 s14, s8;
	[tilespmem:v22+s10+$0x0] =	vst.idx.msk vm11, v2  }
0x197: {  	[hbm4b:s16+s2] =	stream.linear.scatter [tilespmem:s10], [sflag:$0x1], $0xA000, $0x38;
	[tilespmem:$0x1A400] =	vst v63  }
0x198: {  	_ =	swait.ge [sflag:s12], $0xA000  }
0x199: {  	[sflag:s12] =	ssyncset.done $0x0  }
0x19a: {  	[sflag:s12] =	ssyncadd.s32 $0xFFFF6000  }
0x19b: {  	v22 =	vld [tilespmem:s15+$0xFFFFFEC0];
	_ =	sdelay $0x4  }
0x19c: {  	vm12 =	vgt.s32 v22, $0x0  }
0x19d: {  	v22 =	vadd.s32 v1, v22;
	_ =	sdelay $0x4  }
0x19e: {  	[tilespmem:v22+s11+$0x0] =	vst.idx.msk vm12, v0  }
0x19f: {  	v22 =	vld [tilespmem:s15+$0xFFFFFED0];
	_ =	sdelay $0x4  }
0x1a0: {  	vm13 =	vgt.s32 v22, $0x0  }
0x1a1: {  	v22 =	vadd.s32 v3, v22;
	_ =	sdelay $0x4  }
0x1a2: {  	[tilespmem:v22+s11+$0x0] =	vst.idx.msk vm13, v0  }
0x1a3: {  	v22 =	vld [tilespmem:s15+$0xFFFFFEE0];
	_ =	sdelay $0x4  }
0x1a4: {  	vm14 =	vgt.s32 v22, $0x0  }
0x1a5: {  	v22 =	vadd.s32 v4, v22;
	_ =	sdelay $0x4  }
0x1a6: {  	[tilespmem:v22+s11+$0x0] =	vst.idx.msk vm14, v0  }
0x1a7: {  	v22 =	vld [tilespmem:s15+$0xFFFFFEF0];
	_ =	sdelay $0x4  }
0x1a8: {  	vm15 =	vgt.s32 v22, $0x0  }
0x1a9: {  	v22 =	vadd.s32 v5, v22;
	_ =	sdelay $0x4  }
0x1aa: {  	[tilespmem:v22+s11+$0x0] =	vst.idx.msk vm15, v0  }
0x1ab: {  	v22 =	vld [tilespmem:s15+$0xFFFFFF00];
	_ =	sdelay $0x4  }
0x1ac: {  	vm4 =	vgt.s32 v22, $0x0  }
0x1ad: {  	v22 =	vadd.s32 v6, v22;
	_ =	sdelay $0x4  }
0x1ae: {  	[tilespmem:v22+s11+$0x0] =	vst.idx.msk vm4, v0  }
0x1af: {  	v22 =	vld [tilespmem:s15+$0xFFFFFF10];
	_ =	sdelay $0x4  }
0x1b0: {  	vm5 =	vgt.s32 v22, $0x0  }
0x1b1: {  	v22 =	vadd.s32 v7, v22;
	_ =	sdelay $0x4  }
0x1b2: {  	[tilespmem:v22+s11+$0x0] =	vst.idx.msk vm5, v0  }
0x1b3: {  	v22 =	vld [tilespmem:s15+$0xFFFFFF20];
	_ =	sdelay $0x4  }
0x1b4: {  	vm6 =	vgt.s32 v22, $0x0  }
0x1b5: {  	v22 =	vadd.s32 v8, v22;
	_ =	sdelay $0x4  }
0x1b6: {  	[tilespmem:v22+s11+$0x0] =	vst.idx.msk vm6, v0  }
0x1b7: {  	v22 =	vld [tilespmem:s15+$0xFFFFFF30];
	_ =	sdelay $0x4  }
0x1b8: {  	vm7 =	vgt.s32 v22, $0x0  }
0x1b9: {  	v22 =	vadd.s32 v9, v22;
	_ =	sdelay $0x4  }
0x1ba: {  	[tilespmem:v22+s11+$0x0] =	vst.idx.msk vm7, v0  }
0x1bb: {  	v22 =	vld [tilespmem:s15+$0xFFFFFF40];
	_ =	sdelay $0x4  }
0x1bc: {  	vm8 =	vgt.s32 v22, $0x0  }
0x1bd: {  	v22 =	vadd.s32 v10, v22;
	_ =	sdelay $0x4  }
0x1be: {  	[tilespmem:v22+s11+$0x0] =	vst.idx.msk vm8, v0  }
0x1bf: {  	v22 =	vld [tilespmem:s15+$0xFFFFFF50];
	_ =	sdelay $0x4  }
0x1c0: {  	vm9 =	vgt.s32 v22, $0x0  }
0x1c1: {  	v22 =	vadd.s32 v11, v22;
	_ =	sdelay $0x4  }
0x1c2: {  	[tilespmem:v22+s11+$0x0] =	vst.idx.msk vm9, v0  }
0x1c3: {  	v22 =	vld [tilespmem:s15+$0xFFFFFF60];
	_ =	sdelay $0x4  }
0x1c4: {  	vm10 =	vgt.s32 v22, $0x0  }
0x1c5: {  	v22 =	vadd.s32 v12, v22;
	_ =	sdelay $0x4  }
0x1c6: {  	[tilespmem:v22+s11+$0x0] =	vst.idx.msk vm10, v0  }
0x1c7: {  	v22 =	vld [tilespmem:s15+$0xFFFFFF70];
	_ =	sdelay $0x4  }
0x1c8: {  	vm11 =	vgt.s32 v22, $0x0  }
0x1c9: {  	v22 =	vadd.s32 v13, v22;
	_ =	sdelay $0x4  }
0x1ca: {  	[tilespmem:v22+s11+$0x0] =	vst.idx.msk vm11, v0  }
0x1cb: {  	v22 =	vld [tilespmem:s15+$0xFFFFFF80];
	_ =	sdelay $0x4  }
0x1cc: {  	vm12 =	vgt.s32 v22, $0x0  }
0x1cd: {  	v22 =	vadd.s32 v14, v22;
	_ =	sdelay $0x4  }
0x1ce: {  	[tilespmem:v22+s11+$0x0] =	vst.idx.msk vm12, v0  }
0x1cf: {  	v22 =	vld [tilespmem:s15+$0xFFFFFF90];
	_ =	sdelay $0x4  }
0x1d0: {  	vm13 =	vgt.s32 v22, $0x0  }
0x1d1: {  	v22 =	vadd.s32 v15, v22;
	_ =	sdelay $0x4  }
0x1d2: {  	[tilespmem:v22+s11+$0x0] =	vst.idx.msk vm13, v0  }
0x1d3: {  	v22 =	vld [tilespmem:s15+$0xFFFFFFA0];
	_ =	sdelay $0x4  }
0x1d4: {  	vm14 =	vgt.s32 v22, $0x0  }
0x1d5: {  	v22 =	vadd.s32 v16, v22;
	_ =	sdelay $0x4  }
0x1d6: {  	[tilespmem:v22+s11+$0x0] =	vst.idx.msk vm14, v0  }
0x1d7: {  	v22 =	vld [tilespmem:s15+$0xFFFFFFB0];
	_ =	sdelay $0x4  }
0x1d8: {  	vm15 =	vgt.s32 v22, $0x0  }
0x1d9: {  	v22 =	vadd.s32 v17, v22;
	_ =	sdelay $0x4  }
0x1da: {  	[tilespmem:v22+s11+$0x0] =	vst.idx.msk vm15, v0  }
0x1db: {  	v22 =	vld [tilespmem:s15+$0xFFFFFFC0];
	_ =	sdelay $0x4  }
0x1dc: {  	vm4 =	vgt.s32 v22, $0x0  }
0x1dd: {  	v22 =	vadd.s32 v18, v22;
	_ =	sdelay $0x4  }
0x1de: {  	[tilespmem:v22+s11+$0x0] =	vst.idx.msk vm4, v0  }
0x1df: {  	v22 =	vld [tilespmem:s15+$0xFFFFFFD0];
	_ =	sdelay $0x4  }
0x1e0: {  	vm5 =	vgt.s32 v22, $0x0  }
0x1e1: {  	v22 =	vadd.s32 v19, v22;
	_ =	sdelay $0x4  }
0x1e2: {  	[tilespmem:v22+s11+$0x0] =	vst.idx.msk vm5, v0  }
0x1e3: {  	v22 =	vld [tilespmem:s15+$0xFFFFFFE0];
	_ =	sdelay $0x4  }
0x1e4: {  	vm6 =	vgt.s32 v22, $0x0  }
0x1e5: {  	v22 =	vadd.s32 v20, v22;
	_ =	sdelay $0x4  }
0x1e6: {  	[tilespmem:v22+s11+$0x0] =	vst.idx.msk vm6, v0  }
0x1e7: {  	v22 =	vld [tilespmem:s15+$0xFFFFFFF0];
	_ =	sdelay $0x4  }
0x1e8: {  	vm7 =	vgt.s32 v22, $0x0  }
0x1e9: {  	v22 =	vadd.s32 v21, v22;
	_ =	sdelay $0x4  }
0x1ea: {  	[tilespmem:v22+s11+$0x0] =	vst.idx.msk vm7, v0  }
0x1eb: {  	v22 =	vld [tilespmem:s15+$0x140];
	_ =	sdelay $0x4  }
0x1ec: {  	vm8 =	vgt.s32 v22, $0x0  }
0x1ed: {  	v22 =	vadd.s32 v1, v22;
	_ =	sdelay $0x4  }
0x1ee: {  	[tilespmem:v22+s11+$0x0] =	vst.idx.msk vm8, v2  }
0x1ef: {  	v22 =	vld [tilespmem:s15+$0x150];
	_ =	sdelay $0x4  }
0x1f0: {  	vm9 =	vgt.s32 v22, $0x0  }
0x1f1: {  	v22 =	vadd.s32 v3, v22;
	_ =	sdelay $0x4  }
0x1f2: {  	[tilespmem:v22+s11+$0x0] =	vst.idx.msk vm9, v2  }
0x1f3: {  	v22 =	vld [tilespmem:s15+$0x160];
	_ =	sdelay $0x4  }
0x1f4: {  	vm10 =	vgt.s32 v22, $0x0  }
0x1f5: {  	v22 =	vadd.s32 v4, v22;
	_ =	sdelay $0x4  }
0x1f6: {  	[tilespmem:v22+s11+$0x0] =	vst.idx.msk vm10, v2  }
0x1f7: {  	v22 =	vld [tilespmem:s15+$0x170];
	_ =	sdelay $0x4  }
0x1f8: {  	vm11 =	vgt.s32 v22, $0x0  }
0x1f9: {  	v22 =	vadd.s32 v5, v22;
	_ =	sdelay $0x4  }
0x1fa: {  	[tilespmem:v22+s11+$0x0] =	vst.idx.msk vm11, v2  }
0x1fb: {  	v22 =	vld [tilespmem:s15+$0x180];
	_ =	sdelay $0x4  }
0x1fc: {  	vm12 =	vgt.s32 v22, $0x0  }
0x1fd: {  	v22 =	vadd.s32 v6, v22;
	_ =	sdelay $0x4  }
0x1fe: {  	[tilespmem:v22+s11+$0x0] =	vst.idx.msk vm12, v2  }
0x1ff: {  	v22 =	vld [tilespmem:s15+$0x190];
	_ =	sdelay $0x4  }
0x200: {  	vm13 =	vgt.s32 v22, $0x0  }
0x201: {  	v22 =	vadd.s32 v7, v22;
	_ =	sdelay $0x4  }
0x202: {  	[tilespmem:v22+s11+$0x0] =	vst.idx.msk vm13, v2  }
0x203: {  	v22 =	vld [tilespmem:s15+$0x1A0];
	_ =	sdelay $0x4  }
0x204: {  	vm14 =	vgt.s32 v22, $0x0  }
0x205: {  	v22 =	vadd.s32 v8, v22;
	_ =	sdelay $0x4  }
0x206: {  	[tilespmem:v22+s11+$0x0] =	vst.idx.msk vm14, v2  }
0x207: {  	v22 =	vld [tilespmem:s15+$0x1B0];
	_ =	sdelay $0x4  }
0x208: {  	vm15 =	vgt.s32 v22, $0x0  }
0x209: {  	v22 =	vadd.s32 v9, v22;
	_ =	sdelay $0x4  }
0x20a: {  	[tilespmem:v22+s11+$0x0] =	vst.idx.msk vm15, v2  }
0x20b: {  	v22 =	vld [tilespmem:s15+$0x1C0];
	_ =	sdelay $0x4  }
0x20c: {  	vm4 =	vgt.s32 v22, $0x0  }
0x20d: {  	v22 =	vadd.s32 v10, v22;
	_ =	sdelay $0x4  }
0x20e: {  	[tilespmem:v22+s11+$0x0] =	vst.idx.msk vm4, v2  }
0x20f: {  	v22 =	vld [tilespmem:s15+$0x1D0];
	_ =	sdelay $0x4  }
0x210: {  	vm5 =	vgt.s32 v22, $0x0  }
0x211: {  	v22 =	vadd.s32 v11, v22;
	_ =	sdelay $0x4  }
0x212: {  	[tilespmem:v22+s11+$0x0] =	vst.idx.msk vm5, v2  }
0x213: {  	v22 =	vld [tilespmem:s15+$0x1E0];
	_ =	sdelay $0x4  }
0x214: {  	vm6 =	vgt.s32 v22, $0x0  }
0x215: {  	v22 =	vadd.s32 v12, v22;
	_ =	sdelay $0x4  }
0x216: {  	[tilespmem:v22+s11+$0x0] =	vst.idx.msk vm6, v2  }
0x217: {  	v22 =	vld [tilespmem:s15+$0x1F0];
	_ =	sdelay $0x4  }
0x218: {  	vm7 =	vgt.s32 v22, $0x0  }
0x219: {  	v22 =	vadd.s32 v13, v22;
	_ =	sdelay $0x4  }
0x21a: {  	[tilespmem:v22+s11+$0x0] =	vst.idx.msk vm7, v2  }
0x21b: {  	v22 =	vld [tilespmem:s15+$0x200];
	_ =	sdelay $0x4  }
0x21c: {  	vm8 =	vgt.s32 v22, $0x0  }
0x21d: {  	v22 =	vadd.s32 v14, v22;
	_ =	sdelay $0x4  }
0x21e: {  	[tilespmem:v22+s11+$0x0] =	vst.idx.msk vm8, v2  }
0x21f: {  	v22 =	vld [tilespmem:s15+$0x210];
	_ =	sdelay $0x4  }
0x220: {  	vm9 =	vgt.s32 v22, $0x0  }
0x221: {  	v22 =	vadd.s32 v15, v22;
	_ =	sdelay $0x4  }
0x222: {  	[tilespmem:v22+s11+$0x0] =	vst.idx.msk vm9, v2  }
0x223: {  	v22 =	vld [tilespmem:s15+$0x220];
	_ =	sdelay $0x4  }
0x224: {  	vm10 =	vgt.s32 v22, $0x0  }
0x225: {  	v22 =	vadd.s32 v16, v22;
	_ =	sdelay $0x4  }
0x226: {  	[tilespmem:v22+s11+$0x0] =	vst.idx.msk vm10, v2  }
0x227: {  	v22 =	vld [tilespmem:s15+$0x230];
	_ =	sdelay $0x4  }
0x228: {  	vm11 =	vgt.s32 v22, $0x0  }
0x229: {  	v22 =	vadd.s32 v17, v22;
	_ =	sdelay $0x4  }
0x22a: {  	[tilespmem:v22+s11+$0x0] =	vst.idx.msk vm11, v2  }
0x22b: {  	v22 =	vld [tilespmem:s15+$0x240];
	_ =	sdelay $0x4  }
0x22c: {  	vm12 =	vgt.s32 v22, $0x0  }
0x22d: {  	v22 =	vadd.s32 v18, v22;
	_ =	sdelay $0x4  }
0x22e: {  	[tilespmem:v22+s11+$0x0] =	vst.idx.msk vm12, v2  }
0x22f: {  	v22 =	vld [tilespmem:s15+$0x250];
	_ =	sdelay $0x4  }
0x230: {  	vm13 =	vgt.s32 v22, $0x0  }
0x231: {  	v22 =	vadd.s32 v19, v22;
	_ =	sdelay $0x4  }
0x232: {  	[tilespmem:v22+s11+$0x0] =	vst.idx.msk vm13, v2  }
0x233: {  	v22 =	vld [tilespmem:s15+$0x260];
	_ =	sdelay $0x4  }
0x234: {  	vm14 =	vgt.s32 v22, $0x0  }
0x235: {  	v22 =	vadd.s32 v20, v22;
	_ =	sdelay $0x4  }
0x236: {  	[tilespmem:v22+s11+$0x0] =	vst.idx.msk vm14, v2  }
0x237: {  	v22 =	vld [tilespmem:s15+$0x270];
	_ =	sdelay $0x4  }
0x238: {  	vm15 =	vgt.s32 v22, $0x0  }
0x239: {  	v22 =	vadd.s32 v21, v22  }
0x23a: {  	p0 =	sne.s32 s14, $0x5F000  }
.Ltmp2:
0x23b: {  	_ = 	snop;
	(pc) =	sbr.rel @p0 .LBB2_6-.Ltmp2, $3  }
0x23c: {  	_ =	sdelay $0x1  }
0x23d: {  	s31 =	sadd.s32 s14, s7;
	s14 =	sadd.s32 $0x2800, s14;
	s15 =	sadd.s32 $0x280, s15;
	[tilespmem:v22+s11+$0x0] =	vst.idx.msk vm15, v2  }
0x23e: {  	[hbm4b:s31+s2] =	stream.linear.scatter [tilespmem:s11], [sflag:$0x2], $0xA000, $0x38;
	[tilespmem:$0x1A400] =	vst v63  }
0x23f: {  	s13 =	sadd.s32 $0x1, s13  }
0x240: {  	_ =	swait.ge [sflag:s9], $0xA000;
	p0 =	sne.s32 s13, s6  }
.Ltmp3:
0x241: {  	[sflag:s9] =	ssyncset.done $0x0;
	(pc) =	sbr.rel @p0 .LBB2_1-.Ltmp3, $4  }
0x242: {  	[sflag:s9] =	ssyncadd.s32 $0xFFFF6000  }
0x243: {  	_ =	swait.ge [sflag:s12], $0xA000  }
0x244: {  	[sflag:s12] =	ssyncset.done $0x0  }
0x245: {  	[sflag:s12] =	ssyncadd.s32 $0xFFFF6000  }
0x246: {  	_ =	sfence.sel $0x180000  }
0x247: {  	[bflag:$0x0] =	sbarrier.arrive $0xFFFF  }
0x248: {  	p0 =	sne.s32 s0, $0x0;
	_ =	strace $0x90000047  }
0x249: {  	s0 =	sadd.s32 @!p0 $0x100000, s1;
	[bflag:$0x2] =	sbarrier.arrive $0xFFFF  }
0x24a: {  	[sflag:s0] =	ssyncadd.tile.s32 @!p0 $0x1;
	_ =	shalt  }
.Lfunc_end2:
_tile_overlayer_lowered:
.L_overlay_start_2:
0x24b: {  	(tag) =	ssettag $0x2  }
0x24c: {  	s0 =	rddreg [dreg:$0x0];
	s2 =	stileid.u32  }
0x24d: {  	s1 =	rddreg [dreg:$0x1];
	p0 =	sne.s32 s2, $0x0  }
0x24e: {  	s3 =	rddreg [dreg:$0x2];
	[bflag:$0x3] =	sbarrier.arrive $0xFFFF;
	s2 =	simm.s32 @!p0 $0x1C03  }
0x24f: {  	[timem:s3], [sflag:s2] =	dma.local @!p0 [hbm:s0], s1  }
0x250: {  	s0 =	simm.s32 @!p0 $0x3  }
0x251: {  	_ =	swait.ge @!p0 [sflag:s0], s1  }
0x252: {  	s1 =	ssub.s32 @!p0 $0x0, s1;
	[sflag:s0] =	ssyncset.done @!p0 $0x0  }
0x253: {  	[sflag:s0] =	ssyncadd.s32 @!p0 s1  }
0x254: {  	[bflag:$0x3] =	sbarrier.arrive $0xFFFF  }
0x255: {  	_ =	shalt  }

</sc_bundles>
